<compile_context>
chip_gen: v7x
topology: tpu7x:2x2x1
jax: 0.10.2.dev20260603
libtpu: 0.0.44.dev20260713+nightly
codegen_flags: <defaults>
</compile_context>

<pallas_src>
import functools

import jax
import jax.numpy as jnp
from jax import lax
from jax.experimental import pallas as pl
from jax.experimental.pallas import tpu as pltpu
from jax.experimental.pallas import tpu_sc as plsc

NUM_USERS = 8000
NUM_POIS = 2000
N_NODES = 10000
N_PAD = 10240
DIM = 128
POI_DIM = 256
N_EDGES = 320000
BATCH = 4096

NC = 2
NS = 16
NW = NC * NS
LANES = 16

EPW = N_EDGES // NW
CHUNK = 128
NFULL = EPW // CHUNK
TAIL = EPW - NFULL * CHUNK
ROWS_PER_TILE = N_PAD // NS
OUT_STEP = 128
NOUT = ROWS_PER_TILE // OUT_STEP
BPW = BATCH // NW
BPT = BATCH // NS

_MESH = plsc.VectorSubcoreMesh(core_axis_name="c", subcore_axis_name="s")
_SC_PARAMS = pltpu.CompilerParams(needs_layout_passes=False)



@functools.partial(
    pl.kernel,
    out_type=jax.ShapeDtypeStruct((NW * N_NODES,), jnp.float32),
    mesh=_MESH,
    scratch_types=[
        pltpu.VMEM((EPW,), jnp.int32),
        pltpu.VMEM((N_NODES,), jnp.float32),
    ],
    compiler_params=_SC_PARAMS,
)
def _deg_kernel(dst_hbm, degp_hbm, idx_v, deg_v):
    c = lax.axis_index("c")
    s = lax.axis_index("s")
    wid = s * NC + c

    zeros16 = jnp.zeros((LANES,), jnp.float32)

    def zero_body(i, carry):
        deg_v[pl.ds(i * LANES, LANES)] = zeros16
        return carry

    lax.fori_loop(0, N_NODES // LANES, zero_body, 0)

    pltpu.sync_copy(dst_hbm.at[pl.ds(wid * EPW, EPW)], idx_v)

    ones16 = jnp.ones((LANES,), jnp.float32)

    def hist_body(i, carry):
        idx = idx_v[pl.ds(i * LANES, LANES)]
        plsc.addupdate_scatter(deg_v, [idx], ones16)
        return carry

    lax.fori_loop(0, EPW // LANES, hist_body, 0)

    pltpu.sync_copy(deg_v, degp_hbm.at[pl.ds(wid * N_NODES, N_NODES)])


_AGG_SCRATCH = [
    pltpu.VMEM((EPW,), jnp.int32),
    pltpu.VMEM((CHUNK,), jnp.int32),
    pltpu.VMEM((CHUNK,), jnp.int32),
    pltpu.VMEM((TAIL,), jnp.int32),
    pltpu.VMEM((CHUNK, DIM), jnp.float32),
    pltpu.VMEM((CHUNK, DIM), jnp.float32),
    pltpu.VMEM_SHARED((N_PAD, DIM), jnp.float32),
    pltpu.SemaphoreType.DMA,
    pltpu.SemaphoreType.DMA,
    pltpu.SemaphoreType.DMA,
    pltpu.SemaphoreType.DMA,
]


def _edge_scatter_phase(g_hbm, src_hbm, dst_hbm, zeros_hbm, sidx_v,
                        didx_a, didx_b, didx_t, rows_a, rows_b, acc_sh,
                        sem_a, sem_b, sem_da, sem_db, s, wid):
    ebase = wid * EPW

    pltpu.sync_copy(zeros_hbm, rows_a)
    zdescs = [
        pltpu.async_copy(
            rows_a,
            acc_sh.at[pl.ds(s * ROWS_PER_TILE + t * OUT_STEP, OUT_STEP)],
            sem_a)
        for t in range(NOUT)
    ]
    pltpu.sync_copy(src_hbm.at[pl.ds(ebase, EPW)], sidx_v)
    for d in zdescs:
        d.wait()

    def gidx(j):
        return sidx_v.at[pl.ds(pl.multiple_of(j * CHUNK, 8), CHUNK)]

    def dsl(j):
        return dst_hbm.at[pl.ds(pl.multiple_of(ebase + j * CHUNK, 8), CHUNK)]

    pltpu.async_copy(g_hbm.at[gidx(0)], rows_a, sem_a)
    pltpu.async_copy(dsl(0), didx_a, sem_da)
    pltpu.async_copy(g_hbm.at[gidx(1)], rows_b, sem_b)
    pltpu.async_copy(dsl(1), didx_b, sem_db)

    plsc.subcore_barrier()

    def edge_body(i, carry):
        j = 2 * i
        pltpu.make_async_copy(g_hbm.at[gidx(0)], rows_a, sem_a).wait()
        pltpu.make_async_copy(dsl(0), didx_a, sem_da).wait()
        pltpu.sync_copy(rows_a, acc_sh.at[didx_a], add=True)

        @pl.when(j + 2 < NFULL)
        def _():
            pltpu.async_copy(g_hbm.at[gidx(j + 2)], rows_a, sem_a)
            pltpu.async_copy(dsl(j + 2), didx_a, sem_da)

        pltpu.make_async_copy(g_hbm.at[gidx(0)], rows_b, sem_b).wait()
        pltpu.make_async_copy(dsl(0), didx_b, sem_db).wait()
        pltpu.sync_copy(rows_b, acc_sh.at[didx_b], add=True)

        @pl.when(j + 3 < NFULL)
        def _():
            pltpu.async_copy(g_hbm.at[gidx(j + 3)], rows_b, sem_b)
            pltpu.async_copy(dsl(j + 3), didx_b, sem_db)

        return carry

    lax.fori_loop(0, NFULL // 2, edge_body, 0)

    toff = pl.multiple_of(ebase + NFULL * CHUNK, 8)
    pltpu.sync_copy(dst_hbm.at[pl.ds(toff, TAIL)], didx_t)
    trows = rows_a.at[pl.ds(0, TAIL)]
    tidx = sidx_v.at[pl.ds(pl.multiple_of(NFULL * CHUNK, 8), TAIL)]
    pltpu.async_copy(g_hbm.at[tidx], trows, sem_a).wait()
    pltpu.sync_copy(trows, acc_sh.at[didx_t], add=True)

    plsc.subcore_barrier()


@functools.partial(
    pl.kernel,
    out_type=(
        jax.ShapeDtypeStruct((N_PAD, DIM), jnp.float32),
        jax.ShapeDtypeStruct((N_PAD, DIM), jnp.float32),
    ),
    mesh=_MESH,
    scratch_types=list(_AGG_SCRATCH),
    compiler_params=_SC_PARAMS,
)
def _agg_kernel(g_hbm, src_hbm, dst_hbm, zeros_hbm, out_a, out_b,
                sidx_v, didx_a, didx_b, didx_t, rows_a, rows_b, acc_sh,
                sem_a, sem_b, sem_da, sem_db):
    c = lax.axis_index("c")
    s = lax.axis_index("s")
    wid = s * NC + c

    _edge_scatter_phase(g_hbm, src_hbm, dst_hbm, zeros_hbm, sidx_v,
                        didx_a, didx_b, didx_t, rows_a, rows_b, acc_sh,
                        sem_a, sem_b, sem_da, sem_db, s, wid)

    odescs = [None] * NOUT
    for t in range(NOUT):
        full, sem_t = (rows_a, sem_a) if t % 2 == 0 else (rows_b, sem_b)
        buf = full.at[pl.ds(0, OUT_STEP)]
        if t >= 2:
            odescs[t - 2].wait()
        r = s * ROWS_PER_TILE + t * OUT_STEP
        pltpu.sync_copy(acc_sh.at[pl.ds(r, OUT_STEP)], buf)

        @pl.when(c == 0)
        def _():
            pltpu.async_copy(buf, out_a.at[pl.ds(r, OUT_STEP)], sem_t)

        @pl.when(c == 1)
        def _():
            pltpu.async_copy(buf, out_b.at[pl.ds(r, OUT_STEP)], sem_t)

        odescs[t] = pltpu.make_async_copy(
            buf, out_a.at[pl.ds(r, OUT_STEP)], sem_t)
    odescs[NOUT - 2].wait()
    odescs[NOUT - 1].wait()


@functools.partial(
    pl.kernel,
    out_type=(
        jax.ShapeDtypeStruct((BATCH, DIM), jnp.float32),
        jax.ShapeDtypeStruct((BATCH, DIM), jnp.float32),
        jax.ShapeDtypeStruct((BATCH, DIM), jnp.float32),
        jax.ShapeDtypeStruct((BATCH, DIM), jnp.float32),
    ),
    mesh=_MESH,
    scratch_types=list(_AGG_SCRATCH) + [pltpu.VMEM((BPT,), jnp.int32)],
    compiler_params=_SC_PARAMS,
)
def _agg_gather_kernel(g_hbm, src_hbm, dst_hbm, zeros_hbm, ut, dinv128, uidx,
                       y1a, y1b, yu, yd,
                       sidx_v, didx_a, didx_b, didx_t, rows_a, rows_b, acc_sh,
                       sem_a, sem_b, sem_da, sem_db, uidx_v):
    c = lax.axis_index("c")
    s = lax.axis_index("s")
    wid = s * NC + c

    pltpu.sync_copy(uidx.at[pl.ds(s * BPT, BPT)], uidx_v)
    _edge_scatter_phase(g_hbm, src_hbm, dst_hbm, zeros_hbm, sidx_v,
                        didx_a, didx_b, didx_t, rows_a, rows_b, acc_sh,
                        sem_a, sem_b, sem_da, sem_db, s, wid)

    GSTEP = 64
    gbuf = rows_a.at[pl.ds(0, GSTEP)]
    for k in range(BPT // GSTEP):
        gslice = uidx_v.at[pl.ds(k * GSTEP, GSTEP)]
        pltpu.async_copy(acc_sh.at[gslice], gbuf, sem_a).wait()

        @pl.when(c == 0)
        def _():
            pltpu.async_copy(g_hbm.at[gslice], gbuf, sem_a, add=True).wait()
            pltpu.sync_copy(gbuf, y1a.at[pl.ds(s * BPT + k * GSTEP, GSTEP)])

        @pl.when(c == 1)
        def _():
            pltpu.sync_copy(gbuf, y1b.at[pl.ds(s * BPT + k * GSTEP, GSTEP)])

    hbuf = rows_b.at[pl.ds(0, GSTEP)]
    for tbl, outy in ((ut, yu), (dinv128, yd)):
        for k in range(BPW // GSTEP):
            off = c * BPW + k * GSTEP
            hslice = uidx_v.at[pl.ds(off, GSTEP)]
            pltpu.async_copy(tbl.at[hslice], hbuf, sem_b).wait()
            pltpu.sync_copy(
                hbuf, outy.at[pl.ds(wid * BPW + k * GSTEP, GSTEP)])



def _dense1_body(ut_ref, poi_ref, Wp_ref, bp_ref, Wg1_ref, degp_ref,
                 g1_ref, dinv16_ref, dinv128_ref):
    deg = jnp.sum(degp_ref[...], axis=0) + 1.0
    dinv = lax.rsqrt(deg)
    hp = jnp.dot(poi_ref[...], Wp_ref[...],
                 preferred_element_type=jnp.float32) + bp_ref[...]
    h1u = jnp.dot(ut_ref[...], Wg1_ref[...],
                  preferred_element_type=jnp.float32)
    h1p = jnp.dot(hp, Wg1_ref[...], preferred_element_type=jnp.float32)
    g1_ref[0:NUM_USERS, :] = h1u * dinv[0:NUM_USERS, None]
    g1_ref[NUM_USERS:N_NODES, :] = h1p * dinv[NUM_USERS:N_NODES, None]
    g1_ref[N_NODES:N_PAD, :] = jnp.zeros((N_PAD - N_NODES, DIM), jnp.float32)
    dinv16_ref[0:N_NODES, :] = jnp.broadcast_to(dinv[:, None],
                                                (N_NODES, LANES))
    dinv16_ref[N_NODES:N_PAD, :] = jnp.ones((N_PAD - N_NODES, LANES),
                                            jnp.float32)
    dinv128_ref[0:N_NODES, :] = jnp.broadcast_to(dinv[:, None],
                                                 (N_NODES, DIM))
    dinv128_ref[N_NODES:N_PAD, :] = jnp.ones((N_PAD - N_NODES, DIM),
                                             jnp.float32)


_dense1 = pl.pallas_call(
    _dense1_body,
    out_shape=(
        jax.ShapeDtypeStruct((N_PAD, DIM), jnp.float32),
        jax.ShapeDtypeStruct((N_PAD, LANES), jnp.float32),
        jax.ShapeDtypeStruct((N_PAD, DIM), jnp.float32),
    ),
)


def _dense2_body(sa_ref, sb_ref, g1_ref, dinv16_ref, bg1_ref, Wg2_ref,
                 g2_ref):
    dinv = dinv16_ref[:, 0:1]
    t = dinv * (sa_ref[...] + sb_ref[...] + g1_ref[...]) + bg1_ref[...]
    x1 = jnp.maximum(t, 0.2 * t)
    g2_ref[...] = jnp.dot(x1, Wg2_ref[...],
                          preferred_element_type=jnp.float32) * dinv


_dense2 = pl.pallas_call(
    _dense2_body,
    out_shape=jax.ShapeDtypeStruct((N_PAD, DIM), jnp.float32),
)


def _final_body(y1a_ref, y1b_ref, yu_ref, yd_ref, bg2_ref, Wf_ref, bf_ref,
                out_ref):
    t = yd_ref[...] * (y1a_ref[...] + y1b_ref[...]) + bg2_ref[...]
    x2 = jnp.maximum(t, 0.2 * t)
    out_ref[...] = jnp.dot(x2 + yu_ref[...], Wf_ref[...],
                           preferred_element_type=jnp.float32) + bf_ref[...]


_final = pl.pallas_call(
    _final_body,
    out_shape=jax.ShapeDtypeStruct((BATCH, DIM), jnp.float32),
)



@jax.jit
def kernel(user_idx, poi_embeddings, edge_index, user_table,
           Wp, bp, Wg1, bg1, Wg2, bg2, Wf, bf):
    src = edge_index[0].astype(jnp.int32)
    dst = edge_index[1].astype(jnp.int32)
    zeros = jnp.zeros((OUT_STEP, DIM), jnp.float32)
    uidx = user_idx.astype(jnp.int32)

    degp = _deg_kernel(dst).reshape(NW, N_NODES)
    g1, dinv16, dinv128 = _dense1(user_table, poi_embeddings, Wp, bp, Wg1,
                                  degp)
    s1a, s1b = _agg_kernel(g1, src, dst, zeros)
    g2 = _dense2(s1a, s1b, g1, dinv16, bg1, Wg2)
    y1a, y1b, yu, yd = _agg_gather_kernel(g2, src, dst, zeros,
                                          user_table, dinv128, uidx)
    return _final(y1a, y1b, yu, yd, bg2, Wf, bf)

# --- scband reference (transcript-rebuilt; emitter-appended) ---
"""Pipeline reference for scband-user-embeddings1-38465727103681 (READ-ONLY COPY).

The authoritative reference and input builder live on the scoring server;
editing this copy changes nothing except your own understanding.
"""

import jax, jax.numpy as jnp
import numpy as np

NUM_USERS = 8000
NUM_POIS = 2000
EMBED_DIM = 128
POI_DIM = 256
N_EDGES = 320000
BATCH = 4096


def setup_inputs(seed: int = 0) -> dict:
    key = jax.random.key(seed)
    ks = jax.random.split(key, 12)
    stdv = 1.0 / np.sqrt(EMBED_DIM)
    u = lambda k, shp: jax.random.uniform(k, shp, jnp.float32, -stdv, stdv)
    return {
        "user_idx": jax.random.randint(ks[0], (BATCH,), 0, NUM_USERS),
        "poi_embeddings": jax.random.normal(ks[1], (NUM_POIS, POI_DIM), jnp.float32),
        "edge_index": jax.random.randint(ks[2], (2, N_EDGES), 0, NUM_USERS + NUM_POIS),
        "user_table": u(ks[3], (NUM_USERS, EMBED_DIM)),
        "Wp": u(ks[4], (POI_DIM, EMBED_DIM)),
        "bp": u(ks[5], (EMBED_DIM,)),
        "Wg1": u(ks[6], (EMBED_DIM, EMBED_DIM)),
        "bg1": u(ks[7], (EMBED_DIM,)),
        "Wg2": u(ks[8], (EMBED_DIM, EMBED_DIM)),
        "bg2": u(ks[9], (EMBED_DIM,)),
        "Wf": u(ks[10], (EMBED_DIM, EMBED_DIM)),
        "bf": u(ks[11], (EMBED_DIM,)),
    }


def _gcn_conv(x, src, dst, n, W, b):
    # PyG GCNConv: linear transform, then sym-normalized aggregation (self-loops
    # already appended to src/dst by caller), then bias.
    h = x @ W
    deg = jnp.zeros((n,), x.dtype).at[dst].add(1.0)
    dinv = jnp.where(deg > 0, jax.lax.rsqrt(deg), 0.0)
    norm = dinv[src] * dinv[dst]
    out = jnp.zeros_like(h).at[dst].add(h[src] * norm[:, None])
    return out + b


def reference(user_idx, poi_embeddings, edge_index, user_table, Wp, bp, Wg1, bg1, Wg2, bg2, Wf, bf):
    n = NUM_USERS + NUM_POIS
    loop = jnp.arange(n, dtype=edge_index.dtype)
    src = jnp.concatenate([edge_index[0], loop])
    dst = jnp.concatenate([edge_index[1], loop])
    poi_feats = poi_embeddings @ Wp + bp
    x = jnp.concatenate([user_table, poi_feats], axis=0)
    x = jax.nn.leaky_relu(_gcn_conv(x, src, dst, n, Wg1, bg1), 0.2)
    # dropout p=0.2 is identity in eval mode
    x = jax.nn.leaky_relu(_gcn_conv(x, src, dst, n, Wg2, bg2), 0.2)
    updated_user_embeds = x[:NUM_USERS]
    batch_user_embeds = updated_user_embeds[user_idx]
    initial_user_embed = user_table[user_idx]
    out = batch_user_embeds + initial_user_embed
    return out @ Wf + bf

if __name__ == "__main__":
    import jax
    _d = setup_inputs()
    print(jax.jit(kernel)(*tuple(_d.values())))

</pallas_src>

<mosaic_0001>
#map = affine_map<(d0, d1) -> (0, 0)>
#map1 = affine_map<(d0, d1) -> (0)>
module attributes {stable_mosaic.version = 14 : i64} {
  func.func @_agg_gather_kernel(%arg0: i32, %arg1: i32, %arg2: memref<10240x128xf32, #tpu.memory_space<hbm>>, %arg3: memref<320000xi32, #tpu.memory_space<hbm>>, %arg4: memref<320000xi32, #tpu.memory_space<hbm>>, %arg5: memref<128x128xf32, #tpu.memory_space<hbm>>, %arg6: memref<8000x128xf32, #tpu.memory_space<hbm>>, %arg7: memref<10240x128xf32, #tpu.memory_space<hbm>>, %arg8: memref<4096xi32, #tpu.memory_space<hbm>>, %arg9: memref<4096x128xf32, #tpu.memory_space<hbm>>, %arg10: memref<4096x128xf32, #tpu.memory_space<hbm>>, %arg11: memref<4096x128xf32, #tpu.memory_space<hbm>>, %arg12: memref<4096x128xf32, #tpu.memory_space<hbm>>, %arg13: memref<10000xi32, #tpu.memory_space<vmem>>, %arg14: memref<128xi32, #tpu.memory_space<vmem>>, %arg15: memref<128xi32, #tpu.memory_space<vmem>>, %arg16: memref<16xi32, #tpu.memory_space<vmem>>, %arg17: memref<128x128xf32, #tpu.memory_space<vmem>>, %arg18: memref<128x128xf32, #tpu.memory_space<vmem>>, %arg19: memref<10240x128xf32, #tpu.memory_space<vmem_shared>>, %arg20: memref<!tpu.dma_semaphore, #tpu.memory_space<semaphore_mem>>, %arg21: memref<!tpu.dma_semaphore, #tpu.memory_space<semaphore_mem>>, %arg22: memref<!tpu.dma_semaphore, #tpu.memory_space<semaphore_mem>>, %arg23: memref<!tpu.dma_semaphore, #tpu.memory_space<semaphore_mem>>, %arg24: memref<256xi32, #tpu.memory_space<vmem>>) attributes {dimension_semantics = [#tpu.dimension_semantics<core_parallel>, #tpu.dimension_semantics<subcore_parallel>], iteration_bounds = array<i64: 2, 16>, scalar_prefetch = 0 : i64, scratch_operands = 12 : i64, tpu.core_type = #tpu.core_type<sc_vector_subcore>, window_params = [{transform_indices = #map}, {transform_indices = #map1}, {transform_indices = #map1}, {transform_indices = #map}, {transform_indices = #map}, {transform_indices = #map}, {transform_indices = #map1}, {transform_indices = #map}, {transform_indices = #map}, {transform_indices = #map}, {transform_indices = #map}]} {
    %mul3A = arith.constant 2 : i32
    %mul3A_0 = arith.muli %arg1, %mul3A : i32
    %add3A = arith.addi %mul3A_0, %arg0 : i32
    %mul3A_1 = arith.constant 256 : i32
    %mul3A_2 = arith.muli %arg1, %mul3A_1 : i32
    "tpu.region"() ({
      %run_scoped3A = tpu.sem_alloc : memref<!tpu.dma_semaphore, #tpu.memory_space<semaphore_mem>>
      %dma_start3A_298 = tpu.memref_slice %arg8[%mul3A_2] : memref<4096xi32, #tpu.memory_space<hbm>> -> memref<256xi32, #tpu.memory_space<hbm>>
      %dma_start3A_299 = tpu.memref_slice %arg8[%mul3A_2] : memref<4096xi32, #tpu.memory_space<hbm>> -> memref<256xi32, #tpu.memory_space<hbm>>
      tpu.enqueue_dma source(%dma_start3A_299 : memref<256xi32, #tpu.memory_space<hbm>>) target(%arg24 : memref<256xi32, #tpu.memory_space<vmem>>) target_semaphore(%run_scoped3A : memref<!tpu.dma_semaphore, #tpu.memory_space<semaphore_mem>>)
      %dma_wait3A_300 = tpu.memref_slice %arg8[%mul3A_2] : memref<4096xi32, #tpu.memory_space<hbm>> -> memref<256xi32, #tpu.memory_space<hbm>>
      %dma_wait3A_301 = tpu.memref_slice %arg8[%mul3A_2] : memref<4096xi32, #tpu.memory_space<hbm>> -> memref<256xi32, #tpu.memory_space<hbm>>
      tpu.wait_dma2 semaphore(%run_scoped3A : memref<!tpu.dma_semaphore, #tpu.memory_space<semaphore_mem>>) src(%dma_wait3A_301 : memref<256xi32, #tpu.memory_space<hbm>>) dst(%arg24 : memref<256xi32, #tpu.memory_space<vmem>>)
      tpu.yield
    }) : () -> ()
    %mul3A_3 = arith.constant 10000 : i32
    %mul3A_4 = arith.muli %add3A, %mul3A_3 : i32
    "tpu.region"() ({
      %run_scoped3A = tpu.sem_alloc : memref<!tpu.dma_semaphore, #tpu.memory_space<semaphore_mem>>
      tpu.enqueue_dma source(%arg5 : memref<128x128xf32, #tpu.memory_space<hbm>>) target(%arg17 : memref<128x128xf32, #tpu.memory_space<vmem>>) target_semaphore(%run_scoped3A : memref<!tpu.dma_semaphore, #tpu.memory_space<semaphore_mem>>)
      tpu.wait_dma2 semaphore(%run_scoped3A : memref<!tpu.dma_semaphore, #tpu.memory_space<semaphore_mem>>) src(%arg5 : memref<128x128xf32, #tpu.memory_space<hbm>>) dst(%arg17 : memref<128x128xf32, #tpu.memory_space<vmem>>)
      tpu.yield
    }) : () -> ()
    %mul3A_5 = arith.constant 640 : i32
    %mul3A_6 = arith.muli %arg1, %mul3A_5 : i32
    %add3A_7 = arith.constant 0 : i32
    %add3A_8 = arith.addi %mul3A_6, %add3A_7 : i32
    %dma_start3A = arith.constant 0 : i32
    %dma_start3A_9 = tpu.memref_slice %arg19[%add3A_8, %dma_start3A] : memref<10240x128xf32, #tpu.memory_space<vmem_shared>> -> memref<128x128xf32, #tpu.memory_space<vmem_shared>>
    %dma_start3A_10 = arith.constant 0 : i32
    %dma_start3A_11 = tpu.memref_slice %arg19[%add3A_8, %dma_start3A_10] : memref<10240x128xf32, #tpu.memory_space<vmem_shared>> -> memref<128x128xf32, #tpu.memory_space<vmem_shared>>
    tpu.enqueue_dma source(%arg17 : memref<128x128xf32, #tpu.memory_space<vmem>>) target(%dma_start3A_11 : memref<128x128xf32, #tpu.memory_space<vmem_shared>>) target_semaphore(%arg20 : memref<!tpu.dma_semaphore, #tpu.memory_space<semaphore_mem>>)
    %mul3A_12 = arith.constant 640 : i32
    %mul3A_13 = arith.muli %arg1, %mul3A_12 : i32
    %add3A_14 = arith.constant 128 : i32
    %add3A_15 = arith.addi %mul3A_13, %add3A_14 : i32
    %dma_start3A_16 = arith.constant 0 : i32
    %dma_start3A_17 = tpu.memref_slice %arg19[%add3A_15, %dma_start3A_16] : memref<10240x128xf32, #tpu.memory_space<vmem_shared>> -> memref<128x128xf32, #tpu.memory_space<vmem_shared>>
    %dma_start3A_18 = arith.constant 0 : i32
    %dma_start3A_19 = tpu.memref_slice %arg19[%add3A_15, %dma_start3A_18] : memref<10240x128xf32, #tpu.memory_space<vmem_shared>> -> memref<128x128xf32, #tpu.memory_space<vmem_shared>>
    tpu.enqueue_dma source(%arg17 : memref<128x128xf32, #tpu.memory_space<vmem>>) target(%dma_start3A_19 : memref<128x128xf32, #tpu.memory_space<vmem_shared>>) target_semaphore(%arg20 : memref<!tpu.dma_semaphore, #tpu.memory_space<semaphore_mem>>)
    %mul3A_20 = arith.constant 640 : i32
    %mul3A_21 = arith.muli %arg1, %mul3A_20 : i32
    %add3A_22 = arith.constant 256 : i32
    %add3A_23 = arith.addi %mul3A_21, %add3A_22 : i32
    %dma_start3A_24 = arith.constant 0 : i32
    %dma_start3A_25 = tpu.memref_slice %arg19[%add3A_23, %dma_start3A_24] : memref<10240x128xf32, #tpu.memory_space<vmem_shared>> -> memref<128x128xf32, #tpu.memory_space<vmem_shared>>
    %dma_start3A_26 = arith.constant 0 : i32
    %dma_start3A_27 = tpu.memref_slice %arg19[%add3A_23, %dma_start3A_26] : memref<10240x128xf32, #tpu.memory_space<vmem_shared>> -> memref<128x128xf32, #tpu.memory_space<vmem_shared>>
    tpu.enqueue_dma source(%arg17 : memref<128x128xf32, #tpu.memory_space<vmem>>) target(%dma_start3A_27 : memref<128x128xf32, #tpu.memory_space<vmem_shared>>) target_semaphore(%arg20 : memref<!tpu.dma_semaphore, #tpu.memory_space<semaphore_mem>>)
    %mul3A_28 = arith.constant 640 : i32
    %mul3A_29 = arith.muli %arg1, %mul3A_28 : i32
    %add3A_30 = arith.constant 384 : i32
    %add3A_31 = arith.addi %mul3A_29, %add3A_30 : i32
    %dma_start3A_32 = arith.constant 0 : i32
    %dma_start3A_33 = tpu.memref_slice %arg19[%add3A_31, %dma_start3A_32] : memref<10240x128xf32, #tpu.memory_space<vmem_shared>> -> memref<128x128xf32, #tpu.memory_space<vmem_shared>>
    %dma_start3A_34 = arith.constant 0 : i32
    %dma_start3A_35 = tpu.memref_slice %arg19[%add3A_31, %dma_start3A_34] : memref<10240x128xf32, #tpu.memory_space<vmem_shared>> -> memref<128x128xf32, #tpu.memory_space<vmem_shared>>
    tpu.enqueue_dma source(%arg17 : memref<128x128xf32, #tpu.memory_space<vmem>>) target(%dma_start3A_35 : memref<128x128xf32, #tpu.memory_space<vmem_shared>>) target_semaphore(%arg20 : memref<!tpu.dma_semaphore, #tpu.memory_space<semaphore_mem>>)
    %mul3A_36 = arith.constant 640 : i32
    %mul3A_37 = arith.muli %arg1, %mul3A_36 : i32
    %add3A_38 = arith.constant 512 : i32
    %add3A_39 = arith.addi %mul3A_37, %add3A_38 : i32
    %dma_start3A_40 = arith.constant 0 : i32
    %dma_start3A_41 = tpu.memref_slice %arg19[%add3A_39, %dma_start3A_40] : memref<10240x128xf32, #tpu.memory_space<vmem_shared>> -> memref<128x128xf32, #tpu.memory_space<vmem_shared>>
    %dma_start3A_42 = arith.constant 0 : i32
    %dma_start3A_43 = tpu.memref_slice %arg19[%add3A_39, %dma_start3A_42] : memref<10240x128xf32, #tpu.memory_space<vmem_shared>> -> memref<128x128xf32, #tpu.memory_space<vmem_shared>>
    tpu.enqueue_dma source(%arg17 : memref<128x128xf32, #tpu.memory_space<vmem>>) target(%dma_start3A_43 : memref<128x128xf32, #tpu.memory_space<vmem_shared>>) target_semaphore(%arg20 : memref<!tpu.dma_semaphore, #tpu.memory_space<semaphore_mem>>)
    "tpu.region"() ({
      %run_scoped3A = tpu.sem_alloc : memref<!tpu.dma_semaphore, #tpu.memory_space<semaphore_mem>>
      %dma_start3A_298 = tpu.memref_slice %arg3[%mul3A_4] : memref<320000xi32, #tpu.memory_space<hbm>> -> memref<10000xi32, #tpu.memory_space<hbm>>
      %dma_start3A_299 = tpu.memref_slice %arg3[%mul3A_4] : memref<320000xi32, #tpu.memory_space<hbm>> -> memref<10000xi32, #tpu.memory_space<hbm>>
      tpu.enqueue_dma source(%dma_start3A_299 : memref<10000xi32, #tpu.memory_space<hbm>>) target(%arg13 : memref<10000xi32, #tpu.memory_space<vmem>>) target_semaphore(%run_scoped3A : memref<!tpu.dma_semaphore, #tpu.memory_space<semaphore_mem>>)
      %dma_wait3A_300 = tpu.memref_slice %arg3[%mul3A_4] : memref<320000xi32, #tpu.memory_space<hbm>> -> memref<10000xi32, #tpu.memory_space<hbm>>
      %dma_wait3A_301 = tpu.memref_slice %arg3[%mul3A_4] : memref<320000xi32, #tpu.memory_space<hbm>> -> memref<10000xi32, #tpu.memory_space<hbm>>
      tpu.wait_dma2 semaphore(%run_scoped3A : memref<!tpu.dma_semaphore, #tpu.memory_space<semaphore_mem>>) src(%dma_wait3A_301 : memref<10000xi32, #tpu.memory_space<hbm>>) dst(%arg13 : memref<10000xi32, #tpu.memory_space<vmem>>)
      tpu.yield
    }) : () -> ()
    %dma_wait3A = arith.constant 0 : i32
    %dma_wait3A_44 = tpu.memref_slice %arg19[%add3A_8, %dma_wait3A] : memref<10240x128xf32, #tpu.memory_space<vmem_shared>> -> memref<128x128xf32, #tpu.memory_space<vmem_shared>>
    %dma_wait3A_45 = arith.constant 0 : i32
    %dma_wait3A_46 = tpu.memref_slice %arg19[%add3A_8, %dma_wait3A_45] : memref<10240x128xf32, #tpu.memory_space<vmem_shared>> -> memref<128x128xf32, #tpu.memory_space<vmem_shared>>
    tpu.wait_dma2 semaphore(%arg20 : memref<!tpu.dma_semaphore, #tpu.memory_space<semaphore_mem>>) src(%arg17 : memref<128x128xf32, #tpu.memory_space<vmem>>) dst(%dma_wait3A_46 : memref<128x128xf32, #tpu.memory_space<vmem_shared>>)
    %dma_wait3A_47 = arith.constant 0 : i32
    %dma_wait3A_48 = tpu.memref_slice %arg19[%add3A_15, %dma_wait3A_47] : memref<10240x128xf32, #tpu.memory_space<vmem_shared>> -> memref<128x128xf32, #tpu.memory_space<vmem_shared>>
    %dma_wait3A_49 = arith.constant 0 : i32
    %dma_wait3A_50 = tpu.memref_slice %arg19[%add3A_15, %dma_wait3A_49] : memref<10240x128xf32, #tpu.memory_space<vmem_shared>> -> memref<128x128xf32, #tpu.memory_space<vmem_shared>>
    tpu.wait_dma2 semaphore(%arg20 : memref<!tpu.dma_semaphore, #tpu.memory_space<semaphore_mem>>) src(%arg17 : memref<128x128xf32, #tpu.memory_space<vmem>>) dst(%dma_wait3A_50 : memref<128x128xf32, #tpu.memory_space<vmem_shared>>)
    %dma_wait3A_51 = arith.constant 0 : i32
    %dma_wait3A_52 = tpu.memref_slice %arg19[%add3A_23, %dma_wait3A_51] : memref<10240x128xf32, #tpu.memory_space<vmem_shared>> -> memref<128x128xf32, #tpu.memory_space<vmem_shared>>
    %dma_wait3A_53 = arith.constant 0 : i32
    %dma_wait3A_54 = tpu.memref_slice %arg19[%add3A_23, %dma_wait3A_53] : memref<10240x128xf32, #tpu.memory_space<vmem_shared>> -> memref<128x128xf32, #tpu.memory_space<vmem_shared>>
    tpu.wait_dma2 semaphore(%arg20 : memref<!tpu.dma_semaphore, #tpu.memory_space<semaphore_mem>>) src(%arg17 : memref<128x128xf32, #tpu.memory_space<vmem>>) dst(%dma_wait3A_54 : memref<128x128xf32, #tpu.memory_space<vmem_shared>>)
    %dma_wait3A_55 = arith.constant 0 : i32
    %dma_wait3A_56 = tpu.memref_slice %arg19[%add3A_31, %dma_wait3A_55] : memref<10240x128xf32, #tpu.memory_space<vmem_shared>> -> memref<128x128xf32, #tpu.memory_space<vmem_shared>>
    %dma_wait3A_57 = arith.constant 0 : i32
    %dma_wait3A_58 = tpu.memref_slice %arg19[%add3A_31, %dma_wait3A_57] : memref<10240x128xf32, #tpu.memory_space<vmem_shared>> -> memref<128x128xf32, #tpu.memory_space<vmem_shared>>
    tpu.wait_dma2 semaphore(%arg20 : memref<!tpu.dma_semaphore, #tpu.memory_space<semaphore_mem>>) src(%arg17 : memref<128x128xf32, #tpu.memory_space<vmem>>) dst(%dma_wait3A_58 : memref<128x128xf32, #tpu.memory_space<vmem_shared>>)
    %dma_wait3A_59 = arith.constant 0 : i32
    %dma_wait3A_60 = tpu.memref_slice %arg19[%add3A_39, %dma_wait3A_59] : memref<10240x128xf32, #tpu.memory_space<vmem_shared>> -> memref<128x128xf32, #tpu.memory_space<vmem_shared>>
    %dma_wait3A_61 = arith.constant 0 : i32
    %dma_wait3A_62 = tpu.memref_slice %arg19[%add3A_39, %dma_wait3A_61] : memref<10240x128xf32, #tpu.memory_space<vmem_shared>> -> memref<128x128xf32, #tpu.memory_space<vmem_shared>>
    tpu.wait_dma2 semaphore(%arg20 : memref<!tpu.dma_semaphore, #tpu.memory_space<semaphore_mem>>) src(%arg17 : memref<128x128xf32, #tpu.memory_space<vmem>>) dst(%dma_wait3A_62 : memref<128x128xf32, #tpu.memory_space<vmem_shared>>)
    %multiple_of3A = arith.constant 0 : i32
    %multiple_of3A_63 = tpu.assume_multiple %multiple_of3A, 8 : i32
    %dma_start3A_64 = tpu.memref_slice %arg13[%multiple_of3A_63] : memref<10000xi32, #tpu.memory_space<vmem>> -> memref<128xi32, #tpu.memory_space<vmem>>
    %dma_start3A_65 = arith.constant 0 : i32
    %dma_start3A_66 = arith.constant 0 : i32
    %dma_start3A_67 = tpu.memref_slice %arg2[%dma_start3A_65, %dma_start3A_66] : memref<10240x128xf32, #tpu.memory_space<hbm>> -> memref<10240x128xf32, #tpu.memory_space<hbm>>
    tpu.enqueue_indirect_dma source(%dma_start3A_67 : memref<10240x128xf32, #tpu.memory_space<hbm>>) target(%arg17 : memref<128x128xf32, #tpu.memory_space<vmem>>) offsets(%dma_start3A_64 : memref<128xi32, #tpu.memory_space<vmem>>) semaphore(%arg20 : memref<!tpu.dma_semaphore, #tpu.memory_space<semaphore_mem>>)
    %add3A_68 = arith.constant 0 : i32
    %add3A_69 = arith.addi %mul3A_4, %add3A_68 : i32
    %multiple_of3A_70 = tpu.assume_multiple %add3A_69, 8 : i32
    %dma_start3A_71 = tpu.memref_slice %arg4[%multiple_of3A_70] : memref<320000xi32, #tpu.memory_space<hbm>> -> memref<128xi32, #tpu.memory_space<hbm>>
    %dma_start3A_72 = tpu.memref_slice %arg4[%multiple_of3A_70] : memref<320000xi32, #tpu.memory_space<hbm>> -> memref<128xi32, #tpu.memory_space<hbm>>
    tpu.enqueue_dma source(%dma_start3A_72 : memref<128xi32, #tpu.memory_space<hbm>>) target(%arg14 : memref<128xi32, #tpu.memory_space<vmem>>) target_semaphore(%arg22 : memref<!tpu.dma_semaphore, #tpu.memory_space<semaphore_mem>>)
    %multiple_of3A_73 = arith.constant 128 : i32
    %multiple_of3A_74 = tpu.assume_multiple %multiple_of3A_73, 8 : i32
    %dma_start3A_75 = tpu.memref_slice %arg13[%multiple_of3A_74] : memref<10000xi32, #tpu.memory_space<vmem>> -> memref<128xi32, #tpu.memory_space<vmem>>
    %dma_start3A_76 = arith.constant 0 : i32
    %dma_start3A_77 = arith.constant 0 : i32
    %dma_start3A_78 = tpu.memref_slice %arg2[%dma_start3A_76, %dma_start3A_77] : memref<10240x128xf32, #tpu.memory_space<hbm>> -> memref<10240x128xf32, #tpu.memory_space<hbm>>
    tpu.enqueue_indirect_dma source(%dma_start3A_78 : memref<10240x128xf32, #tpu.memory_space<hbm>>) target(%arg18 : memref<128x128xf32, #tpu.memory_space<vmem>>) offsets(%dma_start3A_75 : memref<128xi32, #tpu.memory_space<vmem>>) semaphore(%arg21 : memref<!tpu.dma_semaphore, #tpu.memory_space<semaphore_mem>>)
    %add3A_79 = arith.constant 128 : i32
    %add3A_80 = arith.addi %mul3A_4, %add3A_79 : i32
    %multiple_of3A_81 = tpu.assume_multiple %add3A_80, 8 : i32
    %dma_start3A_82 = tpu.memref_slice %arg4[%multiple_of3A_81] : memref<320000xi32, #tpu.memory_space<hbm>> -> memref<128xi32, #tpu.memory_space<hbm>>
    %dma_start3A_83 = tpu.memref_slice %arg4[%multiple_of3A_81] : memref<320000xi32, #tpu.memory_space<hbm>> -> memref<128xi32, #tpu.memory_space<hbm>>
    tpu.enqueue_dma source(%dma_start3A_83 : memref<128xi32, #tpu.memory_space<hbm>>) target(%arg15 : memref<128xi32, #tpu.memory_space<vmem>>) target_semaphore(%arg23 : memref<!tpu.dma_semaphore, #tpu.memory_space<semaphore_mem>>)
    %barrier3A = arith.constant 0 : index
    tpu.barrier barrier_id(%barrier3A)
    %scan3A = arith.constant 0 : i32
    %scan3A_84 = arith.constant 0 : i32
    %scan3A_85 = arith.constant 39 : i32
    %scan3A_86 = arith.addi %scan3A_84, %scan3A_85 : i32
    %scan3A_87 = arith.constant 1 : i32
    scf.for %scan3A_298 = %scan3A_84 to %scan3A_86 step %scan3A_87  : i32 {
      %mul3A_299 = arith.constant 2 : i32
      %mul3A_300 = arith.muli %mul3A_299, %scan3A_298 : i32
      %multiple_of3A_301 = arith.constant 0 : i32
      %multiple_of3A_302 = tpu.assume_multiple %multiple_of3A_301, 8 : i32
      %dma_wait3A_303 = tpu.memref_slice %arg13[%multiple_of3A_302] : memref<10000xi32, #tpu.memory_space<vmem>> -> memref<128xi32, #tpu.memory_space<vmem>>
      %dma_wait3A_304 = arith.constant 0 : i32
      %dma_wait3A_305 = arith.constant 0 : i32
      %dma_wait3A_306 = tpu.memref_slice %arg2[%dma_wait3A_304, %dma_wait3A_305] : memref<10240x128xf32, #tpu.memory_space<hbm>> -> memref<10240x128xf32, #tpu.memory_space<hbm>>
      tpu.wait_indirect_dma semaphore(%arg20 : memref<!tpu.dma_semaphore, #tpu.memory_space<semaphore_mem>>) src(%dma_wait3A_306 : memref<10240x128xf32, #tpu.memory_space<hbm>>) dst(%arg17 : memref<128x128xf32, #tpu.memory_space<vmem>>)
      %add3A_307 = arith.constant 0 : i32
      %add3A_308 = arith.addi %mul3A_4, %add3A_307 : i32
      %multiple_of3A_309 = tpu.assume_multiple %add3A_308, 8 : i32
      %dma_wait3A_310 = tpu.memref_slice %arg4[%multiple_of3A_309] : memref<320000xi32, #tpu.memory_space<hbm>> -> memref<128xi32, #tpu.memory_space<hbm>>
      %dma_wait3A_311 = tpu.memref_slice %arg4[%multiple_of3A_309] : memref<320000xi32, #tpu.memory_space<hbm>> -> memref<128xi32, #tpu.memory_space<hbm>>
      tpu.wait_dma2 semaphore(%arg22 : memref<!tpu.dma_semaphore, #tpu.memory_space<semaphore_mem>>) src(%dma_wait3A_311 : memref<128xi32, #tpu.memory_space<hbm>>) dst(%arg14 : memref<128xi32, #tpu.memory_space<vmem>>)
      "tpu.region"() ({
        %run_scoped3A = tpu.sem_alloc : memref<!tpu.dma_semaphore, #tpu.memory_space<semaphore_mem>>
        %dma_start3A_336 = arith.constant 0 : i32
        %dma_start3A_337 = arith.constant 0 : i32
        %dma_start3A_338 = tpu.memref_slice %arg19[%dma_start3A_336, %dma_start3A_337] : memref<10240x128xf32, #tpu.memory_space<vmem_shared>> -> memref<10240x128xf32, #tpu.memory_space<vmem_shared>>
        tpu.enqueue_indirect_dma source(%arg17 : memref<128x128xf32, #tpu.memory_space<vmem>>) target(%dma_start3A_338 : memref<10240x128xf32, #tpu.memory_space<vmem_shared>>) offsets(%arg14 : memref<128xi32, #tpu.memory_space<vmem>>) semaphore(%run_scoped3A : memref<!tpu.dma_semaphore, #tpu.memory_space<semaphore_mem>>) {add = true}
        %dma_wait3A_339 = arith.constant 0 : i32
        %dma_wait3A_340 = arith.constant 0 : i32
        %dma_wait3A_341 = tpu.memref_slice %arg19[%dma_wait3A_339, %dma_wait3A_340] : memref<10240x128xf32, #tpu.memory_space<vmem_shared>> -> memref<10240x128xf32, #tpu.memory_space<vmem_shared>>
        tpu.wait_indirect_dma semaphore(%run_scoped3A : memref<!tpu.dma_semaphore, #tpu.memory_space<semaphore_mem>>) src(%arg17 : memref<128x128xf32, #tpu.memory_space<vmem>>) dst(%dma_wait3A_341 : memref<10240x128xf32, #tpu.memory_space<vmem_shared>>)
        tpu.yield
      }) : () -> ()
      %add3A_312 = arith.constant 2 : i32
      %add3A_313 = arith.addi %mul3A_300, %add3A_312 : i32
      %lt3A = arith.constant 78 : i32
      %lt3A_314 = arith.cmpi slt, %add3A_313, %lt3A : i32
      %convert_element_type3A_315 = arith.extui %lt3A_314 : i1 to i32
      %cond3A_316 = arith.constant 0 : i32
      %cond3A_317 = arith.cmpi ne, %convert_element_type3A_315, %cond3A_316 : i32
      scf.if %cond3A_317 {
        %add3A_336 = arith.constant 2 : i32
        %add3A_337 = arith.addi %mul3A_300, %add3A_336 : i32
        %mul3A_338 = arith.constant 128 : i32
        %mul3A_339 = arith.muli %add3A_337, %mul3A_338 : i32
        %multiple_of3A_340 = tpu.assume_multiple %mul3A_339, 8 : i32
        %dma_start3A_341 = tpu.memref_slice %arg13[%multiple_of3A_340] : memref<10000xi32, #tpu.memory_space<vmem>> -> memref<128xi32, #tpu.memory_space<vmem>>
        %dma_start3A_342 = arith.constant 0 : i32
        %dma_start3A_343 = arith.constant 0 : i32
        %dma_start3A_344 = tpu.memref_slice %arg2[%dma_start3A_342, %dma_start3A_343] : memref<10240x128xf32, #tpu.memory_space<hbm>> -> memref<10240x128xf32, #tpu.memory_space<hbm>>
        tpu.enqueue_indirect_dma source(%dma_start3A_344 : memref<10240x128xf32, #tpu.memory_space<hbm>>) target(%arg17 : memref<128x128xf32, #tpu.memory_space<vmem>>) offsets(%dma_start3A_341 : memref<128xi32, #tpu.memory_space<vmem>>) semaphore(%arg20 : memref<!tpu.dma_semaphore, #tpu.memory_space<semaphore_mem>>)
        %add3A_345 = arith.constant 2 : i32
        %add3A_346 = arith.addi %mul3A_300, %add3A_345 : i32
        %mul3A_347 = arith.constant 128 : i32
        %mul3A_348 = arith.muli %add3A_346, %mul3A_347 : i32
        %add3A_349 = arith.addi %mul3A_4, %mul3A_348 : i32
        %multiple_of3A_350 = tpu.assume_multiple %add3A_349, 8 : i32
        %dma_start3A_351 = tpu.memref_slice %arg4[%multiple_of3A_350] : memref<320000xi32, #tpu.memory_space<hbm>> -> memref<128xi32, #tpu.memory_space<hbm>>
        %dma_start3A_352 = tpu.memref_slice %arg4[%multiple_of3A_350] : memref<320000xi32, #tpu.memory_space<hbm>> -> memref<128xi32, #tpu.memory_space<hbm>>
        tpu.enqueue_dma source(%dma_start3A_352 : memref<128xi32, #tpu.memory_space<hbm>>) target(%arg14 : memref<128xi32, #tpu.memory_space<vmem>>) target_semaphore(%arg22 : memref<!tpu.dma_semaphore, #tpu.memory_space<semaphore_mem>>)
      } else {
      }
      %multiple_of3A_318 = arith.constant 0 : i32
      %multiple_of3A_319 = tpu.assume_multiple %multiple_of3A_318, 8 : i32
      %dma_wait3A_320 = tpu.memref_slice %arg13[%multiple_of3A_319] : memref<10000xi32, #tpu.memory_space<vmem>> -> memref<128xi32, #tpu.memory_space<vmem>>
      %dma_wait3A_321 = arith.constant 0 : i32
      %dma_wait3A_322 = arith.constant 0 : i32
      %dma_wait3A_323 = tpu.memref_slice %arg2[%dma_wait3A_321, %dma_wait3A_322] : memref<10240x128xf32, #tpu.memory_space<hbm>> -> memref<10240x128xf32, #tpu.memory_space<hbm>>
      tpu.wait_indirect_dma semaphore(%arg21 : memref<!tpu.dma_semaphore, #tpu.memory_space<semaphore_mem>>) src(%dma_wait3A_323 : memref<10240x128xf32, #tpu.memory_space<hbm>>) dst(%arg18 : memref<128x128xf32, #tpu.memory_space<vmem>>)
      %add3A_324 = arith.constant 0 : i32
      %add3A_325 = arith.addi %mul3A_4, %add3A_324 : i32
      %multiple_of3A_326 = tpu.assume_multiple %add3A_325, 8 : i32
      %dma_wait3A_327 = tpu.memref_slice %arg4[%multiple_of3A_326] : memref<320000xi32, #tpu.memory_space<hbm>> -> memref<128xi32, #tpu.memory_space<hbm>>
      %dma_wait3A_328 = tpu.memref_slice %arg4[%multiple_of3A_326] : memref<320000xi32, #tpu.memory_space<hbm>> -> memref<128xi32, #tpu.memory_space<hbm>>
      tpu.wait_dma2 semaphore(%arg23 : memref<!tpu.dma_semaphore, #tpu.memory_space<semaphore_mem>>) src(%dma_wait3A_328 : memref<128xi32, #tpu.memory_space<hbm>>) dst(%arg15 : memref<128xi32, #tpu.memory_space<vmem>>)
      "tpu.region"() ({
        %run_scoped3A = tpu.sem_alloc : memref<!tpu.dma_semaphore, #tpu.memory_space<semaphore_mem>>
        %dma_start3A_336 = arith.constant 0 : i32
        %dma_start3A_337 = arith.constant 0 : i32
        %dma_start3A_338 = tpu.memref_slice %arg19[%dma_start3A_336, %dma_start3A_337] : memref<10240x128xf32, #tpu.memory_space<vmem_shared>> -> memref<10240x128xf32, #tpu.memory_space<vmem_shared>>
        tpu.enqueue_indirect_dma source(%arg18 : memref<128x128xf32, #tpu.memory_space<vmem>>) target(%dma_start3A_338 : memref<10240x128xf32, #tpu.memory_space<vmem_shared>>) offsets(%arg15 : memref<128xi32, #tpu.memory_space<vmem>>) semaphore(%run_scoped3A : memref<!tpu.dma_semaphore, #tpu.memory_space<semaphore_mem>>) {add = true}
        %dma_wait3A_339 = arith.constant 0 : i32
        %dma_wait3A_340 = arith.constant 0 : i32
        %dma_wait3A_341 = tpu.memref_slice %arg19[%dma_wait3A_339, %dma_wait3A_340] : memref<10240x128xf32, #tpu.memory_space<vmem_shared>> -> memref<10240x128xf32, #tpu.memory_space<vmem_shared>>
        tpu.wait_indirect_dma semaphore(%run_scoped3A : memref<!tpu.dma_semaphore, #tpu.memory_space<semaphore_mem>>) src(%arg18 : memref<128x128xf32, #tpu.memory_space<vmem>>) dst(%dma_wait3A_341 : memref<10240x128xf32, #tpu.memory_space<vmem_shared>>)
        tpu.yield
      }) : () -> ()
      %add3A_329 = arith.constant 3 : i32
      %add3A_330 = arith.addi %mul3A_300, %add3A_329 : i32
      %lt3A_331 = arith.constant 78 : i32
      %lt3A_332 = arith.cmpi slt, %add3A_330, %lt3A_331 : i32
      %convert_element_type3A_333 = arith.extui %lt3A_332 : i1 to i32
      %cond3A_334 = arith.constant 0 : i32
      %cond3A_335 = arith.cmpi ne, %convert_element_type3A_333, %cond3A_334 : i32
      scf.if %cond3A_335 {
        %add3A_336 = arith.constant 3 : i32
        %add3A_337 = arith.addi %mul3A_300, %add3A_336 : i32
        %mul3A_338 = arith.constant 128 : i32
        %mul3A_339 = arith.muli %add3A_337, %mul3A_338 : i32
        %multiple_of3A_340 = tpu.assume_multiple %mul3A_339, 8 : i32
        %dma_start3A_341 = tpu.memref_slice %arg13[%multiple_of3A_340] : memref<10000xi32, #tpu.memory_space<vmem>> -> memref<128xi32, #tpu.memory_space<vmem>>
        %dma_start3A_342 = arith.constant 0 : i32
        %dma_start3A_343 = arith.constant 0 : i32
        %dma_start3A_344 = tpu.memref_slice %arg2[%dma_start3A_342, %dma_start3A_343] : memref<10240x128xf32, #tpu.memory_space<hbm>> -> memref<10240x128xf32, #tpu.memory_space<hbm>>
        tpu.enqueue_indirect_dma source(%dma_start3A_344 : memref<10240x128xf32, #tpu.memory_space<hbm>>) target(%arg18 : memref<128x128xf32, #tpu.memory_space<vmem>>) offsets(%dma_start3A_341 : memref<128xi32, #tpu.memory_space<vmem>>) semaphore(%arg21 : memref<!tpu.dma_semaphore, #tpu.memory_space<semaphore_mem>>)
        %add3A_345 = arith.constant 3 : i32
        %add3A_346 = arith.addi %mul3A_300, %add3A_345 : i32
        %mul3A_347 = arith.constant 128 : i32
        %mul3A_348 = arith.muli %add3A_346, %mul3A_347 : i32
        %add3A_349 = arith.addi %mul3A_4, %mul3A_348 : i32
        %multiple_of3A_350 = tpu.assume_multiple %add3A_349, 8 : i32
        %dma_start3A_351 = tpu.memref_slice %arg4[%multiple_of3A_350] : memref<320000xi32, #tpu.memory_space<hbm>> -> memref<128xi32, #tpu.memory_space<hbm>>
        %dma_start3A_352 = tpu.memref_slice %arg4[%multiple_of3A_350] : memref<320000xi32, #tpu.memory_space<hbm>> -> memref<128xi32, #tpu.memory_space<hbm>>
        tpu.enqueue_dma source(%dma_start3A_352 : memref<128xi32, #tpu.memory_space<hbm>>) target(%arg15 : memref<128xi32, #tpu.memory_space<vmem>>) target_semaphore(%arg23 : memref<!tpu.dma_semaphore, #tpu.memory_space<semaphore_mem>>)
      } else {
      }
    }
    %scan3A_88 = arith.constant 39 : i32
    %add3A_89 = arith.constant 9984 : i32
    %add3A_90 = arith.addi %mul3A_4, %add3A_89 : i32
    %multiple_of3A_91 = tpu.assume_multiple %add3A_90, 8 : i32
    "tpu.region"() ({
      %run_scoped3A = tpu.sem_alloc : memref<!tpu.dma_semaphore, #tpu.memory_space<semaphore_mem>>
      %dma_start3A_298 = tpu.memref_slice %arg4[%multiple_of3A_91] : memref<320000xi32, #tpu.memory_space<hbm>> -> memref<16xi32, #tpu.memory_space<hbm>>
      %dma_start3A_299 = tpu.memref_slice %arg4[%multiple_of3A_91] : memref<320000xi32, #tpu.memory_space<hbm>> -> memref<16xi32, #tpu.memory_space<hbm>>
      tpu.enqueue_dma source(%dma_start3A_299 : memref<16xi32, #tpu.memory_space<hbm>>) target(%arg16 : memref<16xi32, #tpu.memory_space<vmem>>) target_semaphore(%run_scoped3A : memref<!tpu.dma_semaphore, #tpu.memory_space<semaphore_mem>>)
      %dma_wait3A_300 = tpu.memref_slice %arg4[%multiple_of3A_91] : memref<320000xi32, #tpu.memory_space<hbm>> -> memref<16xi32, #tpu.memory_space<hbm>>
      %dma_wait3A_301 = tpu.memref_slice %arg4[%multiple_of3A_91] : memref<320000xi32, #tpu.memory_space<hbm>> -> memref<16xi32, #tpu.memory_space<hbm>>
      tpu.wait_dma2 semaphore(%run_scoped3A : memref<!tpu.dma_semaphore, #tpu.memory_space<semaphore_mem>>) src(%dma_wait3A_301 : memref<16xi32, #tpu.memory_space<hbm>>) dst(%arg16 : memref<16xi32, #tpu.memory_space<vmem>>)
      tpu.yield
    }) : () -> ()
    %multiple_of3A_92 = arith.constant 9984 : i32
    %multiple_of3A_93 = tpu.assume_multiple %multiple_of3A_92, 8 : i32
    %dma_start3A_94 = arith.constant 0 : i32
    %dma_start3A_95 = arith.constant 0 : i32
    %dma_start3A_96 = tpu.memref_slice %arg17[%dma_start3A_94, %dma_start3A_95] : memref<128x128xf32, #tpu.memory_space<vmem>> -> memref<16x128xf32, #tpu.memory_space<vmem>>
    %dma_start3A_97 = tpu.memref_slice %arg13[%multiple_of3A_93] : memref<10000xi32, #tpu.memory_space<vmem>> -> memref<16xi32, #tpu.memory_space<vmem>>
    %dma_start3A_98 = arith.constant 0 : i32
    %dma_start3A_99 = arith.constant 0 : i32
    %dma_start3A_100 = tpu.memref_slice %arg2[%dma_start3A_98, %dma_start3A_99] : memref<10240x128xf32, #tpu.memory_space<hbm>> -> memref<10240x128xf32, #tpu.memory_space<hbm>>
    tpu.enqueue_indirect_dma source(%dma_start3A_100 : memref<10240x128xf32, #tpu.memory_space<hbm>>) target(%dma_start3A_96 : memref<16x128xf32, #tpu.memory_space<vmem>>) offsets(%dma_start3A_97 : memref<16xi32, #tpu.memory_space<vmem>>) semaphore(%arg20 : memref<!tpu.dma_semaphore, #tpu.memory_space<semaphore_mem>>)
    %dma_wait3A_101 = arith.constant 0 : i32
    %dma_wait3A_102 = arith.constant 0 : i32
    %dma_wait3A_103 = tpu.memref_slice %arg17[%dma_wait3A_101, %dma_wait3A_102] : memref<128x128xf32, #tpu.memory_space<vmem>> -> memref<16x128xf32, #tpu.memory_space<vmem>>
    %dma_wait3A_104 = tpu.memref_slice %arg13[%multiple_of3A_93] : memref<10000xi32, #tpu.memory_space<vmem>> -> memref<16xi32, #tpu.memory_space<vmem>>
    %dma_wait3A_105 = arith.constant 0 : i32
    %dma_wait3A_106 = arith.constant 0 : i32
    %dma_wait3A_107 = tpu.memref_slice %arg2[%dma_wait3A_105, %dma_wait3A_106] : memref<10240x128xf32, #tpu.memory_space<hbm>> -> memref<10240x128xf32, #tpu.memory_space<hbm>>
    tpu.wait_indirect_dma semaphore(%arg20 : memref<!tpu.dma_semaphore, #tpu.memory_space<semaphore_mem>>) src(%dma_wait3A_107 : memref<10240x128xf32, #tpu.memory_space<hbm>>) dst(%dma_wait3A_103 : memref<16x128xf32, #tpu.memory_space<vmem>>)
    "tpu.region"() ({
      %run_scoped3A = tpu.sem_alloc : memref<!tpu.dma_semaphore, #tpu.memory_space<semaphore_mem>>
      %dma_start3A_298 = arith.constant 0 : i32
      %dma_start3A_299 = arith.constant 0 : i32
      %dma_start3A_300 = tpu.memref_slice %arg17[%dma_start3A_298, %dma_start3A_299] : memref<128x128xf32, #tpu.memory_space<vmem>> -> memref<16x128xf32, #tpu.memory_space<vmem>>
      %dma_start3A_301 = arith.constant 0 : i32
      %dma_start3A_302 = arith.constant 0 : i32
      %dma_start3A_303 = tpu.memref_slice %arg19[%dma_start3A_301, %dma_start3A_302] : memref<10240x128xf32, #tpu.memory_space<vmem_shared>> -> memref<10240x128xf32, #tpu.memory_space<vmem_shared>>
      tpu.enqueue_indirect_dma source(%dma_start3A_300 : memref<16x128xf32, #tpu.memory_space<vmem>>) target(%dma_start3A_303 : memref<10240x128xf32, #tpu.memory_space<vmem_shared>>) offsets(%arg16 : memref<16xi32, #tpu.memory_space<vmem>>) semaphore(%run_scoped3A : memref<!tpu.dma_semaphore, #tpu.memory_space<semaphore_mem>>) {add = true}
      %dma_wait3A_304 = arith.constant 0 : i32
      %dma_wait3A_305 = arith.constant 0 : i32
      %dma_wait3A_306 = tpu.memref_slice %arg17[%dma_wait3A_304, %dma_wait3A_305] : memref<128x128xf32, #tpu.memory_space<vmem>> -> memref<16x128xf32, #tpu.memory_space<vmem>>
      %dma_wait3A_307 = arith.constant 0 : i32
      %dma_wait3A_308 = arith.constant 0 : i32
      %dma_wait3A_309 = tpu.memref_slice %arg19[%dma_wait3A_307, %dma_wait3A_308] : memref<10240x128xf32, #tpu.memory_space<vmem_shared>> -> memref<10240x128xf32, #tpu.memory_space<vmem_shared>>
      tpu.wait_indirect_dma semaphore(%run_scoped3A : memref<!tpu.dma_semaphore, #tpu.memory_space<semaphore_mem>>) src(%dma_wait3A_306 : memref<16x128xf32, #tpu.memory_space<vmem>>) dst(%dma_wait3A_309 : memref<10240x128xf32, #tpu.memory_space<vmem_shared>>)
      tpu.yield
    }) : () -> ()
    %barrier3A_108 = arith.constant 0 : index
    tpu.barrier barrier_id(%barrier3A_108)
    %dma_start3A_109 = arith.constant 0 : i32
    %dma_start3A_110 = arith.constant 0 : i32
    %dma_start3A_111 = tpu.memref_slice %arg17[%dma_start3A_109, %dma_start3A_110] : memref<128x128xf32, #tpu.memory_space<vmem>> -> memref<64x128xf32, #tpu.memory_space<vmem>>
    %dma_start3A_112 = arith.constant 0 : i32
    %dma_start3A_113 = tpu.memref_slice %arg24[%dma_start3A_112] : memref<256xi32, #tpu.memory_space<vmem>> -> memref<64xi32, #tpu.memory_space<vmem>>
    %dma_start3A_114 = arith.constant 0 : i32
    %dma_start3A_115 = arith.constant 0 : i32
    %dma_start3A_116 = tpu.memref_slice %arg19[%dma_start3A_114, %dma_start3A_115] : memref<10240x128xf32, #tpu.memory_space<vmem_shared>> -> memref<10240x128xf32, #tpu.memory_space<vmem_shared>>
    tpu.enqueue_indirect_dma source(%dma_start3A_116 : memref<10240x128xf32, #tpu.memory_space<vmem_shared>>) target(%dma_start3A_111 : memref<64x128xf32, #tpu.memory_space<vmem>>) offsets(%dma_start3A_113 : memref<64xi32, #tpu.memory_space<vmem>>) semaphore(%arg20 : memref<!tpu.dma_semaphore, #tpu.memory_space<semaphore_mem>>)
    %dma_wait3A_117 = arith.constant 0 : i32
    %dma_wait3A_118 = arith.constant 0 : i32
    %dma_wait3A_119 = tpu.memref_slice %arg17[%dma_wait3A_117, %dma_wait3A_118] : memref<128x128xf32, #tpu.memory_space<vmem>> -> memref<64x128xf32, #tpu.memory_space<vmem>>
    %dma_wait3A_120 = arith.constant 0 : i32
    %dma_wait3A_121 = tpu.memref_slice %arg24[%dma_wait3A_120] : memref<256xi32, #tpu.memory_space<vmem>> -> memref<64xi32, #tpu.memory_space<vmem>>
    %dma_wait3A_122 = arith.constant 0 : i32
    %dma_wait3A_123 = arith.constant 0 : i32
    %dma_wait3A_124 = tpu.memref_slice %arg19[%dma_wait3A_122, %dma_wait3A_123] : memref<10240x128xf32, #tpu.memory_space<vmem_shared>> -> memref<10240x128xf32, #tpu.memory_space<vmem_shared>>
    tpu.wait_indirect_dma semaphore(%arg20 : memref<!tpu.dma_semaphore, #tpu.memory_space<semaphore_mem>>) src(%dma_wait3A_124 : memref<10240x128xf32, #tpu.memory_space<vmem_shared>>) dst(%dma_wait3A_119 : memref<64x128xf32, #tpu.memory_space<vmem>>)
    %eq3A = arith.constant 0 : i32
    %eq3A_125 = arith.cmpi eq, %arg0, %eq3A : i32
    %convert_element_type3A = arith.extui %eq3A_125 : i1 to i32
    %cond3A = arith.constant 0 : i32
    %cond3A_126 = arith.cmpi ne, %convert_element_type3A, %cond3A : i32
    scf.if %cond3A_126 {
      %dma_start3A_298 = arith.constant 0 : i32
      %dma_start3A_299 = arith.constant 0 : i32
      %dma_start3A_300 = tpu.memref_slice %arg17[%dma_start3A_298, %dma_start3A_299] : memref<128x128xf32, #tpu.memory_space<vmem>> -> memref<64x128xf32, #tpu.memory_space<vmem>>
      %dma_start3A_301 = arith.constant 0 : i32
      %dma_start3A_302 = tpu.memref_slice %arg24[%dma_start3A_301] : memref<256xi32, #tpu.memory_space<vmem>> -> memref<64xi32, #tpu.memory_space<vmem>>
      %dma_start3A_303 = arith.constant 0 : i32
      %dma_start3A_304 = arith.constant 0 : i32
      %dma_start3A_305 = tpu.memref_slice %arg2[%dma_start3A_303, %dma_start3A_304] : memref<10240x128xf32, #tpu.memory_space<hbm>> -> memref<10240x128xf32, #tpu.memory_space<hbm>>
      tpu.enqueue_indirect_dma source(%dma_start3A_305 : memref<10240x128xf32, #tpu.memory_space<hbm>>) target(%dma_start3A_300 : memref<64x128xf32, #tpu.memory_space<vmem>>) offsets(%dma_start3A_302 : memref<64xi32, #tpu.memory_space<vmem>>) semaphore(%arg20 : memref<!tpu.dma_semaphore, #tpu.memory_space<semaphore_mem>>) {add = true}
      %dma_wait3A_306 = arith.constant 0 : i32
      %dma_wait3A_307 = arith.constant 0 : i32
      %dma_wait3A_308 = tpu.memref_slice %arg17[%dma_wait3A_306, %dma_wait3A_307] : memref<128x128xf32, #tpu.memory_space<vmem>> -> memref<64x128xf32, #tpu.memory_space<vmem>>
      %dma_wait3A_309 = arith.constant 0 : i32
      %dma_wait3A_310 = tpu.memref_slice %arg24[%dma_wait3A_309] : memref<256xi32, #tpu.memory_space<vmem>> -> memref<64xi32, #tpu.memory_space<vmem>>
      %dma_wait3A_311 = arith.constant 0 : i32
      %dma_wait3A_312 = arith.constant 0 : i32
      %dma_wait3A_313 = tpu.memref_slice %arg2[%dma_wait3A_311, %dma_wait3A_312] : memref<10240x128xf32, #tpu.memory_space<hbm>> -> memref<10240x128xf32, #tpu.memory_space<hbm>>
      tpu.wait_indirect_dma semaphore(%arg20 : memref<!tpu.dma_semaphore, #tpu.memory_space<semaphore_mem>>) src(%dma_wait3A_313 : memref<10240x128xf32, #tpu.memory_space<hbm>>) dst(%dma_wait3A_308 : memref<64x128xf32, #tpu.memory_space<vmem>>)
      %mul3A_314 = arith.constant 256 : i32
      %mul3A_315 = arith.muli %arg1, %mul3A_314 : i32
      %add3A_316 = arith.constant 0 : i32
      %add3A_317 = arith.addi %mul3A_315, %add3A_316 : i32
      "tpu.region"() ({
        %run_scoped3A = tpu.sem_alloc : memref<!tpu.dma_semaphore, #tpu.memory_space<semaphore_mem>>
        %dma_start3A_318 = arith.constant 0 : i32
        %dma_start3A_319 = arith.constant 0 : i32
        %dma_start3A_320 = tpu.memref_slice %arg17[%dma_start3A_318, %dma_start3A_319] : memref<128x128xf32, #tpu.memory_space<vmem>> -> memref<64x128xf32, #tpu.memory_space<vmem>>
        %dma_start3A_321 = arith.constant 0 : i32
        %dma_start3A_322 = tpu.memref_slice %arg9[%add3A_317, %dma_start3A_321] : memref<4096x128xf32, #tpu.memory_space<hbm>> -> memref<64x128xf32, #tpu.memory_space<hbm>>
        %dma_start3A_323 = arith.constant 0 : i32
        %dma_start3A_324 = tpu.memref_slice %arg9[%add3A_317, %dma_start3A_323] : memref<4096x128xf32, #tpu.memory_space<hbm>> -> memref<64x128xf32, #tpu.memory_space<hbm>>
        %dma_start3A_325 = arith.constant 0 : i32
        %dma_start3A_326 = arith.constant 0 : i32
        %dma_start3A_327 = tpu.memref_slice %arg17[%dma_start3A_325, %dma_start3A_326] : memref<128x128xf32, #tpu.memory_space<vmem>> -> memref<64x128xf32, #tpu.memory_space<vmem>>
        tpu.enqueue_dma source(%dma_start3A_327 : memref<64x128xf32, #tpu.memory_space<vmem>>) target(%dma_start3A_324 : memref<64x128xf32, #tpu.memory_space<hbm>>) target_semaphore(%run_scoped3A : memref<!tpu.dma_semaphore, #tpu.memory_space<semaphore_mem>>)
        %dma_wait3A_328 = arith.constant 0 : i32
        %dma_wait3A_329 = arith.constant 0 : i32
        %dma_wait3A_330 = tpu.memref_slice %arg17[%dma_wait3A_328, %dma_wait3A_329] : memref<128x128xf32, #tpu.memory_space<vmem>> -> memref<64x128xf32, #tpu.memory_space<vmem>>
        %dma_wait3A_331 = arith.constant 0 : i32
        %dma_wait3A_332 = tpu.memref_slice %arg9[%add3A_317, %dma_wait3A_331] : memref<4096x128xf32, #tpu.memory_space<hbm>> -> memref<64x128xf32, #tpu.memory_space<hbm>>
        %dma_wait3A_333 = arith.constant 0 : i32
        %dma_wait3A_334 = tpu.memref_slice %arg9[%add3A_317, %dma_wait3A_333] : memref<4096x128xf32, #tpu.memory_space<hbm>> -> memref<64x128xf32, #tpu.memory_space<hbm>>
        %dma_wait3A_335 = arith.constant 0 : i32
        %dma_wait3A_336 = arith.constant 0 : i32
        %dma_wait3A_337 = tpu.memref_slice %arg17[%dma_wait3A_335, %dma_wait3A_336] : memref<128x128xf32, #tpu.memory_space<vmem>> -> memref<64x128xf32, #tpu.memory_space<vmem>>
        tpu.wait_dma2 semaphore(%run_scoped3A : memref<!tpu.dma_semaphore, #tpu.memory_space<semaphore_mem>>) src(%dma_wait3A_337 : memref<64x128xf32, #tpu.memory_space<vmem>>) dst(%dma_wait3A_334 : memref<64x128xf32, #tpu.memory_space<hbm>>)
        tpu.yield
      }) : () -> ()
    } else {
    }
    %eq3A_127 = arith.constant 1 : i32
    %eq3A_128 = arith.cmpi eq, %arg0, %eq3A_127 : i32
    %convert_element_type3A_129 = arith.extui %eq3A_128 : i1 to i32
    %cond3A_130 = arith.constant 0 : i32
    %cond3A_131 = arith.cmpi ne, %convert_element_type3A_129, %cond3A_130 : i32
    scf.if %cond3A_131 {
      %mul3A_298 = arith.constant 256 : i32
      %mul3A_299 = arith.muli %arg1, %mul3A_298 : i32
      %add3A_300 = arith.constant 0 : i32
      %add3A_301 = arith.addi %mul3A_299, %add3A_300 : i32
      "tpu.region"() ({
        %run_scoped3A = tpu.sem_alloc : memref<!tpu.dma_semaphore, #tpu.memory_space<semaphore_mem>>
        %dma_start3A_302 = arith.constant 0 : i32
        %dma_start3A_303 = arith.constant 0 : i32
        %dma_start3A_304 = tpu.memref_slice %arg17[%dma_start3A_302, %dma_start3A_303] : memref<128x128xf32, #tpu.memory_space<vmem>> -> memref<64x128xf32, #tpu.memory_space<vmem>>
        %dma_start3A_305 = arith.constant 0 : i32
        %dma_start3A_306 = tpu.memref_slice %arg10[%add3A_301, %dma_start3A_305] : memref<4096x128xf32, #tpu.memory_space<hbm>> -> memref<64x128xf32, #tpu.memory_space<hbm>>
        %dma_start3A_307 = arith.constant 0 : i32
        %dma_start3A_308 = tpu.memref_slice %arg10[%add3A_301, %dma_start3A_307] : memref<4096x128xf32, #tpu.memory_space<hbm>> -> memref<64x128xf32, #tpu.memory_space<hbm>>
        %dma_start3A_309 = arith.constant 0 : i32
        %dma_start3A_310 = arith.constant 0 : i32
        %dma_start3A_311 = tpu.memref_slice %arg17[%dma_start3A_309, %dma_start3A_310] : memref<128x128xf32, #tpu.memory_space<vmem>> -> memref<64x128xf32, #tpu.memory_space<vmem>>
        tpu.enqueue_dma source(%dma_start3A_311 : memref<64x128xf32, #tpu.memory_space<vmem>>) target(%dma_start3A_308 : memref<64x128xf32, #tpu.memory_space<hbm>>) target_semaphore(%run_scoped3A : memref<!tpu.dma_semaphore, #tpu.memory_space<semaphore_mem>>)
        %dma_wait3A_312 = arith.constant 0 : i32
        %dma_wait3A_313 = arith.constant 0 : i32
        %dma_wait3A_314 = tpu.memref_slice %arg17[%dma_wait3A_312, %dma_wait3A_313] : memref<128x128xf32, #tpu.memory_space<vmem>> -> memref<64x128xf32, #tpu.memory_space<vmem>>
        %dma_wait3A_315 = arith.constant 0 : i32
        %dma_wait3A_316 = tpu.memref_slice %arg10[%add3A_301, %dma_wait3A_315] : memref<4096x128xf32, #tpu.memory_space<hbm>> -> memref<64x128xf32, #tpu.memory_space<hbm>>
        %dma_wait3A_317 = arith.constant 0 : i32
        %dma_wait3A_318 = tpu.memref_slice %arg10[%add3A_301, %dma_wait3A_317] : memref<4096x128xf32, #tpu.memory_space<hbm>> -> memref<64x128xf32, #tpu.memory_space<hbm>>
        %dma_wait3A_319 = arith.constant 0 : i32
        %dma_wait3A_320 = arith.constant 0 : i32
        %dma_wait3A_321 = tpu.memref_slice %arg17[%dma_wait3A_319, %dma_wait3A_320] : memref<128x128xf32, #tpu.memory_space<vmem>> -> memref<64x128xf32, #tpu.memory_space<vmem>>
        tpu.wait_dma2 semaphore(%run_scoped3A : memref<!tpu.dma_semaphore, #tpu.memory_space<semaphore_mem>>) src(%dma_wait3A_321 : memref<64x128xf32, #tpu.memory_space<vmem>>) dst(%dma_wait3A_318 : memref<64x128xf32, #tpu.memory_space<hbm>>)
        tpu.yield
      }) : () -> ()
    } else {
    }
    %dma_start3A_132 = arith.constant 0 : i32
    %dma_start3A_133 = arith.constant 0 : i32
    %dma_start3A_134 = tpu.memref_slice %arg17[%dma_start3A_132, %dma_start3A_133] : memref<128x128xf32, #tpu.memory_space<vmem>> -> memref<64x128xf32, #tpu.memory_space<vmem>>
    %dma_start3A_135 = arith.constant 64 : i32
    %dma_start3A_136 = tpu.memref_slice %arg24[%dma_start3A_135] : memref<256xi32, #tpu.memory_space<vmem>> -> memref<64xi32, #tpu.memory_space<vmem>>
    %dma_start3A_137 = arith.constant 0 : i32
    %dma_start3A_138 = arith.constant 0 : i32
    %dma_start3A_139 = tpu.memref_slice %arg19[%dma_start3A_137, %dma_start3A_138] : memref<10240x128xf32, #tpu.memory_space<vmem_shared>> -> memref<10240x128xf32, #tpu.memory_space<vmem_shared>>
    tpu.enqueue_indirect_dma source(%dma_start3A_139 : memref<10240x128xf32, #tpu.memory_space<vmem_shared>>) target(%dma_start3A_134 : memref<64x128xf32, #tpu.memory_space<vmem>>) offsets(%dma_start3A_136 : memref<64xi32, #tpu.memory_space<vmem>>) semaphore(%arg20 : memref<!tpu.dma_semaphore, #tpu.memory_space<semaphore_mem>>)
    %dma_wait3A_140 = arith.constant 0 : i32
    %dma_wait3A_141 = arith.constant 0 : i32
    %dma_wait3A_142 = tpu.memref_slice %arg17[%dma_wait3A_140, %dma_wait3A_141] : memref<128x128xf32, #tpu.memory_space<vmem>> -> memref<64x128xf32, #tpu.memory_space<vmem>>
    %dma_wait3A_143 = arith.constant 64 : i32
    %dma_wait3A_144 = tpu.memref_slice %arg24[%dma_wait3A_143] : memref<256xi32, #tpu.memory_space<vmem>> -> memref<64xi32, #tpu.memory_space<vmem>>
    %dma_wait3A_145 = arith.constant 0 : i32
    %dma_wait3A_146 = arith.constant 0 : i32
    %dma_wait3A_147 = tpu.memref_slice %arg19[%dma_wait3A_145, %dma_wait3A_146] : memref<10240x128xf32, #tpu.memory_space<vmem_shared>> -> memref<10240x128xf32, #tpu.memory_space<vmem_shared>>
    tpu.wait_indirect_dma semaphore(%arg20 : memref<!tpu.dma_semaphore, #tpu.memory_space<semaphore_mem>>) src(%dma_wait3A_147 : memref<10240x128xf32, #tpu.memory_space<vmem_shared>>) dst(%dma_wait3A_142 : memref<64x128xf32, #tpu.memory_space<vmem>>)
    %eq3A_148 = arith.constant 0 : i32
    %eq3A_149 = arith.cmpi eq, %arg0, %eq3A_148 : i32
    %convert_element_type3A_150 = arith.extui %eq3A_149 : i1 to i32
    %cond3A_151 = arith.constant 0 : i32
    %cond3A_152 = arith.cmpi ne, %convert_element_type3A_150, %cond3A_151 : i32
    scf.if %cond3A_152 {
      %dma_start3A_298 = arith.constant 0 : i32
      %dma_start3A_299 = arith.constant 0 : i32
      %dma_start3A_300 = tpu.memref_slice %arg17[%dma_start3A_298, %dma_start3A_299] : memref<128x128xf32, #tpu.memory_space<vmem>> -> memref<64x128xf32, #tpu.memory_space<vmem>>
      %dma_start3A_301 = arith.constant 64 : i32
      %dma_start3A_302 = tpu.memref_slice %arg24[%dma_start3A_301] : memref<256xi32, #tpu.memory_space<vmem>> -> memref<64xi32, #tpu.memory_space<vmem>>
      %dma_start3A_303 = arith.constant 0 : i32
      %dma_start3A_304 = arith.constant 0 : i32
      %dma_start3A_305 = tpu.memref_slice %arg2[%dma_start3A_303, %dma_start3A_304] : memref<10240x128xf32, #tpu.memory_space<hbm>> -> memref<10240x128xf32, #tpu.memory_space<hbm>>
      tpu.enqueue_indirect_dma source(%dma_start3A_305 : memref<10240x128xf32, #tpu.memory_space<hbm>>) target(%dma_start3A_300 : memref<64x128xf32, #tpu.memory_space<vmem>>) offsets(%dma_start3A_302 : memref<64xi32, #tpu.memory_space<vmem>>) semaphore(%arg20 : memref<!tpu.dma_semaphore, #tpu.memory_space<semaphore_mem>>) {add = true}
      %dma_wait3A_306 = arith.constant 0 : i32
      %dma_wait3A_307 = arith.constant 0 : i32
      %dma_wait3A_308 = tpu.memref_slice %arg17[%dma_wait3A_306, %dma_wait3A_307] : memref<128x128xf32, #tpu.memory_space<vmem>> -> memref<64x128xf32, #tpu.memory_space<vmem>>
      %dma_wait3A_309 = arith.constant 64 : i32
      %dma_wait3A_310 = tpu.memref_slice %arg24[%dma_wait3A_309] : memref<256xi32, #tpu.memory_space<vmem>> -> memref<64xi32, #tpu.memory_space<vmem>>
      %dma_wait3A_311 = arith.constant 0 : i32
      %dma_wait3A_312 = arith.constant 0 : i32
      %dma_wait3A_313 = tpu.memref_slice %arg2[%dma_wait3A_311, %dma_wait3A_312] : memref<10240x128xf32, #tpu.memory_space<hbm>> -> memref<10240x128xf32, #tpu.memory_space<hbm>>
      tpu.wait_indirect_dma semaphore(%arg20 : memref<!tpu.dma_semaphore, #tpu.memory_space<semaphore_mem>>) src(%dma_wait3A_313 : memref<10240x128xf32, #tpu.memory_space<hbm>>) dst(%dma_wait3A_308 : memref<64x128xf32, #tpu.memory_space<vmem>>)
      %mul3A_314 = arith.constant 256 : i32
      %mul3A_315 = arith.muli %arg1, %mul3A_314 : i32
      %add3A_316 = arith.constant 64 : i32
      %add3A_317 = arith.addi %mul3A_315, %add3A_316 : i32
      "tpu.region"() ({
        %run_scoped3A = tpu.sem_alloc : memref<!tpu.dma_semaphore, #tpu.memory_space<semaphore_mem>>
        %dma_start3A_318 = arith.constant 0 : i32
        %dma_start3A_319 = arith.constant 0 : i32
        %dma_start3A_320 = tpu.memref_slice %arg17[%dma_start3A_318, %dma_start3A_319] : memref<128x128xf32, #tpu.memory_space<vmem>> -> memref<64x128xf32, #tpu.memory_space<vmem>>
        %dma_start3A_321 = arith.constant 0 : i32
        %dma_start3A_322 = tpu.memref_slice %arg9[%add3A_317, %dma_start3A_321] : memref<4096x128xf32, #tpu.memory_space<hbm>> -> memref<64x128xf32, #tpu.memory_space<hbm>>
        %dma_start3A_323 = arith.constant 0 : i32
        %dma_start3A_324 = tpu.memref_slice %arg9[%add3A_317, %dma_start3A_323] : memref<4096x128xf32, #tpu.memory_space<hbm>> -> memref<64x128xf32, #tpu.memory_space<hbm>>
        %dma_start3A_325 = arith.constant 0 : i32
        %dma_start3A_326 = arith.constant 0 : i32
        %dma_start3A_327 = tpu.memref_slice %arg17[%dma_start3A_325, %dma_start3A_326] : memref<128x128xf32, #tpu.memory_space<vmem>> -> memref<64x128xf32, #tpu.memory_space<vmem>>
        tpu.enqueue_dma source(%dma_start3A_327 : memref<64x128xf32, #tpu.memory_space<vmem>>) target(%dma_start3A_324 : memref<64x128xf32, #tpu.memory_space<hbm>>) target_semaphore(%run_scoped3A : memref<!tpu.dma_semaphore, #tpu.memory_space<semaphore_mem>>)
        %dma_wait3A_328 = arith.constant 0 : i32
        %dma_wait3A_329 = arith.constant 0 : i32
        %dma_wait3A_330 = tpu.memref_slice %arg17[%dma_wait3A_328, %dma_wait3A_329] : memref<128x128xf32, #tpu.memory_space<vmem>> -> memref<64x128xf32, #tpu.memory_space<vmem>>
        %dma_wait3A_331 = arith.constant 0 : i32
        %dma_wait3A_332 = tpu.memref_slice %arg9[%add3A_317, %dma_wait3A_331] : memref<4096x128xf32, #tpu.memory_space<hbm>> -> memref<64x128xf32, #tpu.memory_space<hbm>>
        %dma_wait3A_333 = arith.constant 0 : i32
        %dma_wait3A_334 = tpu.memref_slice %arg9[%add3A_317, %dma_wait3A_333] : memref<4096x128xf32, #tpu.memory_space<hbm>> -> memref<64x128xf32, #tpu.memory_space<hbm>>
        %dma_wait3A_335 = arith.constant 0 : i32
        %dma_wait3A_336 = arith.constant 0 : i32
        %dma_wait3A_337 = tpu.memref_slice %arg17[%dma_wait3A_335, %dma_wait3A_336] : memref<128x128xf32, #tpu.memory_space<vmem>> -> memref<64x128xf32, #tpu.memory_space<vmem>>
        tpu.wait_dma2 semaphore(%run_scoped3A : memref<!tpu.dma_semaphore, #tpu.memory_space<semaphore_mem>>) src(%dma_wait3A_337 : memref<64x128xf32, #tpu.memory_space<vmem>>) dst(%dma_wait3A_334 : memref<64x128xf32, #tpu.memory_space<hbm>>)
        tpu.yield
      }) : () -> ()
    } else {
    }
    %eq3A_153 = arith.constant 1 : i32
    %eq3A_154 = arith.cmpi eq, %arg0, %eq3A_153 : i32
    %convert_element_type3A_155 = arith.extui %eq3A_154 : i1 to i32
    %cond3A_156 = arith.constant 0 : i32
    %cond3A_157 = arith.cmpi ne, %convert_element_type3A_155, %cond3A_156 : i32
    scf.if %cond3A_157 {
      %mul3A_298 = arith.constant 256 : i32
      %mul3A_299 = arith.muli %arg1, %mul3A_298 : i32
      %add3A_300 = arith.constant 64 : i32
      %add3A_301 = arith.addi %mul3A_299, %add3A_300 : i32
      "tpu.region"() ({
        %run_scoped3A = tpu.sem_alloc : memref<!tpu.dma_semaphore, #tpu.memory_space<semaphore_mem>>
        %dma_start3A_302 = arith.constant 0 : i32
        %dma_start3A_303 = arith.constant 0 : i32
        %dma_start3A_304 = tpu.memref_slice %arg17[%dma_start3A_302, %dma_start3A_303] : memref<128x128xf32, #tpu.memory_space<vmem>> -> memref<64x128xf32, #tpu.memory_space<vmem>>
        %dma_start3A_305 = arith.constant 0 : i32
        %dma_start3A_306 = tpu.memref_slice %arg10[%add3A_301, %dma_start3A_305] : memref<4096x128xf32, #tpu.memory_space<hbm>> -> memref<64x128xf32, #tpu.memory_space<hbm>>
        %dma_start3A_307 = arith.constant 0 : i32
        %dma_start3A_308 = tpu.memref_slice %arg10[%add3A_301, %dma_start3A_307] : memref<4096x128xf32, #tpu.memory_space<hbm>> -> memref<64x128xf32, #tpu.memory_space<hbm>>
        %dma_start3A_309 = arith.constant 0 : i32
        %dma_start3A_310 = arith.constant 0 : i32
        %dma_start3A_311 = tpu.memref_slice %arg17[%dma_start3A_309, %dma_start3A_310] : memref<128x128xf32, #tpu.memory_space<vmem>> -> memref<64x128xf32, #tpu.memory_space<vmem>>
        tpu.enqueue_dma source(%dma_start3A_311 : memref<64x128xf32, #tpu.memory_space<vmem>>) target(%dma_start3A_308 : memref<64x128xf32, #tpu.memory_space<hbm>>) target_semaphore(%run_scoped3A : memref<!tpu.dma_semaphore, #tpu.memory_space<semaphore_mem>>)
        %dma_wait3A_312 = arith.constant 0 : i32
        %dma_wait3A_313 = arith.constant 0 : i32
        %dma_wait3A_314 = tpu.memref_slice %arg17[%dma_wait3A_312, %dma_wait3A_313] : memref<128x128xf32, #tpu.memory_space<vmem>> -> memref<64x128xf32, #tpu.memory_space<vmem>>
        %dma_wait3A_315 = arith.constant 0 : i32
        %dma_wait3A_316 = tpu.memref_slice %arg10[%add3A_301, %dma_wait3A_315] : memref<4096x128xf32, #tpu.memory_space<hbm>> -> memref<64x128xf32, #tpu.memory_space<hbm>>
        %dma_wait3A_317 = arith.constant 0 : i32
        %dma_wait3A_318 = tpu.memref_slice %arg10[%add3A_301, %dma_wait3A_317] : memref<4096x128xf32, #tpu.memory_space<hbm>> -> memref<64x128xf32, #tpu.memory_space<hbm>>
        %dma_wait3A_319 = arith.constant 0 : i32
        %dma_wait3A_320 = arith.constant 0 : i32
        %dma_wait3A_321 = tpu.memref_slice %arg17[%dma_wait3A_319, %dma_wait3A_320] : memref<128x128xf32, #tpu.memory_space<vmem>> -> memref<64x128xf32, #tpu.memory_space<vmem>>
        tpu.wait_dma2 semaphore(%run_scoped3A : memref<!tpu.dma_semaphore, #tpu.memory_space<semaphore_mem>>) src(%dma_wait3A_321 : memref<64x128xf32, #tpu.memory_space<vmem>>) dst(%dma_wait3A_318 : memref<64x128xf32, #tpu.memory_space<hbm>>)
        tpu.yield
      }) : () -> ()
    } else {
    }
    %dma_start3A_158 = arith.constant 0 : i32
    %dma_start3A_159 = arith.constant 0 : i32
    %dma_start3A_160 = tpu.memref_slice %arg17[%dma_start3A_158, %dma_start3A_159] : memref<128x128xf32, #tpu.memory_space<vmem>> -> memref<64x128xf32, #tpu.memory_space<vmem>>
    %dma_start3A_161 = arith.constant 128 : i32
    %dma_start3A_162 = tpu.memref_slice %arg24[%dma_start3A_161] : memref<256xi32, #tpu.memory_space<vmem>> -> memref<64xi32, #tpu.memory_space<vmem>>
    %dma_start3A_163 = arith.constant 0 : i32
    %dma_start3A_164 = arith.constant 0 : i32
    %dma_start3A_165 = tpu.memref_slice %arg19[%dma_start3A_163, %dma_start3A_164] : memref<10240x128xf32, #tpu.memory_space<vmem_shared>> -> memref<10240x128xf32, #tpu.memory_space<vmem_shared>>
    tpu.enqueue_indirect_dma source(%dma_start3A_165 : memref<10240x128xf32, #tpu.memory_space<vmem_shared>>) target(%dma_start3A_160 : memref<64x128xf32, #tpu.memory_space<vmem>>) offsets(%dma_start3A_162 : memref<64xi32, #tpu.memory_space<vmem>>) semaphore(%arg20 : memref<!tpu.dma_semaphore, #tpu.memory_space<semaphore_mem>>)
    %dma_wait3A_166 = arith.constant 0 : i32
    %dma_wait3A_167 = arith.constant 0 : i32
    %dma_wait3A_168 = tpu.memref_slice %arg17[%dma_wait3A_166, %dma_wait3A_167] : memref<128x128xf32, #tpu.memory_space<vmem>> -> memref<64x128xf32, #tpu.memory_space<vmem>>
    %dma_wait3A_169 = arith.constant 128 : i32
    %dma_wait3A_170 = tpu.memref_slice %arg24[%dma_wait3A_169] : memref<256xi32, #tpu.memory_space<vmem>> -> memref<64xi32, #tpu.memory_space<vmem>>
    %dma_wait3A_171 = arith.constant 0 : i32
    %dma_wait3A_172 = arith.constant 0 : i32
    %dma_wait3A_173 = tpu.memref_slice %arg19[%dma_wait3A_171, %dma_wait3A_172] : memref<10240x128xf32, #tpu.memory_space<vmem_shared>> -> memref<10240x128xf32, #tpu.memory_space<vmem_shared>>
    tpu.wait_indirect_dma semaphore(%arg20 : memref<!tpu.dma_semaphore, #tpu.memory_space<semaphore_mem>>) src(%dma_wait3A_173 : memref<10240x128xf32, #tpu.memory_space<vmem_shared>>) dst(%dma_wait3A_168 : memref<64x128xf32, #tpu.memory_space<vmem>>)
    %eq3A_174 = arith.constant 0 : i32
    %eq3A_175 = arith.cmpi eq, %arg0, %eq3A_174 : i32
    %convert_element_type3A_176 = arith.extui %eq3A_175 : i1 to i32
    %cond3A_177 = arith.constant 0 : i32
    %cond3A_178 = arith.cmpi ne, %convert_element_type3A_176, %cond3A_177 : i32
    scf.if %cond3A_178 {
      %dma_start3A_298 = arith.constant 0 : i32
      %dma_start3A_299 = arith.constant 0 : i32
      %dma_start3A_300 = tpu.memref_slice %arg17[%dma_start3A_298, %dma_start3A_299] : memref<128x128xf32, #tpu.memory_space<vmem>> -> memref<64x128xf32, #tpu.memory_space<vmem>>
      %dma_start3A_301 = arith.constant 128 : i32
      %dma_start3A_302 = tpu.memref_slice %arg24[%dma_start3A_301] : memref<256xi32, #tpu.memory_space<vmem>> -> memref<64xi32, #tpu.memory_space<vmem>>
      %dma_start3A_303 = arith.constant 0 : i32
      %dma_start3A_304 = arith.constant 0 : i32
      %dma_start3A_305 = tpu.memref_slice %arg2[%dma_start3A_303, %dma_start3A_304] : memref<10240x128xf32, #tpu.memory_space<hbm>> -> memref<10240x128xf32, #tpu.memory_space<hbm>>
      tpu.enqueue_indirect_dma source(%dma_start3A_305 : memref<10240x128xf32, #tpu.memory_space<hbm>>) target(%dma_start3A_300 : memref<64x128xf32, #tpu.memory_space<vmem>>) offsets(%dma_start3A_302 : memref<64xi32, #tpu.memory_space<vmem>>) semaphore(%arg20 : memref<!tpu.dma_semaphore, #tpu.memory_space<semaphore_mem>>) {add = true}
      %dma_wait3A_306 = arith.constant 0 : i32
      %dma_wait3A_307 = arith.constant 0 : i32
      %dma_wait3A_308 = tpu.memref_slice %arg17[%dma_wait3A_306, %dma_wait3A_307] : memref<128x128xf32, #tpu.memory_space<vmem>> -> memref<64x128xf32, #tpu.memory_space<vmem>>
      %dma_wait3A_309 = arith.constant 128 : i32
      %dma_wait3A_310 = tpu.memref_slice %arg24[%dma_wait3A_309] : memref<256xi32, #tpu.memory_space<vmem>> -> memref<64xi32, #tpu.memory_space<vmem>>
      %dma_wait3A_311 = arith.constant 0 : i32
      %dma_wait3A_312 = arith.constant 0 : i32
      %dma_wait3A_313 = tpu.memref_slice %arg2[%dma_wait3A_311, %dma_wait3A_312] : memref<10240x128xf32, #tpu.memory_space<hbm>> -> memref<10240x128xf32, #tpu.memory_space<hbm>>
      tpu.wait_indirect_dma semaphore(%arg20 : memref<!tpu.dma_semaphore, #tpu.memory_space<semaphore_mem>>) src(%dma_wait3A_313 : memref<10240x128xf32, #tpu.memory_space<hbm>>) dst(%dma_wait3A_308 : memref<64x128xf32, #tpu.memory_space<vmem>>)
      %mul3A_314 = arith.constant 256 : i32
      %mul3A_315 = arith.muli %arg1, %mul3A_314 : i32
      %add3A_316 = arith.constant 128 : i32
      %add3A_317 = arith.addi %mul3A_315, %add3A_316 : i32
      "tpu.region"() ({
        %run_scoped3A = tpu.sem_alloc : memref<!tpu.dma_semaphore, #tpu.memory_space<semaphore_mem>>
        %dma_start3A_318 = arith.constant 0 : i32
        %dma_start3A_319 = arith.constant 0 : i32
        %dma_start3A_320 = tpu.memref_slice %arg17[%dma_start3A_318, %dma_start3A_319] : memref<128x128xf32, #tpu.memory_space<vmem>> -> memref<64x128xf32, #tpu.memory_space<vmem>>
        %dma_start3A_321 = arith.constant 0 : i32
        %dma_start3A_322 = tpu.memref_slice %arg9[%add3A_317, %dma_start3A_321] : memref<4096x128xf32, #tpu.memory_space<hbm>> -> memref<64x128xf32, #tpu.memory_space<hbm>>
        %dma_start3A_323 = arith.constant 0 : i32
        %dma_start3A_324 = tpu.memref_slice %arg9[%add3A_317, %dma_start3A_323] : memref<4096x128xf32, #tpu.memory_space<hbm>> -> memref<64x128xf32, #tpu.memory_space<hbm>>
        %dma_start3A_325 = arith.constant 0 : i32
        %dma_start3A_326 = arith.constant 0 : i32
        %dma_start3A_327 = tpu.memref_slice %arg17[%dma_start3A_325, %dma_start3A_326] : memref<128x128xf32, #tpu.memory_space<vmem>> -> memref<64x128xf32, #tpu.memory_space<vmem>>
        tpu.enqueue_dma source(%dma_start3A_327 : memref<64x128xf32, #tpu.memory_space<vmem>>) target(%dma_start3A_324 : memref<64x128xf32, #tpu.memory_space<hbm>>) target_semaphore(%run_scoped3A : memref<!tpu.dma_semaphore, #tpu.memory_space<semaphore_mem>>)
        %dma_wait3A_328 = arith.constant 0 : i32
        %dma_wait3A_329 = arith.constant 0 : i32
        %dma_wait3A_330 = tpu.memref_slice %arg17[%dma_wait3A_328, %dma_wait3A_329] : memref<128x128xf32, #tpu.memory_space<vmem>> -> memref<64x128xf32, #tpu.memory_space<vmem>>
        %dma_wait3A_331 = arith.constant 0 : i32
        %dma_wait3A_332 = tpu.memref_slice %arg9[%add3A_317, %dma_wait3A_331] : memref<4096x128xf32, #tpu.memory_space<hbm>> -> memref<64x128xf32, #tpu.memory_space<hbm>>
        %dma_wait3A_333 = arith.constant 0 : i32
        %dma_wait3A_334 = tpu.memref_slice %arg9[%add3A_317, %dma_wait3A_333] : memref<4096x128xf32, #tpu.memory_space<hbm>> -> memref<64x128xf32, #tpu.memory_space<hbm>>
        %dma_wait3A_335 = arith.constant 0 : i32
        %dma_wait3A_336 = arith.constant 0 : i32
        %dma_wait3A_337 = tpu.memref_slice %arg17[%dma_wait3A_335, %dma_wait3A_336] : memref<128x128xf32, #tpu.memory_space<vmem>> -> memref<64x128xf32, #tpu.memory_space<vmem>>
        tpu.wait_dma2 semaphore(%run_scoped3A : memref<!tpu.dma_semaphore, #tpu.memory_space<semaphore_mem>>) src(%dma_wait3A_337 : memref<64x128xf32, #tpu.memory_space<vmem>>) dst(%dma_wait3A_334 : memref<64x128xf32, #tpu.memory_space<hbm>>)
        tpu.yield
      }) : () -> ()
    } else {
    }
    %eq3A_179 = arith.constant 1 : i32
    %eq3A_180 = arith.cmpi eq, %arg0, %eq3A_179 : i32
    %convert_element_type3A_181 = arith.extui %eq3A_180 : i1 to i32
    %cond3A_182 = arith.constant 0 : i32
    %cond3A_183 = arith.cmpi ne, %convert_element_type3A_181, %cond3A_182 : i32
    scf.if %cond3A_183 {
      %mul3A_298 = arith.constant 256 : i32
      %mul3A_299 = arith.muli %arg1, %mul3A_298 : i32
      %add3A_300 = arith.constant 128 : i32
      %add3A_301 = arith.addi %mul3A_299, %add3A_300 : i32
      "tpu.region"() ({
        %run_scoped3A = tpu.sem_alloc : memref<!tpu.dma_semaphore, #tpu.memory_space<semaphore_mem>>
        %dma_start3A_302 = arith.constant 0 : i32
        %dma_start3A_303 = arith.constant 0 : i32
        %dma_start3A_304 = tpu.memref_slice %arg17[%dma_start3A_302, %dma_start3A_303] : memref<128x128xf32, #tpu.memory_space<vmem>> -> memref<64x128xf32, #tpu.memory_space<vmem>>
        %dma_start3A_305 = arith.constant 0 : i32
        %dma_start3A_306 = tpu.memref_slice %arg10[%add3A_301, %dma_start3A_305] : memref<4096x128xf32, #tpu.memory_space<hbm>> -> memref<64x128xf32, #tpu.memory_space<hbm>>
        %dma_start3A_307 = arith.constant 0 : i32
        %dma_start3A_308 = tpu.memref_slice %arg10[%add3A_301, %dma_start3A_307] : memref<4096x128xf32, #tpu.memory_space<hbm>> -> memref<64x128xf32, #tpu.memory_space<hbm>>
        %dma_start3A_309 = arith.constant 0 : i32
        %dma_start3A_310 = arith.constant 0 : i32
        %dma_start3A_311 = tpu.memref_slice %arg17[%dma_start3A_309, %dma_start3A_310] : memref<128x128xf32, #tpu.memory_space<vmem>> -> memref<64x128xf32, #tpu.memory_space<vmem>>
        tpu.enqueue_dma source(%dma_start3A_311 : memref<64x128xf32, #tpu.memory_space<vmem>>) target(%dma_start3A_308 : memref<64x128xf32, #tpu.memory_space<hbm>>) target_semaphore(%run_scoped3A : memref<!tpu.dma_semaphore, #tpu.memory_space<semaphore_mem>>)
        %dma_wait3A_312 = arith.constant 0 : i32
        %dma_wait3A_313 = arith.constant 0 : i32
        %dma_wait3A_314 = tpu.memref_slice %arg17[%dma_wait3A_312, %dma_wait3A_313] : memref<128x128xf32, #tpu.memory_space<vmem>> -> memref<64x128xf32, #tpu.memory_space<vmem>>
        %dma_wait3A_315 = arith.constant 0 : i32
        %dma_wait3A_316 = tpu.memref_slice %arg10[%add3A_301, %dma_wait3A_315] : memref<4096x128xf32, #tpu.memory_space<hbm>> -> memref<64x128xf32, #tpu.memory_space<hbm>>
        %dma_wait3A_317 = arith.constant 0 : i32
        %dma_wait3A_318 = tpu.memref_slice %arg10[%add3A_301, %dma_wait3A_317] : memref<4096x128xf32, #tpu.memory_space<hbm>> -> memref<64x128xf32, #tpu.memory_space<hbm>>
        %dma_wait3A_319 = arith.constant 0 : i32
        %dma_wait3A_320 = arith.constant 0 : i32
        %dma_wait3A_321 = tpu.memref_slice %arg17[%dma_wait3A_319, %dma_wait3A_320] : memref<128x128xf32, #tpu.memory_space<vmem>> -> memref<64x128xf32, #tpu.memory_space<vmem>>
        tpu.wait_dma2 semaphore(%run_scoped3A : memref<!tpu.dma_semaphore, #tpu.memory_space<semaphore_mem>>) src(%dma_wait3A_321 : memref<64x128xf32, #tpu.memory_space<vmem>>) dst(%dma_wait3A_318 : memref<64x128xf32, #tpu.memory_space<hbm>>)
        tpu.yield
      }) : () -> ()
    } else {
    }
    %dma_start3A_184 = arith.constant 0 : i32
    %dma_start3A_185 = arith.constant 0 : i32
    %dma_start3A_186 = tpu.memref_slice %arg17[%dma_start3A_184, %dma_start3A_185] : memref<128x128xf32, #tpu.memory_space<vmem>> -> memref<64x128xf32, #tpu.memory_space<vmem>>
    %dma_start3A_187 = arith.constant 192 : i32
    %dma_start3A_188 = tpu.memref_slice %arg24[%dma_start3A_187] : memref<256xi32, #tpu.memory_space<vmem>> -> memref<64xi32, #tpu.memory_space<vmem>>
    %dma_start3A_189 = arith.constant 0 : i32
    %dma_start3A_190 = arith.constant 0 : i32
    %dma_start3A_191 = tpu.memref_slice %arg19[%dma_start3A_189, %dma_start3A_190] : memref<10240x128xf32, #tpu.memory_space<vmem_shared>> -> memref<10240x128xf32, #tpu.memory_space<vmem_shared>>
    tpu.enqueue_indirect_dma source(%dma_start3A_191 : memref<10240x128xf32, #tpu.memory_space<vmem_shared>>) target(%dma_start3A_186 : memref<64x128xf32, #tpu.memory_space<vmem>>) offsets(%dma_start3A_188 : memref<64xi32, #tpu.memory_space<vmem>>) semaphore(%arg20 : memref<!tpu.dma_semaphore, #tpu.memory_space<semaphore_mem>>)
    %dma_wait3A_192 = arith.constant 0 : i32
    %dma_wait3A_193 = arith.constant 0 : i32
    %dma_wait3A_194 = tpu.memref_slice %arg17[%dma_wait3A_192, %dma_wait3A_193] : memref<128x128xf32, #tpu.memory_space<vmem>> -> memref<64x128xf32, #tpu.memory_space<vmem>>
    %dma_wait3A_195 = arith.constant 192 : i32
    %dma_wait3A_196 = tpu.memref_slice %arg24[%dma_wait3A_195] : memref<256xi32, #tpu.memory_space<vmem>> -> memref<64xi32, #tpu.memory_space<vmem>>
    %dma_wait3A_197 = arith.constant 0 : i32
    %dma_wait3A_198 = arith.constant 0 : i32
    %dma_wait3A_199 = tpu.memref_slice %arg19[%dma_wait3A_197, %dma_wait3A_198] : memref<10240x128xf32, #tpu.memory_space<vmem_shared>> -> memref<10240x128xf32, #tpu.memory_space<vmem_shared>>
    tpu.wait_indirect_dma semaphore(%arg20 : memref<!tpu.dma_semaphore, #tpu.memory_space<semaphore_mem>>) src(%dma_wait3A_199 : memref<10240x128xf32, #tpu.memory_space<vmem_shared>>) dst(%dma_wait3A_194 : memref<64x128xf32, #tpu.memory_space<vmem>>)
    %eq3A_200 = arith.constant 0 : i32
    %eq3A_201 = arith.cmpi eq, %arg0, %eq3A_200 : i32
    %convert_element_type3A_202 = arith.extui %eq3A_201 : i1 to i32
    %cond3A_203 = arith.constant 0 : i32
    %cond3A_204 = arith.cmpi ne, %convert_element_type3A_202, %cond3A_203 : i32
    scf.if %cond3A_204 {
      %dma_start3A_298 = arith.constant 0 : i32
      %dma_start3A_299 = arith.constant 0 : i32
      %dma_start3A_300 = tpu.memref_slice %arg17[%dma_start3A_298, %dma_start3A_299] : memref<128x128xf32, #tpu.memory_space<vmem>> -> memref<64x128xf32, #tpu.memory_space<vmem>>
      %dma_start3A_301 = arith.constant 192 : i32
      %dma_start3A_302 = tpu.memref_slice %arg24[%dma_start3A_301] : memref<256xi32, #tpu.memory_space<vmem>> -> memref<64xi32, #tpu.memory_space<vmem>>
      %dma_start3A_303 = arith.constant 0 : i32
      %dma_start3A_304 = arith.constant 0 : i32
      %dma_start3A_305 = tpu.memref_slice %arg2[%dma_start3A_303, %dma_start3A_304] : memref<10240x128xf32, #tpu.memory_space<hbm>> -> memref<10240x128xf32, #tpu.memory_space<hbm>>
      tpu.enqueue_indirect_dma source(%dma_start3A_305 : memref<10240x128xf32, #tpu.memory_space<hbm>>) target(%dma_start3A_300 : memref<64x128xf32, #tpu.memory_space<vmem>>) offsets(%dma_start3A_302 : memref<64xi32, #tpu.memory_space<vmem>>) semaphore(%arg20 : memref<!tpu.dma_semaphore, #tpu.memory_space<semaphore_mem>>) {add = true}
      %dma_wait3A_306 = arith.constant 0 : i32
      %dma_wait3A_307 = arith.constant 0 : i32
      %dma_wait3A_308 = tpu.memref_slice %arg17[%dma_wait3A_306, %dma_wait3A_307] : memref<128x128xf32, #tpu.memory_space<vmem>> -> memref<64x128xf32, #tpu.memory_space<vmem>>
      %dma_wait3A_309 = arith.constant 192 : i32
      %dma_wait3A_310 = tpu.memref_slice %arg24[%dma_wait3A_309] : memref<256xi32, #tpu.memory_space<vmem>> -> memref<64xi32, #tpu.memory_space<vmem>>
      %dma_wait3A_311 = arith.constant 0 : i32
      %dma_wait3A_312 = arith.constant 0 : i32
      %dma_wait3A_313 = tpu.memref_slice %arg2[%dma_wait3A_311, %dma_wait3A_312] : memref<10240x128xf32, #tpu.memory_space<hbm>> -> memref<10240x128xf32, #tpu.memory_space<hbm>>
      tpu.wait_indirect_dma semaphore(%arg20 : memref<!tpu.dma_semaphore, #tpu.memory_space<semaphore_mem>>) src(%dma_wait3A_313 : memref<10240x128xf32, #tpu.memory_space<hbm>>) dst(%dma_wait3A_308 : memref<64x128xf32, #tpu.memory_space<vmem>>)
      %mul3A_314 = arith.constant 256 : i32
      %mul3A_315 = arith.muli %arg1, %mul3A_314 : i32
      %add3A_316 = arith.constant 192 : i32
      %add3A_317 = arith.addi %mul3A_315, %add3A_316 : i32
      "tpu.region"() ({
        %run_scoped3A = tpu.sem_alloc : memref<!tpu.dma_semaphore, #tpu.memory_space<semaphore_mem>>
        %dma_start3A_318 = arith.constant 0 : i32
        %dma_start3A_319 = arith.constant 0 : i32
        %dma_start3A_320 = tpu.memref_slice %arg17[%dma_start3A_318, %dma_start3A_319] : memref<128x128xf32, #tpu.memory_space<vmem>> -> memref<64x128xf32, #tpu.memory_space<vmem>>
        %dma_start3A_321 = arith.constant 0 : i32
        %dma_start3A_322 = tpu.memref_slice %arg9[%add3A_317, %dma_start3A_321] : memref<4096x128xf32, #tpu.memory_space<hbm>> -> memref<64x128xf32, #tpu.memory_space<hbm>>
        %dma_start3A_323 = arith.constant 0 : i32
        %dma_start3A_324 = tpu.memref_slice %arg9[%add3A_317, %dma_start3A_323] : memref<4096x128xf32, #tpu.memory_space<hbm>> -> memref<64x128xf32, #tpu.memory_space<hbm>>
        %dma_start3A_325 = arith.constant 0 : i32
        %dma_start3A_326 = arith.constant 0 : i32
        %dma_start3A_327 = tpu.memref_slice %arg17[%dma_start3A_325, %dma_start3A_326] : memref<128x128xf32, #tpu.memory_space<vmem>> -> memref<64x128xf32, #tpu.memory_space<vmem>>
        tpu.enqueue_dma source(%dma_start3A_327 : memref<64x128xf32, #tpu.memory_space<vmem>>) target(%dma_start3A_324 : memref<64x128xf32, #tpu.memory_space<hbm>>) target_semaphore(%run_scoped3A : memref<!tpu.dma_semaphore, #tpu.memory_space<semaphore_mem>>)
        %dma_wait3A_328 = arith.constant 0 : i32
        %dma_wait3A_329 = arith.constant 0 : i32
        %dma_wait3A_330 = tpu.memref_slice %arg17[%dma_wait3A_328, %dma_wait3A_329] : memref<128x128xf32, #tpu.memory_space<vmem>> -> memref<64x128xf32, #tpu.memory_space<vmem>>
        %dma_wait3A_331 = arith.constant 0 : i32
        %dma_wait3A_332 = tpu.memref_slice %arg9[%add3A_317, %dma_wait3A_331] : memref<4096x128xf32, #tpu.memory_space<hbm>> -> memref<64x128xf32, #tpu.memory_space<hbm>>
        %dma_wait3A_333 = arith.constant 0 : i32
        %dma_wait3A_334 = tpu.memref_slice %arg9[%add3A_317, %dma_wait3A_333] : memref<4096x128xf32, #tpu.memory_space<hbm>> -> memref<64x128xf32, #tpu.memory_space<hbm>>
        %dma_wait3A_335 = arith.constant 0 : i32
        %dma_wait3A_336 = arith.constant 0 : i32
        %dma_wait3A_337 = tpu.memref_slice %arg17[%dma_wait3A_335, %dma_wait3A_336] : memref<128x128xf32, #tpu.memory_space<vmem>> -> memref<64x128xf32, #tpu.memory_space<vmem>>
        tpu.wait_dma2 semaphore(%run_scoped3A : memref<!tpu.dma_semaphore, #tpu.memory_space<semaphore_mem>>) src(%dma_wait3A_337 : memref<64x128xf32, #tpu.memory_space<vmem>>) dst(%dma_wait3A_334 : memref<64x128xf32, #tpu.memory_space<hbm>>)
        tpu.yield
      }) : () -> ()
    } else {
    }
    %eq3A_205 = arith.constant 1 : i32
    %eq3A_206 = arith.cmpi eq, %arg0, %eq3A_205 : i32
    %convert_element_type3A_207 = arith.extui %eq3A_206 : i1 to i32
    %cond3A_208 = arith.constant 0 : i32
    %cond3A_209 = arith.cmpi ne, %convert_element_type3A_207, %cond3A_208 : i32
    scf.if %cond3A_209 {
      %mul3A_298 = arith.constant 256 : i32
      %mul3A_299 = arith.muli %arg1, %mul3A_298 : i32
      %add3A_300 = arith.constant 192 : i32
      %add3A_301 = arith.addi %mul3A_299, %add3A_300 : i32
      "tpu.region"() ({
        %run_scoped3A = tpu.sem_alloc : memref<!tpu.dma_semaphore, #tpu.memory_space<semaphore_mem>>
        %dma_start3A_302 = arith.constant 0 : i32
        %dma_start3A_303 = arith.constant 0 : i32
        %dma_start3A_304 = tpu.memref_slice %arg17[%dma_start3A_302, %dma_start3A_303] : memref<128x128xf32, #tpu.memory_space<vmem>> -> memref<64x128xf32, #tpu.memory_space<vmem>>
        %dma_start3A_305 = arith.constant 0 : i32
        %dma_start3A_306 = tpu.memref_slice %arg10[%add3A_301, %dma_start3A_305] : memref<4096x128xf32, #tpu.memory_space<hbm>> -> memref<64x128xf32, #tpu.memory_space<hbm>>
        %dma_start3A_307 = arith.constant 0 : i32
        %dma_start3A_308 = tpu.memref_slice %arg10[%add3A_301, %dma_start3A_307] : memref<4096x128xf32, #tpu.memory_space<hbm>> -> memref<64x128xf32, #tpu.memory_space<hbm>>
        %dma_start3A_309 = arith.constant 0 : i32
        %dma_start3A_310 = arith.constant 0 : i32
        %dma_start3A_311 = tpu.memref_slice %arg17[%dma_start3A_309, %dma_start3A_310] : memref<128x128xf32, #tpu.memory_space<vmem>> -> memref<64x128xf32, #tpu.memory_space<vmem>>
        tpu.enqueue_dma source(%dma_start3A_311 : memref<64x128xf32, #tpu.memory_space<vmem>>) target(%dma_start3A_308 : memref<64x128xf32, #tpu.memory_space<hbm>>) target_semaphore(%run_scoped3A : memref<!tpu.dma_semaphore, #tpu.memory_space<semaphore_mem>>)
        %dma_wait3A_312 = arith.constant 0 : i32
        %dma_wait3A_313 = arith.constant 0 : i32
        %dma_wait3A_314 = tpu.memref_slice %arg17[%dma_wait3A_312, %dma_wait3A_313] : memref<128x128xf32, #tpu.memory_space<vmem>> -> memref<64x128xf32, #tpu.memory_space<vmem>>
        %dma_wait3A_315 = arith.constant 0 : i32
        %dma_wait3A_316 = tpu.memref_slice %arg10[%add3A_301, %dma_wait3A_315] : memref<4096x128xf32, #tpu.memory_space<hbm>> -> memref<64x128xf32, #tpu.memory_space<hbm>>
        %dma_wait3A_317 = arith.constant 0 : i32
        %dma_wait3A_318 = tpu.memref_slice %arg10[%add3A_301, %dma_wait3A_317] : memref<4096x128xf32, #tpu.memory_space<hbm>> -> memref<64x128xf32, #tpu.memory_space<hbm>>
        %dma_wait3A_319 = arith.constant 0 : i32
        %dma_wait3A_320 = arith.constant 0 : i32
        %dma_wait3A_321 = tpu.memref_slice %arg17[%dma_wait3A_319, %dma_wait3A_320] : memref<128x128xf32, #tpu.memory_space<vmem>> -> memref<64x128xf32, #tpu.memory_space<vmem>>
        tpu.wait_dma2 semaphore(%run_scoped3A : memref<!tpu.dma_semaphore, #tpu.memory_space<semaphore_mem>>) src(%dma_wait3A_321 : memref<64x128xf32, #tpu.memory_space<vmem>>) dst(%dma_wait3A_318 : memref<64x128xf32, #tpu.memory_space<hbm>>)
        tpu.yield
      }) : () -> ()
    } else {
    }
    %mul3A_210 = arith.constant 128 : i32
    %mul3A_211 = arith.muli %arg0, %mul3A_210 : i32
    %add3A_212 = arith.constant 0 : i32
    %add3A_213 = arith.addi %mul3A_211, %add3A_212 : i32
    %dma_start3A_214 = arith.constant 0 : i32
    %dma_start3A_215 = arith.constant 0 : i32
    %dma_start3A_216 = tpu.memref_slice %arg18[%dma_start3A_214, %dma_start3A_215] : memref<128x128xf32, #tpu.memory_space<vmem>> -> memref<64x128xf32, #tpu.memory_space<vmem>>
    %dma_start3A_217 = tpu.memref_slice %arg24[%add3A_213] : memref<256xi32, #tpu.memory_space<vmem>> -> memref<64xi32, #tpu.memory_space<vmem>>
    %dma_start3A_218 = arith.constant 0 : i32
    %dma_start3A_219 = arith.constant 0 : i32
    %dma_start3A_220 = tpu.memref_slice %arg6[%dma_start3A_218, %dma_start3A_219] : memref<8000x128xf32, #tpu.memory_space<hbm>> -> memref<8000x128xf32, #tpu.memory_space<hbm>>
    tpu.enqueue_indirect_dma source(%dma_start3A_220 : memref<8000x128xf32, #tpu.memory_space<hbm>>) target(%dma_start3A_216 : memref<64x128xf32, #tpu.memory_space<vmem>>) offsets(%dma_start3A_217 : memref<64xi32, #tpu.memory_space<vmem>>) semaphore(%arg21 : memref<!tpu.dma_semaphore, #tpu.memory_space<semaphore_mem>>)
    %dma_wait3A_221 = arith.constant 0 : i32
    %dma_wait3A_222 = arith.constant 0 : i32
    %dma_wait3A_223 = tpu.memref_slice %arg18[%dma_wait3A_221, %dma_wait3A_222] : memref<128x128xf32, #tpu.memory_space<vmem>> -> memref<64x128xf32, #tpu.memory_space<vmem>>
    %dma_wait3A_224 = tpu.memref_slice %arg24[%add3A_213] : memref<256xi32, #tpu.memory_space<vmem>> -> memref<64xi32, #tpu.memory_space<vmem>>
    %dma_wait3A_225 = arith.constant 0 : i32
    %dma_wait3A_226 = arith.constant 0 : i32
    %dma_wait3A_227 = tpu.memref_slice %arg6[%dma_wait3A_225, %dma_wait3A_226] : memref<8000x128xf32, #tpu.memory_space<hbm>> -> memref<8000x128xf32, #tpu.memory_space<hbm>>
    tpu.wait_indirect_dma semaphore(%arg21 : memref<!tpu.dma_semaphore, #tpu.memory_space<semaphore_mem>>) src(%dma_wait3A_227 : memref<8000x128xf32, #tpu.memory_space<hbm>>) dst(%dma_wait3A_223 : memref<64x128xf32, #tpu.memory_space<vmem>>)
    %mul3A_228 = arith.constant 128 : i32
    %mul3A_229 = arith.muli %add3A, %mul3A_228 : i32
    %add3A_230 = arith.constant 0 : i32
    %add3A_231 = arith.addi %mul3A_229, %add3A_230 : i32
    "tpu.region"() ({
      %run_scoped3A = tpu.sem_alloc : memref<!tpu.dma_semaphore, #tpu.memory_space<semaphore_mem>>
      %dma_start3A_298 = arith.constant 0 : i32
      %dma_start3A_299 = arith.constant 0 : i32
      %dma_start3A_300 = tpu.memref_slice %arg18[%dma_start3A_298, %dma_start3A_299] : memref<128x128xf32, #tpu.memory_space<vmem>> -> memref<64x128xf32, #tpu.memory_space<vmem>>
      %dma_start3A_301 = arith.constant 0 : i32
      %dma_start3A_302 = tpu.memref_slice %arg11[%add3A_231, %dma_start3A_301] : memref<4096x128xf32, #tpu.memory_space<hbm>> -> memref<64x128xf32, #tpu.memory_space<hbm>>
      %dma_start3A_303 = arith.constant 0 : i32
      %dma_start3A_304 = tpu.memref_slice %arg11[%add3A_231, %dma_start3A_303] : memref<4096x128xf32, #tpu.memory_space<hbm>> -> memref<64x128xf32, #tpu.memory_space<hbm>>
      %dma_start3A_305 = arith.constant 0 : i32
      %dma_start3A_306 = arith.constant 0 : i32
      %dma_start3A_307 = tpu.memref_slice %arg18[%dma_start3A_305, %dma_start3A_306] : memref<128x128xf32, #tpu.memory_space<vmem>> -> memref<64x128xf32, #tpu.memory_space<vmem>>
      tpu.enqueue_dma source(%dma_start3A_307 : memref<64x128xf32, #tpu.memory_space<vmem>>) target(%dma_start3A_304 : memref<64x128xf32, #tpu.memory_space<hbm>>) target_semaphore(%run_scoped3A : memref<!tpu.dma_semaphore, #tpu.memory_space<semaphore_mem>>)
      %dma_wait3A_308 = arith.constant 0 : i32
      %dma_wait3A_309 = arith.constant 0 : i32
      %dma_wait3A_310 = tpu.memref_slice %arg18[%dma_wait3A_308, %dma_wait3A_309] : memref<128x128xf32, #tpu.memory_space<vmem>> -> memref<64x128xf32, #tpu.memory_space<vmem>>
      %dma_wait3A_311 = arith.constant 0 : i32
      %dma_wait3A_312 = tpu.memref_slice %arg11[%add3A_231, %dma_wait3A_311] : memref<4096x128xf32, #tpu.memory_space<hbm>> -> memref<64x128xf32, #tpu.memory_space<hbm>>
      %dma_wait3A_313 = arith.constant 0 : i32
      %dma_wait3A_314 = tpu.memref_slice %arg11[%add3A_231, %dma_wait3A_313] : memref<4096x128xf32, #tpu.memory_space<hbm>> -> memref<64x128xf32, #tpu.memory_space<hbm>>
      %dma_wait3A_315 = arith.constant 0 : i32
      %dma_wait3A_316 = arith.constant 0 : i32
      %dma_wait3A_317 = tpu.memref_slice %arg18[%dma_wait3A_315, %dma_wait3A_316] : memref<128x128xf32, #tpu.memory_space<vmem>> -> memref<64x128xf32, #tpu.memory_space<vmem>>
      tpu.wait_dma2 semaphore(%run_scoped3A : memref<!tpu.dma_semaphore, #tpu.memory_space<semaphore_mem>>) src(%dma_wait3A_317 : memref<64x128xf32, #tpu.memory_space<vmem>>) dst(%dma_wait3A_314 : memref<64x128xf32, #tpu.memory_space<hbm>>)
      tpu.yield
    }) : () -> ()
    %mul3A_232 = arith.constant 128 : i32
    %mul3A_233 = arith.muli %arg0, %mul3A_232 : i32
    %add3A_234 = arith.constant 64 : i32
    %add3A_235 = arith.addi %mul3A_233, %add3A_234 : i32
    %dma_start3A_236 = arith.constant 0 : i32
    %dma_start3A_237 = arith.constant 0 : i32
    %dma_start3A_238 = tpu.memref_slice %arg18[%dma_start3A_236, %dma_start3A_237] : memref<128x128xf32, #tpu.memory_space<vmem>> -> memref<64x128xf32, #tpu.memory_space<vmem>>
    %dma_start3A_239 = tpu.memref_slice %arg24[%add3A_235] : memref<256xi32, #tpu.memory_space<vmem>> -> memref<64xi32, #tpu.memory_space<vmem>>
    %dma_start3A_240 = arith.constant 0 : i32
    %dma_start3A_241 = arith.constant 0 : i32
    %dma_start3A_242 = tpu.memref_slice %arg6[%dma_start3A_240, %dma_start3A_241] : memref<8000x128xf32, #tpu.memory_space<hbm>> -> memref<8000x128xf32, #tpu.memory_space<hbm>>
    tpu.enqueue_indirect_dma source(%dma_start3A_242 : memref<8000x128xf32, #tpu.memory_space<hbm>>) target(%dma_start3A_238 : memref<64x128xf32, #tpu.memory_space<vmem>>) offsets(%dma_start3A_239 : memref<64xi32, #tpu.memory_space<vmem>>) semaphore(%arg21 : memref<!tpu.dma_semaphore, #tpu.memory_space<semaphore_mem>>)
    %dma_wait3A_243 = arith.constant 0 : i32
    %dma_wait3A_244 = arith.constant 0 : i32
    %dma_wait3A_245 = tpu.memref_slice %arg18[%dma_wait3A_243, %dma_wait3A_244] : memref<128x128xf32, #tpu.memory_space<vmem>> -> memref<64x128xf32, #tpu.memory_space<vmem>>
    %dma_wait3A_246 = tpu.memref_slice %arg24[%add3A_235] : memref<256xi32, #tpu.memory_space<vmem>> -> memref<64xi32, #tpu.memory_space<vmem>>
    %dma_wait3A_247 = arith.constant 0 : i32
    %dma_wait3A_248 = arith.constant 0 : i32
    %dma_wait3A_249 = tpu.memref_slice %arg6[%dma_wait3A_247, %dma_wait3A_248] : memref<8000x128xf32, #tpu.memory_space<hbm>> -> memref<8000x128xf32, #tpu.memory_space<hbm>>
    tpu.wait_indirect_dma semaphore(%arg21 : memref<!tpu.dma_semaphore, #tpu.memory_space<semaphore_mem>>) src(%dma_wait3A_249 : memref<8000x128xf32, #tpu.memory_space<hbm>>) dst(%dma_wait3A_245 : memref<64x128xf32, #tpu.memory_space<vmem>>)
    %mul3A_250 = arith.constant 128 : i32
    %mul3A_251 = arith.muli %add3A, %mul3A_250 : i32
    %add3A_252 = arith.constant 64 : i32
    %add3A_253 = arith.addi %mul3A_251, %add3A_252 : i32
    "tpu.region"() ({
      %run_scoped3A = tpu.sem_alloc : memref<!tpu.dma_semaphore, #tpu.memory_space<semaphore_mem>>
      %dma_start3A_298 = arith.constant 0 : i32
      %dma_start3A_299 = arith.constant 0 : i32
      %dma_start3A_300 = tpu.memref_slice %arg18[%dma_start3A_298, %dma_start3A_299] : memref<128x128xf32, #tpu.memory_space<vmem>> -> memref<64x128xf32, #tpu.memory_space<vmem>>
      %dma_start3A_301 = arith.constant 0 : i32
      %dma_start3A_302 = tpu.memref_slice %arg11[%add3A_253, %dma_start3A_301] : memref<4096x128xf32, #tpu.memory_space<hbm>> -> memref<64x128xf32, #tpu.memory_space<hbm>>
      %dma_start3A_303 = arith.constant 0 : i32
      %dma_start3A_304 = tpu.memref_slice %arg11[%add3A_253, %dma_start3A_303] : memref<4096x128xf32, #tpu.memory_space<hbm>> -> memref<64x128xf32, #tpu.memory_space<hbm>>
      %dma_start3A_305 = arith.constant 0 : i32
      %dma_start3A_306 = arith.constant 0 : i32
      %dma_start3A_307 = tpu.memref_slice %arg18[%dma_start3A_305, %dma_start3A_306] : memref<128x128xf32, #tpu.memory_space<vmem>> -> memref<64x128xf32, #tpu.memory_space<vmem>>
      tpu.enqueue_dma source(%dma_start3A_307 : memref<64x128xf32, #tpu.memory_space<vmem>>) target(%dma_start3A_304 : memref<64x128xf32, #tpu.memory_space<hbm>>) target_semaphore(%run_scoped3A : memref<!tpu.dma_semaphore, #tpu.memory_space<semaphore_mem>>)
      %dma_wait3A_308 = arith.constant 0 : i32
      %dma_wait3A_309 = arith.constant 0 : i32
      %dma_wait3A_310 = tpu.memref_slice %arg18[%dma_wait3A_308, %dma_wait3A_309] : memref<128x128xf32, #tpu.memory_space<vmem>> -> memref<64x128xf32, #tpu.memory_space<vmem>>
      %dma_wait3A_311 = arith.constant 0 : i32
      %dma_wait3A_312 = tpu.memref_slice %arg11[%add3A_253, %dma_wait3A_311] : memref<4096x128xf32, #tpu.memory_space<hbm>> -> memref<64x128xf32, #tpu.memory_space<hbm>>
      %dma_wait3A_313 = arith.constant 0 : i32
      %dma_wait3A_314 = tpu.memref_slice %arg11[%add3A_253, %dma_wait3A_313] : memref<4096x128xf32, #tpu.memory_space<hbm>> -> memref<64x128xf32, #tpu.memory_space<hbm>>
      %dma_wait3A_315 = arith.constant 0 : i32
      %dma_wait3A_316 = arith.constant 0 : i32
      %dma_wait3A_317 = tpu.memref_slice %arg18[%dma_wait3A_315, %dma_wait3A_316] : memref<128x128xf32, #tpu.memory_space<vmem>> -> memref<64x128xf32, #tpu.memory_space<vmem>>
      tpu.wait_dma2 semaphore(%run_scoped3A : memref<!tpu.dma_semaphore, #tpu.memory_space<semaphore_mem>>) src(%dma_wait3A_317 : memref<64x128xf32, #tpu.memory_space<vmem>>) dst(%dma_wait3A_314 : memref<64x128xf32, #tpu.memory_space<hbm>>)
      tpu.yield
    }) : () -> ()
    %mul3A_254 = arith.constant 128 : i32
    %mul3A_255 = arith.muli %arg0, %mul3A_254 : i32
    %add3A_256 = arith.constant 0 : i32
    %add3A_257 = arith.addi %mul3A_255, %add3A_256 : i32
    %dma_start3A_258 = arith.constant 0 : i32
    %dma_start3A_259 = arith.constant 0 : i32
    %dma_start3A_260 = tpu.memref_slice %arg18[%dma_start3A_258, %dma_start3A_259] : memref<128x128xf32, #tpu.memory_space<vmem>> -> memref<64x128xf32, #tpu.memory_space<vmem>>
    %dma_start3A_261 = tpu.memref_slice %arg24[%add3A_257] : memref<256xi32, #tpu.memory_space<vmem>> -> memref<64xi32, #tpu.memory_space<vmem>>
    %dma_start3A_262 = arith.constant 0 : i32
    %dma_start3A_263 = arith.constant 0 : i32
    %dma_start3A_264 = tpu.memref_slice %arg7[%dma_start3A_262, %dma_start3A_263] : memref<10240x128xf32, #tpu.memory_space<hbm>> -> memref<10240x128xf32, #tpu.memory_space<hbm>>
    tpu.enqueue_indirect_dma source(%dma_start3A_264 : memref<10240x128xf32, #tpu.memory_space<hbm>>) target(%dma_start3A_260 : memref<64x128xf32, #tpu.memory_space<vmem>>) offsets(%dma_start3A_261 : memref<64xi32, #tpu.memory_space<vmem>>) semaphore(%arg21 : memref<!tpu.dma_semaphore, #tpu.memory_space<semaphore_mem>>)
    %dma_wait3A_265 = arith.constant 0 : i32
    %dma_wait3A_266 = arith.constant 0 : i32
    %dma_wait3A_267 = tpu.memref_slice %arg18[%dma_wait3A_265, %dma_wait3A_266] : memref<128x128xf32, #tpu.memory_space<vmem>> -> memref<64x128xf32, #tpu.memory_space<vmem>>
    %dma_wait3A_268 = tpu.memref_slice %arg24[%add3A_257] : memref<256xi32, #tpu.memory_space<vmem>> -> memref<64xi32, #tpu.memory_space<vmem>>
    %dma_wait3A_269 = arith.constant 0 : i32
    %dma_wait3A_270 = arith.constant 0 : i32
    %dma_wait3A_271 = tpu.memref_slice %arg7[%dma_wait3A_269, %dma_wait3A_270] : memref<10240x128xf32, #tpu.memory_space<hbm>> -> memref<10240x128xf32, #tpu.memory_space<hbm>>
    tpu.wait_indirect_dma semaphore(%arg21 : memref<!tpu.dma_semaphore, #tpu.memory_space<semaphore_mem>>) src(%dma_wait3A_271 : memref<10240x128xf32, #tpu.memory_space<hbm>>) dst(%dma_wait3A_267 : memref<64x128xf32, #tpu.memory_space<vmem>>)
    %mul3A_272 = arith.constant 128 : i32
    %mul3A_273 = arith.muli %add3A, %mul3A_272 : i32
    %add3A_274 = arith.constant 0 : i32
    %add3A_275 = arith.addi %mul3A_273, %add3A_274 : i32
    "tpu.region"() ({
      %run_scoped3A = tpu.sem_alloc : memref<!tpu.dma_semaphore, #tpu.memory_space<semaphore_mem>>
      %dma_start3A_298 = arith.constant 0 : i32
      %dma_start3A_299 = arith.constant 0 : i32
      %dma_start3A_300 = tpu.memref_slice %arg18[%dma_start3A_298, %dma_start3A_299] : memref<128x128xf32, #tpu.memory_space<vmem>> -> memref<64x128xf32, #tpu.memory_space<vmem>>
      %dma_start3A_301 = arith.constant 0 : i32
      %dma_start3A_302 = tpu.memref_slice %arg12[%add3A_275, %dma_start3A_301] : memref<4096x128xf32, #tpu.memory_space<hbm>> -> memref<64x128xf32, #tpu.memory_space<hbm>>
      %dma_start3A_303 = arith.constant 0 : i32
      %dma_start3A_304 = tpu.memref_slice %arg12[%add3A_275, %dma_start3A_303] : memref<4096x128xf32, #tpu.memory_space<hbm>> -> memref<64x128xf32, #tpu.memory_space<hbm>>
      %dma_start3A_305 = arith.constant 0 : i32
      %dma_start3A_306 = arith.constant 0 : i32
      %dma_start3A_307 = tpu.memref_slice %arg18[%dma_start3A_305, %dma_start3A_306] : memref<128x128xf32, #tpu.memory_space<vmem>> -> memref<64x128xf32, #tpu.memory_space<vmem>>
      tpu.enqueue_dma source(%dma_start3A_307 : memref<64x128xf32, #tpu.memory_space<vmem>>) target(%dma_start3A_304 : memref<64x128xf32, #tpu.memory_space<hbm>>) target_semaphore(%run_scoped3A : memref<!tpu.dma_semaphore, #tpu.memory_space<semaphore_mem>>)
      %dma_wait3A_308 = arith.constant 0 : i32
      %dma_wait3A_309 = arith.constant 0 : i32
      %dma_wait3A_310 = tpu.memref_slice %arg18[%dma_wait3A_308, %dma_wait3A_309] : memref<128x128xf32, #tpu.memory_space<vmem>> -> memref<64x128xf32, #tpu.memory_space<vmem>>
      %dma_wait3A_311 = arith.constant 0 : i32
      %dma_wait3A_312 = tpu.memref_slice %arg12[%add3A_275, %dma_wait3A_311] : memref<4096x128xf32, #tpu.memory_space<hbm>> -> memref<64x128xf32, #tpu.memory_space<hbm>>
      %dma_wait3A_313 = arith.constant 0 : i32
      %dma_wait3A_314 = tpu.memref_slice %arg12[%add3A_275, %dma_wait3A_313] : memref<4096x128xf32, #tpu.memory_space<hbm>> -> memref<64x128xf32, #tpu.memory_space<hbm>>
      %dma_wait3A_315 = arith.constant 0 : i32
      %dma_wait3A_316 = arith.constant 0 : i32
      %dma_wait3A_317 = tpu.memref_slice %arg18[%dma_wait3A_315, %dma_wait3A_316] : memref<128x128xf32, #tpu.memory_space<vmem>> -> memref<64x128xf32, #tpu.memory_space<vmem>>
      tpu.wait_dma2 semaphore(%run_scoped3A : memref<!tpu.dma_semaphore, #tpu.memory_space<semaphore_mem>>) src(%dma_wait3A_317 : memref<64x128xf32, #tpu.memory_space<vmem>>) dst(%dma_wait3A_314 : memref<64x128xf32, #tpu.memory_space<hbm>>)
      tpu.yield
    }) : () -> ()
    %mul3A_276 = arith.constant 128 : i32
    %mul3A_277 = arith.muli %arg0, %mul3A_276 : i32
    %add3A_278 = arith.constant 64 : i32
    %add3A_279 = arith.addi %mul3A_277, %add3A_278 : i32
    %dma_start3A_280 = arith.constant 0 : i32
    %dma_start3A_281 = arith.constant 0 : i32
    %dma_start3A_282 = tpu.memref_slice %arg18[%dma_start3A_280, %dma_start3A_281] : memref<128x128xf32, #tpu.memory_space<vmem>> -> memref<64x128xf32, #tpu.memory_space<vmem>>
    %dma_start3A_283 = tpu.memref_slice %arg24[%add3A_279] : memref<256xi32, #tpu.memory_space<vmem>> -> memref<64xi32, #tpu.memory_space<vmem>>
    %dma_start3A_284 = arith.constant 0 : i32
    %dma_start3A_285 = arith.constant 0 : i32
    %dma_start3A_286 = tpu.memref_slice %arg7[%dma_start3A_284, %dma_start3A_285] : memref<10240x128xf32, #tpu.memory_space<hbm>> -> memref<10240x128xf32, #tpu.memory_space<hbm>>
    tpu.enqueue_indirect_dma source(%dma_start3A_286 : memref<10240x128xf32, #tpu.memory_space<hbm>>) target(%dma_start3A_282 : memref<64x128xf32, #tpu.memory_space<vmem>>) offsets(%dma_start3A_283 : memref<64xi32, #tpu.memory_space<vmem>>) semaphore(%arg21 : memref<!tpu.dma_semaphore, #tpu.memory_space<semaphore_mem>>)
    %dma_wait3A_287 = arith.constant 0 : i32
    %dma_wait3A_288 = arith.constant 0 : i32
    %dma_wait3A_289 = tpu.memref_slice %arg18[%dma_wait3A_287, %dma_wait3A_288] : memref<128x128xf32, #tpu.memory_space<vmem>> -> memref<64x128xf32, #tpu.memory_space<vmem>>
    %dma_wait3A_290 = tpu.memref_slice %arg24[%add3A_279] : memref<256xi32, #tpu.memory_space<vmem>> -> memref<64xi32, #tpu.memory_space<vmem>>
    %dma_wait3A_291 = arith.constant 0 : i32
    %dma_wait3A_292 = arith.constant 0 : i32
    %dma_wait3A_293 = tpu.memref_slice %arg7[%dma_wait3A_291, %dma_wait3A_292] : memref<10240x128xf32, #tpu.memory_space<hbm>> -> memref<10240x128xf32, #tpu.memory_space<hbm>>
    tpu.wait_indirect_dma semaphore(%arg21 : memref<!tpu.dma_semaphore, #tpu.memory_space<semaphore_mem>>) src(%dma_wait3A_293 : memref<10240x128xf32, #tpu.memory_space<hbm>>) dst(%dma_wait3A_289 : memref<64x128xf32, #tpu.memory_space<vmem>>)
    %mul3A_294 = arith.constant 128 : i32
    %mul3A_295 = arith.muli %add3A, %mul3A_294 : i32
    %add3A_296 = arith.constant 64 : i32
    %add3A_297 = arith.addi %mul3A_295, %add3A_296 : i32
    "tpu.region"() ({
      %run_scoped3A = tpu.sem_alloc : memref<!tpu.dma_semaphore, #tpu.memory_space<semaphore_mem>>
      %dma_start3A_298 = arith.constant 0 : i32
      %dma_start3A_299 = arith.constant 0 : i32
      %dma_start3A_300 = tpu.memref_slice %arg18[%dma_start3A_298, %dma_start3A_299] : memref<128x128xf32, #tpu.memory_space<vmem>> -> memref<64x128xf32, #tpu.memory_space<vmem>>
      %dma_start3A_301 = arith.constant 0 : i32
      %dma_start3A_302 = tpu.memref_slice %arg12[%add3A_297, %dma_start3A_301] : memref<4096x128xf32, #tpu.memory_space<hbm>> -> memref<64x128xf32, #tpu.memory_space<hbm>>
      %dma_start3A_303 = arith.constant 0 : i32
      %dma_start3A_304 = tpu.memref_slice %arg12[%add3A_297, %dma_start3A_303] : memref<4096x128xf32, #tpu.memory_space<hbm>> -> memref<64x128xf32, #tpu.memory_space<hbm>>
      %dma_start3A_305 = arith.constant 0 : i32
      %dma_start3A_306 = arith.constant 0 : i32
      %dma_start3A_307 = tpu.memref_slice %arg18[%dma_start3A_305, %dma_start3A_306] : memref<128x128xf32, #tpu.memory_space<vmem>> -> memref<64x128xf32, #tpu.memory_space<vmem>>
      tpu.enqueue_dma source(%dma_start3A_307 : memref<64x128xf32, #tpu.memory_space<vmem>>) target(%dma_start3A_304 : memref<64x128xf32, #tpu.memory_space<hbm>>) target_semaphore(%run_scoped3A : memref<!tpu.dma_semaphore, #tpu.memory_space<semaphore_mem>>)
      %dma_wait3A_308 = arith.constant 0 : i32
      %dma_wait3A_309 = arith.constant 0 : i32
      %dma_wait3A_310 = tpu.memref_slice %arg18[%dma_wait3A_308, %dma_wait3A_309] : memref<128x128xf32, #tpu.memory_space<vmem>> -> memref<64x128xf32, #tpu.memory_space<vmem>>
      %dma_wait3A_311 = arith.constant 0 : i32
      %dma_wait3A_312 = tpu.memref_slice %arg12[%add3A_297, %dma_wait3A_311] : memref<4096x128xf32, #tpu.memory_space<hbm>> -> memref<64x128xf32, #tpu.memory_space<hbm>>
      %dma_wait3A_313 = arith.constant 0 : i32
      %dma_wait3A_314 = tpu.memref_slice %arg12[%add3A_297, %dma_wait3A_313] : memref<4096x128xf32, #tpu.memory_space<hbm>> -> memref<64x128xf32, #tpu.memory_space<hbm>>
      %dma_wait3A_315 = arith.constant 0 : i32
      %dma_wait3A_316 = arith.constant 0 : i32
      %dma_wait3A_317 = tpu.memref_slice %arg18[%dma_wait3A_315, %dma_wait3A_316] : memref<128x128xf32, #tpu.memory_space<vmem>> -> memref<64x128xf32, #tpu.memory_space<vmem>>
      tpu.wait_dma2 semaphore(%run_scoped3A : memref<!tpu.dma_semaphore, #tpu.memory_space<semaphore_mem>>) src(%dma_wait3A_317 : memref<64x128xf32, #tpu.memory_space<vmem>>) dst(%dma_wait3A_314 : memref<64x128xf32, #tpu.memory_space<hbm>>)
      tpu.yield
    }) : () -> ()
    return
  }
}

#map = affine_map<(d0, d1) -> (0)>
module attributes {stable_mosaic.version = 14 : i64} {
  func.func @_deg_kernel(%arg0: i32, %arg1: i32, %arg2: memref<320000xi32, #tpu.memory_space<hbm>>, %arg3: memref<320000xf32, #tpu.memory_space<hbm>>, %arg4: memref<10000xi32, #tpu.memory_space<vmem>>, %arg5: memref<10000xf32, #tpu.memory_space<vmem>>) attributes {dimension_semantics = [#tpu.dimension_semantics<core_parallel>, #tpu.dimension_semantics<subcore_parallel>], iteration_bounds = array<i64: 2, 16>, scalar_prefetch = 0 : i64, scratch_operands = 2 : i64, tpu.core_type = #tpu.core_type<sc_vector_subcore>, window_params = [{transform_indices = #map}, {transform_indices = #map}]} {
    %mul3A = arith.constant 2 : i32
    %mul3A_0 = arith.muli %arg1, %mul3A : i32
    %add3A = arith.addi %mul3A_0, %arg0 : i32
    %broadcast_in_dim3A = arith.constant 0.000000e+00 : f32
    %broadcast_in_dim3A_1 = vector.broadcast %broadcast_in_dim3A : f32 to vector<16xf32>
    %scan3A = arith.constant 0 : i32
    %scan3A_2 = arith.constant 0 : i32
    %scan3A_3 = arith.constant 625 : i32
    %scan3A_4 = arith.addi %scan3A_2, %scan3A_3 : i32
    %scan3A_5 = arith.constant 1 : i32
    scf.for %scan3A_19 = %scan3A_2 to %scan3A_4 step %scan3A_5  : i32 {
      %mul3A_20 = arith.constant 16 : i32
      %mul3A_21 = arith.muli %scan3A_19, %mul3A_20 : i32
      %swap3A = arith.index_cast %mul3A_21 : i32 to index
      %swap3A_22 = tpu.vector_load %arg5[%swap3A] {strides = array<i32>} : memref<10000xf32, #tpu.memory_space<vmem>>, vector<16xf32>,
      tpu.vector_store %arg5[%swap3A], %broadcast_in_dim3A_1 {strides = array<i32>} : memref<10000xf32, #tpu.memory_space<vmem>>, vector<16xf32>,
    }
    %scan3A_6 = arith.constant 625 : i32
    %mul3A_7 = arith.constant 10000 : i32
    %mul3A_8 = arith.muli %add3A, %mul3A_7 : i32
    "tpu.region"() ({
      %run_scoped3A = tpu.sem_alloc : memref<!tpu.dma_semaphore, #tpu.memory_space<semaphore_mem>>
      %dma_start3A = tpu.memref_slice %arg2[%mul3A_8] : memref<320000xi32, #tpu.memory_space<hbm>> -> memref<10000xi32, #tpu.memory_space<hbm>>
      %dma_start3A_19 = tpu.memref_slice %arg2[%mul3A_8] : memref<320000xi32, #tpu.memory_space<hbm>> -> memref<10000xi32, #tpu.memory_space<hbm>>
      tpu.enqueue_dma source(%dma_start3A_19 : memref<10000xi32, #tpu.memory_space<hbm>>) target(%arg4 : memref<10000xi32, #tpu.memory_space<vmem>>) target_semaphore(%run_scoped3A : memref<!tpu.dma_semaphore, #tpu.memory_space<semaphore_mem>>)
      %dma_wait3A = tpu.memref_slice %arg2[%mul3A_8] : memref<320000xi32, #tpu.memory_space<hbm>> -> memref<10000xi32, #tpu.memory_space<hbm>>
      %dma_wait3A_20 = tpu.memref_slice %arg2[%mul3A_8] : memref<320000xi32, #tpu.memory_space<hbm>> -> memref<10000xi32, #tpu.memory_space<hbm>>
      tpu.wait_dma2 semaphore(%run_scoped3A : memref<!tpu.dma_semaphore, #tpu.memory_space<semaphore_mem>>) src(%dma_wait3A_20 : memref<10000xi32, #tpu.memory_space<hbm>>) dst(%arg4 : memref<10000xi32, #tpu.memory_space<vmem>>)
      tpu.yield
    }) : () -> ()
    %broadcast_in_dim3A_9 = arith.constant 1.000000e+00 : f32
    %broadcast_in_dim3A_10 = vector.broadcast %broadcast_in_dim3A_9 : f32 to vector<16xf32>
    %scan3A_11 = arith.constant 0 : i32
    %scan3A_12 = arith.constant 0 : i32
    %scan3A_13 = arith.constant 625 : i32
    %scan3A_14 = arith.addi %scan3A_12, %scan3A_13 : i32
    %scan3A_15 = arith.constant 1 : i32
    scf.for %scan3A_19 = %scan3A_12 to %scan3A_14 step %scan3A_15  : i32 {
      %mul3A_20 = arith.constant 16 : i32
      %mul3A_21 = arith.muli %scan3A_19, %mul3A_20 : i32
      %get3A = arith.index_cast %mul3A_21 : i32 to index
      %get3A_22 = tpu.vector_load %arg4[%get3A] {strides = array<i32>} : memref<10000xi32, #tpu.memory_space<vmem>>, vector<16xi32>,
      tpu.vector_store_idx %arg5[%get3A_22], %broadcast_in_dim3A_10 {add = true} : memref<10000xf32, #tpu.memory_space<vmem>>[vector<16xi32>], vector<16xf32>,
    }
    %scan3A_16 = arith.constant 625 : i32
    %mul3A_17 = arith.constant 10000 : i32
    %mul3A_18 = arith.muli %add3A, %mul3A_17 : i32
    "tpu.region"() ({
      %run_scoped3A = tpu.sem_alloc : memref<!tpu.dma_semaphore, #tpu.memory_space<semaphore_mem>>
      %dma_start3A = tpu.memref_slice %arg3[%mul3A_18] : memref<320000xf32, #tpu.memory_space<hbm>> -> memref<10000xf32, #tpu.memory_space<hbm>>
      %dma_start3A_19 = tpu.memref_slice %arg3[%mul3A_18] : memref<320000xf32, #tpu.memory_space<hbm>> -> memref<10000xf32, #tpu.memory_space<hbm>>
      tpu.enqueue_dma source(%arg5 : memref<10000xf32, #tpu.memory_space<vmem>>) target(%dma_start3A_19 : memref<10000xf32, #tpu.memory_space<hbm>>) target_semaphore(%run_scoped3A : memref<!tpu.dma_semaphore, #tpu.memory_space<semaphore_mem>>)
      %dma_wait3A = tpu.memref_slice %arg3[%mul3A_18] : memref<320000xf32, #tpu.memory_space<hbm>> -> memref<10000xf32, #tpu.memory_space<hbm>>
      %dma_wait3A_20 = tpu.memref_slice %arg3[%mul3A_18] : memref<320000xf32, #tpu.memory_space<hbm>> -> memref<10000xf32, #tpu.memory_space<hbm>>
      tpu.wait_dma2 semaphore(%run_scoped3A : memref<!tpu.dma_semaphore, #tpu.memory_space<semaphore_mem>>) src(%arg5 : memref<10000xf32, #tpu.memory_space<vmem>>) dst(%dma_wait3A_20 : memref<10000xf32, #tpu.memory_space<hbm>>)
      tpu.yield
    }) : () -> ()
    return
  }
}

#map = affine_map<(d0, d1) -> (0, 0)>
#map1 = affine_map<(d0, d1) -> (0)>
module attributes {stable_mosaic.version = 14 : i64} {
  func.func @_agg_kernel(%arg0: i32, %arg1: i32, %arg2: memref<10240x128xf32, #tpu.memory_space<hbm>>, %arg3: memref<320000xi32, #tpu.memory_space<hbm>>, %arg4: memref<320000xi32, #tpu.memory_space<hbm>>, %arg5: memref<128x128xf32, #tpu.memory_space<hbm>>, %arg6: memref<10240x128xf32, #tpu.memory_space<hbm>>, %arg7: memref<10240x128xf32, #tpu.memory_space<hbm>>, %arg8: memref<10000xi32, #tpu.memory_space<vmem>>, %arg9: memref<128xi32, #tpu.memory_space<vmem>>, %arg10: memref<128xi32, #tpu.memory_space<vmem>>, %arg11: memref<16xi32, #tpu.memory_space<vmem>>, %arg12: memref<128x128xf32, #tpu.memory_space<vmem>>, %arg13: memref<128x128xf32, #tpu.memory_space<vmem>>, %arg14: memref<10240x128xf32, #tpu.memory_space<vmem_shared>>, %arg15: memref<!tpu.dma_semaphore, #tpu.memory_space<semaphore_mem>>, %arg16: memref<!tpu.dma_semaphore, #tpu.memory_space<semaphore_mem>>, %arg17: memref<!tpu.dma_semaphore, #tpu.memory_space<semaphore_mem>>, %arg18: memref<!tpu.dma_semaphore, #tpu.memory_space<semaphore_mem>>) attributes {dimension_semantics = [#tpu.dimension_semantics<core_parallel>, #tpu.dimension_semantics<subcore_parallel>], iteration_bounds = array<i64: 2, 16>, scalar_prefetch = 0 : i64, scratch_operands = 11 : i64, tpu.core_type = #tpu.core_type<sc_vector_subcore>, window_params = [{transform_indices = #map}, {transform_indices = #map1}, {transform_indices = #map1}, {transform_indices = #map}, {transform_indices = #map}, {transform_indices = #map}]} {
    %mul3A = arith.constant 2 : i32
    %mul3A_0 = arith.muli %arg1, %mul3A : i32
    %add3A = arith.addi %mul3A_0, %arg0 : i32
    %mul3A_1 = arith.constant 10000 : i32
    %mul3A_2 = arith.muli %add3A, %mul3A_1 : i32
    "tpu.region"() ({
      %run_scoped3A = tpu.sem_alloc : memref<!tpu.dma_semaphore, #tpu.memory_space<semaphore_mem>>
      tpu.enqueue_dma source(%arg5 : memref<128x128xf32, #tpu.memory_space<hbm>>) target(%arg12 : memref<128x128xf32, #tpu.memory_space<vmem>>) target_semaphore(%run_scoped3A : memref<!tpu.dma_semaphore, #tpu.memory_space<semaphore_mem>>)
      tpu.wait_dma2 semaphore(%run_scoped3A : memref<!tpu.dma_semaphore, #tpu.memory_space<semaphore_mem>>) src(%arg5 : memref<128x128xf32, #tpu.memory_space<hbm>>) dst(%arg12 : memref<128x128xf32, #tpu.memory_space<vmem>>)
      tpu.yield
    }) : () -> ()
    %mul3A_3 = arith.constant 640 : i32
    %mul3A_4 = arith.muli %arg1, %mul3A_3 : i32
    %add3A_5 = arith.constant 0 : i32
    %add3A_6 = arith.addi %mul3A_4, %add3A_5 : i32
    %dma_start3A = arith.constant 0 : i32
    %dma_start3A_7 = tpu.memref_slice %arg14[%add3A_6, %dma_start3A] : memref<10240x128xf32, #tpu.memory_space<vmem_shared>> -> memref<128x128xf32, #tpu.memory_space<vmem_shared>>
    %dma_start3A_8 = arith.constant 0 : i32
    %dma_start3A_9 = tpu.memref_slice %arg14[%add3A_6, %dma_start3A_8] : memref<10240x128xf32, #tpu.memory_space<vmem_shared>> -> memref<128x128xf32, #tpu.memory_space<vmem_shared>>
    tpu.enqueue_dma source(%arg12 : memref<128x128xf32, #tpu.memory_space<vmem>>) target(%dma_start3A_9 : memref<128x128xf32, #tpu.memory_space<vmem_shared>>) target_semaphore(%arg15 : memref<!tpu.dma_semaphore, #tpu.memory_space<semaphore_mem>>)
    %mul3A_10 = arith.constant 640 : i32
    %mul3A_11 = arith.muli %arg1, %mul3A_10 : i32
    %add3A_12 = arith.constant 128 : i32
    %add3A_13 = arith.addi %mul3A_11, %add3A_12 : i32
    %dma_start3A_14 = arith.constant 0 : i32
    %dma_start3A_15 = tpu.memref_slice %arg14[%add3A_13, %dma_start3A_14] : memref<10240x128xf32, #tpu.memory_space<vmem_shared>> -> memref<128x128xf32, #tpu.memory_space<vmem_shared>>
    %dma_start3A_16 = arith.constant 0 : i32
    %dma_start3A_17 = tpu.memref_slice %arg14[%add3A_13, %dma_start3A_16] : memref<10240x128xf32, #tpu.memory_space<vmem_shared>> -> memref<128x128xf32, #tpu.memory_space<vmem_shared>>
    tpu.enqueue_dma source(%arg12 : memref<128x128xf32, #tpu.memory_space<vmem>>) target(%dma_start3A_17 : memref<128x128xf32, #tpu.memory_space<vmem_shared>>) target_semaphore(%arg15 : memref<!tpu.dma_semaphore, #tpu.memory_space<semaphore_mem>>)
    %mul3A_18 = arith.constant 640 : i32
    %mul3A_19 = arith.muli %arg1, %mul3A_18 : i32
    %add3A_20 = arith.constant 256 : i32
    %add3A_21 = arith.addi %mul3A_19, %add3A_20 : i32
    %dma_start3A_22 = arith.constant 0 : i32
    %dma_start3A_23 = tpu.memref_slice %arg14[%add3A_21, %dma_start3A_22] : memref<10240x128xf32, #tpu.memory_space<vmem_shared>> -> memref<128x128xf32, #tpu.memory_space<vmem_shared>>
    %dma_start3A_24 = arith.constant 0 : i32
    %dma_start3A_25 = tpu.memref_slice %arg14[%add3A_21, %dma_start3A_24] : memref<10240x128xf32, #tpu.memory_space<vmem_shared>> -> memref<128x128xf32, #tpu.memory_space<vmem_shared>>
    tpu.enqueue_dma source(%arg12 : memref<128x128xf32, #tpu.memory_space<vmem>>) target(%dma_start3A_25 : memref<128x128xf32, #tpu.memory_space<vmem_shared>>) target_semaphore(%arg15 : memref<!tpu.dma_semaphore, #tpu.memory_space<semaphore_mem>>)
    %mul3A_26 = arith.constant 640 : i32
    %mul3A_27 = arith.muli %arg1, %mul3A_26 : i32
    %add3A_28 = arith.constant 384 : i32
    %add3A_29 = arith.addi %mul3A_27, %add3A_28 : i32
    %dma_start3A_30 = arith.constant 0 : i32
    %dma_start3A_31 = tpu.memref_slice %arg14[%add3A_29, %dma_start3A_30] : memref<10240x128xf32, #tpu.memory_space<vmem_shared>> -> memref<128x128xf32, #tpu.memory_space<vmem_shared>>
    %dma_start3A_32 = arith.constant 0 : i32
    %dma_start3A_33 = tpu.memref_slice %arg14[%add3A_29, %dma_start3A_32] : memref<10240x128xf32, #tpu.memory_space<vmem_shared>> -> memref<128x128xf32, #tpu.memory_space<vmem_shared>>
    tpu.enqueue_dma source(%arg12 : memref<128x128xf32, #tpu.memory_space<vmem>>) target(%dma_start3A_33 : memref<128x128xf32, #tpu.memory_space<vmem_shared>>) target_semaphore(%arg15 : memref<!tpu.dma_semaphore, #tpu.memory_space<semaphore_mem>>)
    %mul3A_34 = arith.constant 640 : i32
    %mul3A_35 = arith.muli %arg1, %mul3A_34 : i32
    %add3A_36 = arith.constant 512 : i32
    %add3A_37 = arith.addi %mul3A_35, %add3A_36 : i32
    %dma_start3A_38 = arith.constant 0 : i32
    %dma_start3A_39 = tpu.memref_slice %arg14[%add3A_37, %dma_start3A_38] : memref<10240x128xf32, #tpu.memory_space<vmem_shared>> -> memref<128x128xf32, #tpu.memory_space<vmem_shared>>
    %dma_start3A_40 = arith.constant 0 : i32
    %dma_start3A_41 = tpu.memref_slice %arg14[%add3A_37, %dma_start3A_40] : memref<10240x128xf32, #tpu.memory_space<vmem_shared>> -> memref<128x128xf32, #tpu.memory_space<vmem_shared>>
    tpu.enqueue_dma source(%arg12 : memref<128x128xf32, #tpu.memory_space<vmem>>) target(%dma_start3A_41 : memref<128x128xf32, #tpu.memory_space<vmem_shared>>) target_semaphore(%arg15 : memref<!tpu.dma_semaphore, #tpu.memory_space<semaphore_mem>>)
    "tpu.region"() ({
      %run_scoped3A = tpu.sem_alloc : memref<!tpu.dma_semaphore, #tpu.memory_space<semaphore_mem>>
      %dma_start3A_224 = tpu.memref_slice %arg3[%mul3A_2] : memref<320000xi32, #tpu.memory_space<hbm>> -> memref<10000xi32, #tpu.memory_space<hbm>>
      %dma_start3A_225 = tpu.memref_slice %arg3[%mul3A_2] : memref<320000xi32, #tpu.memory_space<hbm>> -> memref<10000xi32, #tpu.memory_space<hbm>>
      tpu.enqueue_dma source(%dma_start3A_225 : memref<10000xi32, #tpu.memory_space<hbm>>) target(%arg8 : memref<10000xi32, #tpu.memory_space<vmem>>) target_semaphore(%run_scoped3A : memref<!tpu.dma_semaphore, #tpu.memory_space<semaphore_mem>>)
      %dma_wait3A_226 = tpu.memref_slice %arg3[%mul3A_2] : memref<320000xi32, #tpu.memory_space<hbm>> -> memref<10000xi32, #tpu.memory_space<hbm>>
      %dma_wait3A_227 = tpu.memref_slice %arg3[%mul3A_2] : memref<320000xi32, #tpu.memory_space<hbm>> -> memref<10000xi32, #tpu.memory_space<hbm>>
      tpu.wait_dma2 semaphore(%run_scoped3A : memref<!tpu.dma_semaphore, #tpu.memory_space<semaphore_mem>>) src(%dma_wait3A_227 : memref<10000xi32, #tpu.memory_space<hbm>>) dst(%arg8 : memref<10000xi32, #tpu.memory_space<vmem>>)
      tpu.yield
    }) : () -> ()
    %dma_wait3A = arith.constant 0 : i32
    %dma_wait3A_42 = tpu.memref_slice %arg14[%add3A_6, %dma_wait3A] : memref<10240x128xf32, #tpu.memory_space<vmem_shared>> -> memref<128x128xf32, #tpu.memory_space<vmem_shared>>
    %dma_wait3A_43 = arith.constant 0 : i32
    %dma_wait3A_44 = tpu.memref_slice %arg14[%add3A_6, %dma_wait3A_43] : memref<10240x128xf32, #tpu.memory_space<vmem_shared>> -> memref<128x128xf32, #tpu.memory_space<vmem_shared>>
    tpu.wait_dma2 semaphore(%arg15 : memref<!tpu.dma_semaphore, #tpu.memory_space<semaphore_mem>>) src(%arg12 : memref<128x128xf32, #tpu.memory_space<vmem>>) dst(%dma_wait3A_44 : memref<128x128xf32, #tpu.memory_space<vmem_shared>>)
    %dma_wait3A_45 = arith.constant 0 : i32
    %dma_wait3A_46 = tpu.memref_slice %arg14[%add3A_13, %dma_wait3A_45] : memref<10240x128xf32, #tpu.memory_space<vmem_shared>> -> memref<128x128xf32, #tpu.memory_space<vmem_shared>>
    %dma_wait3A_47 = arith.constant 0 : i32
    %dma_wait3A_48 = tpu.memref_slice %arg14[%add3A_13, %dma_wait3A_47] : memref<10240x128xf32, #tpu.memory_space<vmem_shared>> -> memref<128x128xf32, #tpu.memory_space<vmem_shared>>
    tpu.wait_dma2 semaphore(%arg15 : memref<!tpu.dma_semaphore, #tpu.memory_space<semaphore_mem>>) src(%arg12 : memref<128x128xf32, #tpu.memory_space<vmem>>) dst(%dma_wait3A_48 : memref<128x128xf32, #tpu.memory_space<vmem_shared>>)
    %dma_wait3A_49 = arith.constant 0 : i32
    %dma_wait3A_50 = tpu.memref_slice %arg14[%add3A_21, %dma_wait3A_49] : memref<10240x128xf32, #tpu.memory_space<vmem_shared>> -> memref<128x128xf32, #tpu.memory_space<vmem_shared>>
    %dma_wait3A_51 = arith.constant 0 : i32
    %dma_wait3A_52 = tpu.memref_slice %arg14[%add3A_21, %dma_wait3A_51] : memref<10240x128xf32, #tpu.memory_space<vmem_shared>> -> memref<128x128xf32, #tpu.memory_space<vmem_shared>>
    tpu.wait_dma2 semaphore(%arg15 : memref<!tpu.dma_semaphore, #tpu.memory_space<semaphore_mem>>) src(%arg12 : memref<128x128xf32, #tpu.memory_space<vmem>>) dst(%dma_wait3A_52 : memref<128x128xf32, #tpu.memory_space<vmem_shared>>)
    %dma_wait3A_53 = arith.constant 0 : i32
    %dma_wait3A_54 = tpu.memref_slice %arg14[%add3A_29, %dma_wait3A_53] : memref<10240x128xf32, #tpu.memory_space<vmem_shared>> -> memref<128x128xf32, #tpu.memory_space<vmem_shared>>
    %dma_wait3A_55 = arith.constant 0 : i32
    %dma_wait3A_56 = tpu.memref_slice %arg14[%add3A_29, %dma_wait3A_55] : memref<10240x128xf32, #tpu.memory_space<vmem_shared>> -> memref<128x128xf32, #tpu.memory_space<vmem_shared>>
    tpu.wait_dma2 semaphore(%arg15 : memref<!tpu.dma_semaphore, #tpu.memory_space<semaphore_mem>>) src(%arg12 : memref<128x128xf32, #tpu.memory_space<vmem>>) dst(%dma_wait3A_56 : memref<128x128xf32, #tpu.memory_space<vmem_shared>>)
    %dma_wait3A_57 = arith.constant 0 : i32
    %dma_wait3A_58 = tpu.memref_slice %arg14[%add3A_37, %dma_wait3A_57] : memref<10240x128xf32, #tpu.memory_space<vmem_shared>> -> memref<128x128xf32, #tpu.memory_space<vmem_shared>>
    %dma_wait3A_59 = arith.constant 0 : i32
    %dma_wait3A_60 = tpu.memref_slice %arg14[%add3A_37, %dma_wait3A_59] : memref<10240x128xf32, #tpu.memory_space<vmem_shared>> -> memref<128x128xf32, #tpu.memory_space<vmem_shared>>
    tpu.wait_dma2 semaphore(%arg15 : memref<!tpu.dma_semaphore, #tpu.memory_space<semaphore_mem>>) src(%arg12 : memref<128x128xf32, #tpu.memory_space<vmem>>) dst(%dma_wait3A_60 : memref<128x128xf32, #tpu.memory_space<vmem_shared>>)
    %multiple_of3A = arith.constant 0 : i32
    %multiple_of3A_61 = tpu.assume_multiple %multiple_of3A, 8 : i32
    %dma_start3A_62 = tpu.memref_slice %arg8[%multiple_of3A_61] : memref<10000xi32, #tpu.memory_space<vmem>> -> memref<128xi32, #tpu.memory_space<vmem>>
    %dma_start3A_63 = arith.constant 0 : i32
    %dma_start3A_64 = arith.constant 0 : i32
    %dma_start3A_65 = tpu.memref_slice %arg2[%dma_start3A_63, %dma_start3A_64] : memref<10240x128xf32, #tpu.memory_space<hbm>> -> memref<10240x128xf32, #tpu.memory_space<hbm>>
    tpu.enqueue_indirect_dma source(%dma_start3A_65 : memref<10240x128xf32, #tpu.memory_space<hbm>>) target(%arg12 : memref<128x128xf32, #tpu.memory_space<vmem>>) offsets(%dma_start3A_62 : memref<128xi32, #tpu.memory_space<vmem>>) semaphore(%arg15 : memref<!tpu.dma_semaphore, #tpu.memory_space<semaphore_mem>>)
    %add3A_66 = arith.constant 0 : i32
    %add3A_67 = arith.addi %mul3A_2, %add3A_66 : i32
    %multiple_of3A_68 = tpu.assume_multiple %add3A_67, 8 : i32
    %dma_start3A_69 = tpu.memref_slice %arg4[%multiple_of3A_68] : memref<320000xi32, #tpu.memory_space<hbm>> -> memref<128xi32, #tpu.memory_space<hbm>>
    %dma_start3A_70 = tpu.memref_slice %arg4[%multiple_of3A_68] : memref<320000xi32, #tpu.memory_space<hbm>> -> memref<128xi32, #tpu.memory_space<hbm>>
    tpu.enqueue_dma source(%dma_start3A_70 : memref<128xi32, #tpu.memory_space<hbm>>) target(%arg9 : memref<128xi32, #tpu.memory_space<vmem>>) target_semaphore(%arg17 : memref<!tpu.dma_semaphore, #tpu.memory_space<semaphore_mem>>)
    %multiple_of3A_71 = arith.constant 128 : i32
    %multiple_of3A_72 = tpu.assume_multiple %multiple_of3A_71, 8 : i32
    %dma_start3A_73 = tpu.memref_slice %arg8[%multiple_of3A_72] : memref<10000xi32, #tpu.memory_space<vmem>> -> memref<128xi32, #tpu.memory_space<vmem>>
    %dma_start3A_74 = arith.constant 0 : i32
    %dma_start3A_75 = arith.constant 0 : i32
    %dma_start3A_76 = tpu.memref_slice %arg2[%dma_start3A_74, %dma_start3A_75] : memref<10240x128xf32, #tpu.memory_space<hbm>> -> memref<10240x128xf32, #tpu.memory_space<hbm>>
    tpu.enqueue_indirect_dma source(%dma_start3A_76 : memref<10240x128xf32, #tpu.memory_space<hbm>>) target(%arg13 : memref<128x128xf32, #tpu.memory_space<vmem>>) offsets(%dma_start3A_73 : memref<128xi32, #tpu.memory_space<vmem>>) semaphore(%arg16 : memref<!tpu.dma_semaphore, #tpu.memory_space<semaphore_mem>>)
    %add3A_77 = arith.constant 128 : i32
    %add3A_78 = arith.addi %mul3A_2, %add3A_77 : i32
    %multiple_of3A_79 = tpu.assume_multiple %add3A_78, 8 : i32
    %dma_start3A_80 = tpu.memref_slice %arg4[%multiple_of3A_79] : memref<320000xi32, #tpu.memory_space<hbm>> -> memref<128xi32, #tpu.memory_space<hbm>>
    %dma_start3A_81 = tpu.memref_slice %arg4[%multiple_of3A_79] : memref<320000xi32, #tpu.memory_space<hbm>> -> memref<128xi32, #tpu.memory_space<hbm>>
    tpu.enqueue_dma source(%dma_start3A_81 : memref<128xi32, #tpu.memory_space<hbm>>) target(%arg10 : memref<128xi32, #tpu.memory_space<vmem>>) target_semaphore(%arg18 : memref<!tpu.dma_semaphore, #tpu.memory_space<semaphore_mem>>)
    %barrier3A = arith.constant 0 : index
    tpu.barrier barrier_id(%barrier3A)
    %scan3A = arith.constant 0 : i32
    %scan3A_82 = arith.constant 0 : i32
    %scan3A_83 = arith.constant 39 : i32
    %scan3A_84 = arith.addi %scan3A_82, %scan3A_83 : i32
    %scan3A_85 = arith.constant 1 : i32
    scf.for %scan3A_224 = %scan3A_82 to %scan3A_84 step %scan3A_85  : i32 {
      %mul3A_225 = arith.constant 2 : i32
      %mul3A_226 = arith.muli %mul3A_225, %scan3A_224 : i32
      %multiple_of3A_227 = arith.constant 0 : i32
      %multiple_of3A_228 = tpu.assume_multiple %multiple_of3A_227, 8 : i32
      %dma_wait3A_229 = tpu.memref_slice %arg8[%multiple_of3A_228] : memref<10000xi32, #tpu.memory_space<vmem>> -> memref<128xi32, #tpu.memory_space<vmem>>
      %dma_wait3A_230 = arith.constant 0 : i32
      %dma_wait3A_231 = arith.constant 0 : i32
      %dma_wait3A_232 = tpu.memref_slice %arg2[%dma_wait3A_230, %dma_wait3A_231] : memref<10240x128xf32, #tpu.memory_space<hbm>> -> memref<10240x128xf32, #tpu.memory_space<hbm>>
      tpu.wait_indirect_dma semaphore(%arg15 : memref<!tpu.dma_semaphore, #tpu.memory_space<semaphore_mem>>) src(%dma_wait3A_232 : memref<10240x128xf32, #tpu.memory_space<hbm>>) dst(%arg12 : memref<128x128xf32, #tpu.memory_space<vmem>>)
      %add3A_233 = arith.constant 0 : i32
      %add3A_234 = arith.addi %mul3A_2, %add3A_233 : i32
      %multiple_of3A_235 = tpu.assume_multiple %add3A_234, 8 : i32
      %dma_wait3A_236 = tpu.memref_slice %arg4[%multiple_of3A_235] : memref<320000xi32, #tpu.memory_space<hbm>> -> memref<128xi32, #tpu.memory_space<hbm>>
      %dma_wait3A_237 = tpu.memref_slice %arg4[%multiple_of3A_235] : memref<320000xi32, #tpu.memory_space<hbm>> -> memref<128xi32, #tpu.memory_space<hbm>>
      tpu.wait_dma2 semaphore(%arg17 : memref<!tpu.dma_semaphore, #tpu.memory_space<semaphore_mem>>) src(%dma_wait3A_237 : memref<128xi32, #tpu.memory_space<hbm>>) dst(%arg9 : memref<128xi32, #tpu.memory_space<vmem>>)
      "tpu.region"() ({
        %run_scoped3A = tpu.sem_alloc : memref<!tpu.dma_semaphore, #tpu.memory_space<semaphore_mem>>
        %dma_start3A_262 = arith.constant 0 : i32
        %dma_start3A_263 = arith.constant 0 : i32
        %dma_start3A_264 = tpu.memref_slice %arg14[%dma_start3A_262, %dma_start3A_263] : memref<10240x128xf32, #tpu.memory_space<vmem_shared>> -> memref<10240x128xf32, #tpu.memory_space<vmem_shared>>
        tpu.enqueue_indirect_dma source(%arg12 : memref<128x128xf32, #tpu.memory_space<vmem>>) target(%dma_start3A_264 : memref<10240x128xf32, #tpu.memory_space<vmem_shared>>) offsets(%arg9 : memref<128xi32, #tpu.memory_space<vmem>>) semaphore(%run_scoped3A : memref<!tpu.dma_semaphore, #tpu.memory_space<semaphore_mem>>) {add = true}
        %dma_wait3A_265 = arith.constant 0 : i32
        %dma_wait3A_266 = arith.constant 0 : i32
        %dma_wait3A_267 = tpu.memref_slice %arg14[%dma_wait3A_265, %dma_wait3A_266] : memref<10240x128xf32, #tpu.memory_space<vmem_shared>> -> memref<10240x128xf32, #tpu.memory_space<vmem_shared>>
        tpu.wait_indirect_dma semaphore(%run_scoped3A : memref<!tpu.dma_semaphore, #tpu.memory_space<semaphore_mem>>) src(%arg12 : memref<128x128xf32, #tpu.memory_space<vmem>>) dst(%dma_wait3A_267 : memref<10240x128xf32, #tpu.memory_space<vmem_shared>>)
        tpu.yield
      }) : () -> ()
      %add3A_238 = arith.constant 2 : i32
      %add3A_239 = arith.addi %mul3A_226, %add3A_238 : i32
      %lt3A = arith.constant 78 : i32
      %lt3A_240 = arith.cmpi slt, %add3A_239, %lt3A : i32
      %convert_element_type3A_241 = arith.extui %lt3A_240 : i1 to i32
      %cond3A_242 = arith.constant 0 : i32
      %cond3A_243 = arith.cmpi ne, %convert_element_type3A_241, %cond3A_242 : i32
      scf.if %cond3A_243 {
        %add3A_262 = arith.constant 2 : i32
        %add3A_263 = arith.addi %mul3A_226, %add3A_262 : i32
        %mul3A_264 = arith.constant 128 : i32
        %mul3A_265 = arith.muli %add3A_263, %mul3A_264 : i32
        %multiple_of3A_266 = tpu.assume_multiple %mul3A_265, 8 : i32
        %dma_start3A_267 = tpu.memref_slice %arg8[%multiple_of3A_266] : memref<10000xi32, #tpu.memory_space<vmem>> -> memref<128xi32, #tpu.memory_space<vmem>>
        %dma_start3A_268 = arith.constant 0 : i32
        %dma_start3A_269 = arith.constant 0 : i32
        %dma_start3A_270 = tpu.memref_slice %arg2[%dma_start3A_268, %dma_start3A_269] : memref<10240x128xf32, #tpu.memory_space<hbm>> -> memref<10240x128xf32, #tpu.memory_space<hbm>>
        tpu.enqueue_indirect_dma source(%dma_start3A_270 : memref<10240x128xf32, #tpu.memory_space<hbm>>) target(%arg12 : memref<128x128xf32, #tpu.memory_space<vmem>>) offsets(%dma_start3A_267 : memref<128xi32, #tpu.memory_space<vmem>>) semaphore(%arg15 : memref<!tpu.dma_semaphore, #tpu.memory_space<semaphore_mem>>)
        %add3A_271 = arith.constant 2 : i32
        %add3A_272 = arith.addi %mul3A_226, %add3A_271 : i32
        %mul3A_273 = arith.constant 128 : i32
        %mul3A_274 = arith.muli %add3A_272, %mul3A_273 : i32
        %add3A_275 = arith.addi %mul3A_2, %mul3A_274 : i32
        %multiple_of3A_276 = tpu.assume_multiple %add3A_275, 8 : i32
        %dma_start3A_277 = tpu.memref_slice %arg4[%multiple_of3A_276] : memref<320000xi32, #tpu.memory_space<hbm>> -> memref<128xi32, #tpu.memory_space<hbm>>
        %dma_start3A_278 = tpu.memref_slice %arg4[%multiple_of3A_276] : memref<320000xi32, #tpu.memory_space<hbm>> -> memref<128xi32, #tpu.memory_space<hbm>>
        tpu.enqueue_dma source(%dma_start3A_278 : memref<128xi32, #tpu.memory_space<hbm>>) target(%arg9 : memref<128xi32, #tpu.memory_space<vmem>>) target_semaphore(%arg17 : memref<!tpu.dma_semaphore, #tpu.memory_space<semaphore_mem>>)
      } else {
      }
      %multiple_of3A_244 = arith.constant 0 : i32
      %multiple_of3A_245 = tpu.assume_multiple %multiple_of3A_244, 8 : i32
      %dma_wait3A_246 = tpu.memref_slice %arg8[%multiple_of3A_245] : memref<10000xi32, #tpu.memory_space<vmem>> -> memref<128xi32, #tpu.memory_space<vmem>>
      %dma_wait3A_247 = arith.constant 0 : i32
      %dma_wait3A_248 = arith.constant 0 : i32
      %dma_wait3A_249 = tpu.memref_slice %arg2[%dma_wait3A_247, %dma_wait3A_248] : memref<10240x128xf32, #tpu.memory_space<hbm>> -> memref<10240x128xf32, #tpu.memory_space<hbm>>
      tpu.wait_indirect_dma semaphore(%arg16 : memref<!tpu.dma_semaphore, #tpu.memory_space<semaphore_mem>>) src(%dma_wait3A_249 : memref<10240x128xf32, #tpu.memory_space<hbm>>) dst(%arg13 : memref<128x128xf32, #tpu.memory_space<vmem>>)
      %add3A_250 = arith.constant 0 : i32
      %add3A_251 = arith.addi %mul3A_2, %add3A_250 : i32
      %multiple_of3A_252 = tpu.assume_multiple %add3A_251, 8 : i32
      %dma_wait3A_253 = tpu.memref_slice %arg4[%multiple_of3A_252] : memref<320000xi32, #tpu.memory_space<hbm>> -> memref<128xi32, #tpu.memory_space<hbm>>
      %dma_wait3A_254 = tpu.memref_slice %arg4[%multiple_of3A_252] : memref<320000xi32, #tpu.memory_space<hbm>> -> memref<128xi32, #tpu.memory_space<hbm>>
      tpu.wait_dma2 semaphore(%arg18 : memref<!tpu.dma_semaphore, #tpu.memory_space<semaphore_mem>>) src(%dma_wait3A_254 : memref<128xi32, #tpu.memory_space<hbm>>) dst(%arg10 : memref<128xi32, #tpu.memory_space<vmem>>)
      "tpu.region"() ({
        %run_scoped3A = tpu.sem_alloc : memref<!tpu.dma_semaphore, #tpu.memory_space<semaphore_mem>>
        %dma_start3A_262 = arith.constant 0 : i32
        %dma_start3A_263 = arith.constant 0 : i32
        %dma_start3A_264 = tpu.memref_slice %arg14[%dma_start3A_262, %dma_start3A_263] : memref<10240x128xf32, #tpu.memory_space<vmem_shared>> -> memref<10240x128xf32, #tpu.memory_space<vmem_shared>>
        tpu.enqueue_indirect_dma source(%arg13 : memref<128x128xf32, #tpu.memory_space<vmem>>) target(%dma_start3A_264 : memref<10240x128xf32, #tpu.memory_space<vmem_shared>>) offsets(%arg10 : memref<128xi32, #tpu.memory_space<vmem>>) semaphore(%run_scoped3A : memref<!tpu.dma_semaphore, #tpu.memory_space<semaphore_mem>>) {add = true}
        %dma_wait3A_265 = arith.constant 0 : i32
        %dma_wait3A_266 = arith.constant 0 : i32
        %dma_wait3A_267 = tpu.memref_slice %arg14[%dma_wait3A_265, %dma_wait3A_266] : memref<10240x128xf32, #tpu.memory_space<vmem_shared>> -> memref<10240x128xf32, #tpu.memory_space<vmem_shared>>
        tpu.wait_indirect_dma semaphore(%run_scoped3A : memref<!tpu.dma_semaphore, #tpu.memory_space<semaphore_mem>>) src(%arg13 : memref<128x128xf32, #tpu.memory_space<vmem>>) dst(%dma_wait3A_267 : memref<10240x128xf32, #tpu.memory_space<vmem_shared>>)
        tpu.yield
      }) : () -> ()
      %add3A_255 = arith.constant 3 : i32
      %add3A_256 = arith.addi %mul3A_226, %add3A_255 : i32
      %lt3A_257 = arith.constant 78 : i32
      %lt3A_258 = arith.cmpi slt, %add3A_256, %lt3A_257 : i32
      %convert_element_type3A_259 = arith.extui %lt3A_258 : i1 to i32
      %cond3A_260 = arith.constant 0 : i32
      %cond3A_261 = arith.cmpi ne, %convert_element_type3A_259, %cond3A_260 : i32
      scf.if %cond3A_261 {
        %add3A_262 = arith.constant 3 : i32
        %add3A_263 = arith.addi %mul3A_226, %add3A_262 : i32
        %mul3A_264 = arith.constant 128 : i32
        %mul3A_265 = arith.muli %add3A_263, %mul3A_264 : i32
        %multiple_of3A_266 = tpu.assume_multiple %mul3A_265, 8 : i32
        %dma_start3A_267 = tpu.memref_slice %arg8[%multiple_of3A_266] : memref<10000xi32, #tpu.memory_space<vmem>> -> memref<128xi32, #tpu.memory_space<vmem>>
        %dma_start3A_268 = arith.constant 0 : i32
        %dma_start3A_269 = arith.constant 0 : i32
        %dma_start3A_270 = tpu.memref_slice %arg2[%dma_start3A_268, %dma_start3A_269] : memref<10240x128xf32, #tpu.memory_space<hbm>> -> memref<10240x128xf32, #tpu.memory_space<hbm>>
        tpu.enqueue_indirect_dma source(%dma_start3A_270 : memref<10240x128xf32, #tpu.memory_space<hbm>>) target(%arg13 : memref<128x128xf32, #tpu.memory_space<vmem>>) offsets(%dma_start3A_267 : memref<128xi32, #tpu.memory_space<vmem>>) semaphore(%arg16 : memref<!tpu.dma_semaphore, #tpu.memory_space<semaphore_mem>>)
        %add3A_271 = arith.constant 3 : i32
        %add3A_272 = arith.addi %mul3A_226, %add3A_271 : i32
        %mul3A_273 = arith.constant 128 : i32
        %mul3A_274 = arith.muli %add3A_272, %mul3A_273 : i32
        %add3A_275 = arith.addi %mul3A_2, %mul3A_274 : i32
        %multiple_of3A_276 = tpu.assume_multiple %add3A_275, 8 : i32
        %dma_start3A_277 = tpu.memref_slice %arg4[%multiple_of3A_276] : memref<320000xi32, #tpu.memory_space<hbm>> -> memref<128xi32, #tpu.memory_space<hbm>>
        %dma_start3A_278 = tpu.memref_slice %arg4[%multiple_of3A_276] : memref<320000xi32, #tpu.memory_space<hbm>> -> memref<128xi32, #tpu.memory_space<hbm>>
        tpu.enqueue_dma source(%dma_start3A_278 : memref<128xi32, #tpu.memory_space<hbm>>) target(%arg10 : memref<128xi32, #tpu.memory_space<vmem>>) target_semaphore(%arg18 : memref<!tpu.dma_semaphore, #tpu.memory_space<semaphore_mem>>)
      } else {
      }
    }
    %scan3A_86 = arith.constant 39 : i32
    %add3A_87 = arith.constant 9984 : i32
    %add3A_88 = arith.addi %mul3A_2, %add3A_87 : i32
    %multiple_of3A_89 = tpu.assume_multiple %add3A_88, 8 : i32
    "tpu.region"() ({
      %run_scoped3A = tpu.sem_alloc : memref<!tpu.dma_semaphore, #tpu.memory_space<semaphore_mem>>
      %dma_start3A_224 = tpu.memref_slice %arg4[%multiple_of3A_89] : memref<320000xi32, #tpu.memory_space<hbm>> -> memref<16xi32, #tpu.memory_space<hbm>>
      %dma_start3A_225 = tpu.memref_slice %arg4[%multiple_of3A_89] : memref<320000xi32, #tpu.memory_space<hbm>> -> memref<16xi32, #tpu.memory_space<hbm>>
      tpu.enqueue_dma source(%dma_start3A_225 : memref<16xi32, #tpu.memory_space<hbm>>) target(%arg11 : memref<16xi32, #tpu.memory_space<vmem>>) target_semaphore(%run_scoped3A : memref<!tpu.dma_semaphore, #tpu.memory_space<semaphore_mem>>)
      %dma_wait3A_226 = tpu.memref_slice %arg4[%multiple_of3A_89] : memref<320000xi32, #tpu.memory_space<hbm>> -> memref<16xi32, #tpu.memory_space<hbm>>
      %dma_wait3A_227 = tpu.memref_slice %arg4[%multiple_of3A_89] : memref<320000xi32, #tpu.memory_space<hbm>> -> memref<16xi32, #tpu.memory_space<hbm>>
      tpu.wait_dma2 semaphore(%run_scoped3A : memref<!tpu.dma_semaphore, #tpu.memory_space<semaphore_mem>>) src(%dma_wait3A_227 : memref<16xi32, #tpu.memory_space<hbm>>) dst(%arg11 : memref<16xi32, #tpu.memory_space<vmem>>)
      tpu.yield
    }) : () -> ()
    %multiple_of3A_90 = arith.constant 9984 : i32
    %multiple_of3A_91 = tpu.assume_multiple %multiple_of3A_90, 8 : i32
    %dma_start3A_92 = arith.constant 0 : i32
    %dma_start3A_93 = arith.constant 0 : i32
    %dma_start3A_94 = tpu.memref_slice %arg12[%dma_start3A_92, %dma_start3A_93] : memref<128x128xf32, #tpu.memory_space<vmem>> -> memref<16x128xf32, #tpu.memory_space<vmem>>
    %dma_start3A_95 = tpu.memref_slice %arg8[%multiple_of3A_91] : memref<10000xi32, #tpu.memory_space<vmem>> -> memref<16xi32, #tpu.memory_space<vmem>>
    %dma_start3A_96 = arith.constant 0 : i32
    %dma_start3A_97 = arith.constant 0 : i32
    %dma_start3A_98 = tpu.memref_slice %arg2[%dma_start3A_96, %dma_start3A_97] : memref<10240x128xf32, #tpu.memory_space<hbm>> -> memref<10240x128xf32, #tpu.memory_space<hbm>>
    tpu.enqueue_indirect_dma source(%dma_start3A_98 : memref<10240x128xf32, #tpu.memory_space<hbm>>) target(%dma_start3A_94 : memref<16x128xf32, #tpu.memory_space<vmem>>) offsets(%dma_start3A_95 : memref<16xi32, #tpu.memory_space<vmem>>) semaphore(%arg15 : memref<!tpu.dma_semaphore, #tpu.memory_space<semaphore_mem>>)
    %dma_wait3A_99 = arith.constant 0 : i32
    %dma_wait3A_100 = arith.constant 0 : i32
    %dma_wait3A_101 = tpu.memref_slice %arg12[%dma_wait3A_99, %dma_wait3A_100] : memref<128x128xf32, #tpu.memory_space<vmem>> -> memref<16x128xf32, #tpu.memory_space<vmem>>
    %dma_wait3A_102 = tpu.memref_slice %arg8[%multiple_of3A_91] : memref<10000xi32, #tpu.memory_space<vmem>> -> memref<16xi32, #tpu.memory_space<vmem>>
    %dma_wait3A_103 = arith.constant 0 : i32
    %dma_wait3A_104 = arith.constant 0 : i32
    %dma_wait3A_105 = tpu.memref_slice %arg2[%dma_wait3A_103, %dma_wait3A_104] : memref<10240x128xf32, #tpu.memory_space<hbm>> -> memref<10240x128xf32, #tpu.memory_space<hbm>>
    tpu.wait_indirect_dma semaphore(%arg15 : memref<!tpu.dma_semaphore, #tpu.memory_space<semaphore_mem>>) src(%dma_wait3A_105 : memref<10240x128xf32, #tpu.memory_space<hbm>>) dst(%dma_wait3A_101 : memref<16x128xf32, #tpu.memory_space<vmem>>)
    "tpu.region"() ({
      %run_scoped3A = tpu.sem_alloc : memref<!tpu.dma_semaphore, #tpu.memory_space<semaphore_mem>>
      %dma_start3A_224 = arith.constant 0 : i32
      %dma_start3A_225 = arith.constant 0 : i32
      %dma_start3A_226 = tpu.memref_slice %arg12[%dma_start3A_224, %dma_start3A_225] : memref<128x128xf32, #tpu.memory_space<vmem>> -> memref<16x128xf32, #tpu.memory_space<vmem>>
      %dma_start3A_227 = arith.constant 0 : i32
      %dma_start3A_228 = arith.constant 0 : i32
      %dma_start3A_229 = tpu.memref_slice %arg14[%dma_start3A_227, %dma_start3A_228] : memref<10240x128xf32, #tpu.memory_space<vmem_shared>> -> memref<10240x128xf32, #tpu.memory_space<vmem_shared>>
      tpu.enqueue_indirect_dma source(%dma_start3A_226 : memref<16x128xf32, #tpu.memory_space<vmem>>) target(%dma_start3A_229 : memref<10240x128xf32, #tpu.memory_space<vmem_shared>>) offsets(%arg11 : memref<16xi32, #tpu.memory_space<vmem>>) semaphore(%run_scoped3A : memref<!tpu.dma_semaphore, #tpu.memory_space<semaphore_mem>>) {add = true}
      %dma_wait3A_230 = arith.constant 0 : i32
      %dma_wait3A_231 = arith.constant 0 : i32
      %dma_wait3A_232 = tpu.memref_slice %arg12[%dma_wait3A_230, %dma_wait3A_231] : memref<128x128xf32, #tpu.memory_space<vmem>> -> memref<16x128xf32, #tpu.memory_space<vmem>>
      %dma_wait3A_233 = arith.constant 0 : i32
      %dma_wait3A_234 = arith.constant 0 : i32
      %dma_wait3A_235 = tpu.memref_slice %arg14[%dma_wait3A_233, %dma_wait3A_234] : memref<10240x128xf32, #tpu.memory_space<vmem_shared>> -> memref<10240x128xf32, #tpu.memory_space<vmem_shared>>
      tpu.wait_indirect_dma semaphore(%run_scoped3A : memref<!tpu.dma_semaphore, #tpu.memory_space<semaphore_mem>>) src(%dma_wait3A_232 : memref<16x128xf32, #tpu.memory_space<vmem>>) dst(%dma_wait3A_235 : memref<10240x128xf32, #tpu.memory_space<vmem_shared>>)
      tpu.yield
    }) : () -> ()
    %barrier3A_106 = arith.constant 0 : index
    tpu.barrier barrier_id(%barrier3A_106)
    %mul3A_107 = arith.constant 640 : i32
    %mul3A_108 = arith.muli %arg1, %mul3A_107 : i32
    %add3A_109 = arith.constant 0 : i32
    %add3A_110 = arith.addi %mul3A_108, %add3A_109 : i32
    "tpu.region"() ({
      %run_scoped3A = tpu.sem_alloc : memref<!tpu.dma_semaphore, #tpu.memory_space<semaphore_mem>>
      %dma_start3A_224 = arith.constant 0 : i32
      %dma_start3A_225 = arith.constant 0 : i32
      %dma_start3A_226 = tpu.memref_slice %arg12[%dma_start3A_224, %dma_start3A_225] : memref<128x128xf32, #tpu.memory_space<vmem>> -> memref<128x128xf32, #tpu.memory_space<vmem>>
      %dma_start3A_227 = arith.constant 0 : i32
      %dma_start3A_228 = tpu.memref_slice %arg14[%add3A_110, %dma_start3A_227] : memref<10240x128xf32, #tpu.memory_space<vmem_shared>> -> memref<128x128xf32, #tpu.memory_space<vmem_shared>>
      %dma_start3A_229 = arith.constant 0 : i32
      %dma_start3A_230 = arith.constant 0 : i32
      %dma_start3A_231 = tpu.memref_slice %arg12[%dma_start3A_229, %dma_start3A_230] : memref<128x128xf32, #tpu.memory_space<vmem>> -> memref<128x128xf32, #tpu.memory_space<vmem>>
      %dma_start3A_232 = arith.constant 0 : i32
      %dma_start3A_233 = tpu.memref_slice %arg14[%add3A_110, %dma_start3A_232] : memref<10240x128xf32, #tpu.memory_space<vmem_shared>> -> memref<128x128xf32, #tpu.memory_space<vmem_shared>>
      tpu.enqueue_dma source(%dma_start3A_233 : memref<128x128xf32, #tpu.memory_space<vmem_shared>>) target(%dma_start3A_231 : memref<128x128xf32, #tpu.memory_space<vmem>>) target_semaphore(%run_scoped3A : memref<!tpu.dma_semaphore, #tpu.memory_space<semaphore_mem>>)
      %dma_wait3A_234 = arith.constant 0 : i32
      %dma_wait3A_235 = arith.constant 0 : i32
      %dma_wait3A_236 = tpu.memref_slice %arg12[%dma_wait3A_234, %dma_wait3A_235] : memref<128x128xf32, #tpu.memory_space<vmem>> -> memref<128x128xf32, #tpu.memory_space<vmem>>
      %dma_wait3A_237 = arith.constant 0 : i32
      %dma_wait3A_238 = tpu.memref_slice %arg14[%add3A_110, %dma_wait3A_237] : memref<10240x128xf32, #tpu.memory_space<vmem_shared>> -> memref<128x128xf32, #tpu.memory_space<vmem_shared>>
      %dma_wait3A_239 = arith.constant 0 : i32
      %dma_wait3A_240 = arith.constant 0 : i32
      %dma_wait3A_241 = tpu.memref_slice %arg12[%dma_wait3A_239, %dma_wait3A_240] : memref<128x128xf32, #tpu.memory_space<vmem>> -> memref<128x128xf32, #tpu.memory_space<vmem>>
      %dma_wait3A_242 = arith.constant 0 : i32
      %dma_wait3A_243 = tpu.memref_slice %arg14[%add3A_110, %dma_wait3A_242] : memref<10240x128xf32, #tpu.memory_space<vmem_shared>> -> memref<128x128xf32, #tpu.memory_space<vmem_shared>>
      tpu.wait_dma2 semaphore(%run_scoped3A : memref<!tpu.dma_semaphore, #tpu.memory_space<semaphore_mem>>) src(%dma_wait3A_243 : memref<128x128xf32, #tpu.memory_space<vmem_shared>>) dst(%dma_wait3A_241 : memref<128x128xf32, #tpu.memory_space<vmem>>)
      tpu.yield
    }) : () -> ()
    %eq3A = arith.constant 0 : i32
    %eq3A_111 = arith.cmpi eq, %arg0, %eq3A : i32
    %convert_element_type3A = arith.extui %eq3A_111 : i1 to i32
    %cond3A = arith.constant 0 : i32
    %cond3A_112 = arith.cmpi ne, %convert_element_type3A, %cond3A : i32
    scf.if %cond3A_112 {
      %dma_start3A_224 = arith.constant 0 : i32
      %dma_start3A_225 = arith.constant 0 : i32
      %dma_start3A_226 = tpu.memref_slice %arg12[%dma_start3A_224, %dma_start3A_225] : memref<128x128xf32, #tpu.memory_space<vmem>> -> memref<128x128xf32, #tpu.memory_space<vmem>>
      %dma_start3A_227 = arith.constant 0 : i32
      %dma_start3A_228 = tpu.memref_slice %arg6[%add3A_110, %dma_start3A_227] : memref<10240x128xf32, #tpu.memory_space<hbm>> -> memref<128x128xf32, #tpu.memory_space<hbm>>
      %dma_start3A_229 = arith.constant 0 : i32
      %dma_start3A_230 = tpu.memref_slice %arg6[%add3A_110, %dma_start3A_229] : memref<10240x128xf32, #tpu.memory_space<hbm>> -> memref<128x128xf32, #tpu.memory_space<hbm>>
      %dma_start3A_231 = arith.constant 0 : i32
      %dma_start3A_232 = arith.constant 0 : i32
      %dma_start3A_233 = tpu.memref_slice %arg12[%dma_start3A_231, %dma_start3A_232] : memref<128x128xf32, #tpu.memory_space<vmem>> -> memref<128x128xf32, #tpu.memory_space<vmem>>
      tpu.enqueue_dma source(%dma_start3A_233 : memref<128x128xf32, #tpu.memory_space<vmem>>) target(%dma_start3A_230 : memref<128x128xf32, #tpu.memory_space<hbm>>) target_semaphore(%arg15 : memref<!tpu.dma_semaphore, #tpu.memory_space<semaphore_mem>>)
    } else {
    }
    %eq3A_113 = arith.constant 1 : i32
    %eq3A_114 = arith.cmpi eq, %arg0, %eq3A_113 : i32
    %convert_element_type3A_115 = arith.extui %eq3A_114 : i1 to i32
    %cond3A_116 = arith.constant 0 : i32
    %cond3A_117 = arith.cmpi ne, %convert_element_type3A_115, %cond3A_116 : i32
    scf.if %cond3A_117 {
      %dma_start3A_224 = arith.constant 0 : i32
      %dma_start3A_225 = arith.constant 0 : i32
      %dma_start3A_226 = tpu.memref_slice %arg12[%dma_start3A_224, %dma_start3A_225] : memref<128x128xf32, #tpu.memory_space<vmem>> -> memref<128x128xf32, #tpu.memory_space<vmem>>
      %dma_start3A_227 = arith.constant 0 : i32
      %dma_start3A_228 = tpu.memref_slice %arg7[%add3A_110, %dma_start3A_227] : memref<10240x128xf32, #tpu.memory_space<hbm>> -> memref<128x128xf32, #tpu.memory_space<hbm>>
      %dma_start3A_229 = arith.constant 0 : i32
      %dma_start3A_230 = tpu.memref_slice %arg7[%add3A_110, %dma_start3A_229] : memref<10240x128xf32, #tpu.memory_space<hbm>> -> memref<128x128xf32, #tpu.memory_space<hbm>>
      %dma_start3A_231 = arith.constant 0 : i32
      %dma_start3A_232 = arith.constant 0 : i32
      %dma_start3A_233 = tpu.memref_slice %arg12[%dma_start3A_231, %dma_start3A_232] : memref<128x128xf32, #tpu.memory_space<vmem>> -> memref<128x128xf32, #tpu.memory_space<vmem>>
      tpu.enqueue_dma source(%dma_start3A_233 : memref<128x128xf32, #tpu.memory_space<vmem>>) target(%dma_start3A_230 : memref<128x128xf32, #tpu.memory_space<hbm>>) target_semaphore(%arg15 : memref<!tpu.dma_semaphore, #tpu.memory_space<semaphore_mem>>)
    } else {
    }
    %mul3A_118 = arith.constant 640 : i32
    %mul3A_119 = arith.muli %arg1, %mul3A_118 : i32
    %add3A_120 = arith.constant 128 : i32
    %add3A_121 = arith.addi %mul3A_119, %add3A_120 : i32
    "tpu.region"() ({
      %run_scoped3A = tpu.sem_alloc : memref<!tpu.dma_semaphore, #tpu.memory_space<semaphore_mem>>
      %dma_start3A_224 = arith.constant 0 : i32
      %dma_start3A_225 = arith.constant 0 : i32
      %dma_start3A_226 = tpu.memref_slice %arg13[%dma_start3A_224, %dma_start3A_225] : memref<128x128xf32, #tpu.memory_space<vmem>> -> memref<128x128xf32, #tpu.memory_space<vmem>>
      %dma_start3A_227 = arith.constant 0 : i32
      %dma_start3A_228 = tpu.memref_slice %arg14[%add3A_121, %dma_start3A_227] : memref<10240x128xf32, #tpu.memory_space<vmem_shared>> -> memref<128x128xf32, #tpu.memory_space<vmem_shared>>
      %dma_start3A_229 = arith.constant 0 : i32
      %dma_start3A_230 = arith.constant 0 : i32
      %dma_start3A_231 = tpu.memref_slice %arg13[%dma_start3A_229, %dma_start3A_230] : memref<128x128xf32, #tpu.memory_space<vmem>> -> memref<128x128xf32, #tpu.memory_space<vmem>>
      %dma_start3A_232 = arith.constant 0 : i32
      %dma_start3A_233 = tpu.memref_slice %arg14[%add3A_121, %dma_start3A_232] : memref<10240x128xf32, #tpu.memory_space<vmem_shared>> -> memref<128x128xf32, #tpu.memory_space<vmem_shared>>
      tpu.enqueue_dma source(%dma_start3A_233 : memref<128x128xf32, #tpu.memory_space<vmem_shared>>) target(%dma_start3A_231 : memref<128x128xf32, #tpu.memory_space<vmem>>) target_semaphore(%run_scoped3A : memref<!tpu.dma_semaphore, #tpu.memory_space<semaphore_mem>>)
      %dma_wait3A_234 = arith.constant 0 : i32
      %dma_wait3A_235 = arith.constant 0 : i32
      %dma_wait3A_236 = tpu.memref_slice %arg13[%dma_wait3A_234, %dma_wait3A_235] : memref<128x128xf32, #tpu.memory_space<vmem>> -> memref<128x128xf32, #tpu.memory_space<vmem>>
      %dma_wait3A_237 = arith.constant 0 : i32
      %dma_wait3A_238 = tpu.memref_slice %arg14[%add3A_121, %dma_wait3A_237] : memref<10240x128xf32, #tpu.memory_space<vmem_shared>> -> memref<128x128xf32, #tpu.memory_space<vmem_shared>>
      %dma_wait3A_239 = arith.constant 0 : i32
      %dma_wait3A_240 = arith.constant 0 : i32
      %dma_wait3A_241 = tpu.memref_slice %arg13[%dma_wait3A_239, %dma_wait3A_240] : memref<128x128xf32, #tpu.memory_space<vmem>> -> memref<128x128xf32, #tpu.memory_space<vmem>>
      %dma_wait3A_242 = arith.constant 0 : i32
      %dma_wait3A_243 = tpu.memref_slice %arg14[%add3A_121, %dma_wait3A_242] : memref<10240x128xf32, #tpu.memory_space<vmem_shared>> -> memref<128x128xf32, #tpu.memory_space<vmem_shared>>
      tpu.wait_dma2 semaphore(%run_scoped3A : memref<!tpu.dma_semaphore, #tpu.memory_space<semaphore_mem>>) src(%dma_wait3A_243 : memref<128x128xf32, #tpu.memory_space<vmem_shared>>) dst(%dma_wait3A_241 : memref<128x128xf32, #tpu.memory_space<vmem>>)
      tpu.yield
    }) : () -> ()
    %eq3A_122 = arith.constant 0 : i32
    %eq3A_123 = arith.cmpi eq, %arg0, %eq3A_122 : i32
    %convert_element_type3A_124 = arith.extui %eq3A_123 : i1 to i32
    %cond3A_125 = arith.constant 0 : i32
    %cond3A_126 = arith.cmpi ne, %convert_element_type3A_124, %cond3A_125 : i32
    scf.if %cond3A_126 {
      %dma_start3A_224 = arith.constant 0 : i32
      %dma_start3A_225 = arith.constant 0 : i32
      %dma_start3A_226 = tpu.memref_slice %arg13[%dma_start3A_224, %dma_start3A_225] : memref<128x128xf32, #tpu.memory_space<vmem>> -> memref<128x128xf32, #tpu.memory_space<vmem>>
      %dma_start3A_227 = arith.constant 0 : i32
      %dma_start3A_228 = tpu.memref_slice %arg6[%add3A_121, %dma_start3A_227] : memref<10240x128xf32, #tpu.memory_space<hbm>> -> memref<128x128xf32, #tpu.memory_space<hbm>>
      %dma_start3A_229 = arith.constant 0 : i32
      %dma_start3A_230 = tpu.memref_slice %arg6[%add3A_121, %dma_start3A_229] : memref<10240x128xf32, #tpu.memory_space<hbm>> -> memref<128x128xf32, #tpu.memory_space<hbm>>
      %dma_start3A_231 = arith.constant 0 : i32
      %dma_start3A_232 = arith.constant 0 : i32
      %dma_start3A_233 = tpu.memref_slice %arg13[%dma_start3A_231, %dma_start3A_232] : memref<128x128xf32, #tpu.memory_space<vmem>> -> memref<128x128xf32, #tpu.memory_space<vmem>>
      tpu.enqueue_dma source(%dma_start3A_233 : memref<128x128xf32, #tpu.memory_space<vmem>>) target(%dma_start3A_230 : memref<128x128xf32, #tpu.memory_space<hbm>>) target_semaphore(%arg16 : memref<!tpu.dma_semaphore, #tpu.memory_space<semaphore_mem>>)
    } else {
    }
    %eq3A_127 = arith.constant 1 : i32
    %eq3A_128 = arith.cmpi eq, %arg0, %eq3A_127 : i32
    %convert_element_type3A_129 = arith.extui %eq3A_128 : i1 to i32
    %cond3A_130 = arith.constant 0 : i32
    %cond3A_131 = arith.cmpi ne, %convert_element_type3A_129, %cond3A_130 : i32
    scf.if %cond3A_131 {
      %dma_start3A_224 = arith.constant 0 : i32
      %dma_start3A_225 = arith.constant 0 : i32
      %dma_start3A_226 = tpu.memref_slice %arg13[%dma_start3A_224, %dma_start3A_225] : memref<128x128xf32, #tpu.memory_space<vmem>> -> memref<128x128xf32, #tpu.memory_space<vmem>>
      %dma_start3A_227 = arith.constant 0 : i32
      %dma_start3A_228 = tpu.memref_slice %arg7[%add3A_121, %dma_start3A_227] : memref<10240x128xf32, #tpu.memory_space<hbm>> -> memref<128x128xf32, #tpu.memory_space<hbm>>
      %dma_start3A_229 = arith.constant 0 : i32
      %dma_start3A_230 = tpu.memref_slice %arg7[%add3A_121, %dma_start3A_229] : memref<10240x128xf32, #tpu.memory_space<hbm>> -> memref<128x128xf32, #tpu.memory_space<hbm>>
      %dma_start3A_231 = arith.constant 0 : i32
      %dma_start3A_232 = arith.constant 0 : i32
      %dma_start3A_233 = tpu.memref_slice %arg13[%dma_start3A_231, %dma_start3A_232] : memref<128x128xf32, #tpu.memory_space<vmem>> -> memref<128x128xf32, #tpu.memory_space<vmem>>
      tpu.enqueue_dma source(%dma_start3A_233 : memref<128x128xf32, #tpu.memory_space<vmem>>) target(%dma_start3A_230 : memref<128x128xf32, #tpu.memory_space<hbm>>) target_semaphore(%arg16 : memref<!tpu.dma_semaphore, #tpu.memory_space<semaphore_mem>>)
    } else {
    }
    %dma_wait3A_132 = arith.constant 0 : i32
    %dma_wait3A_133 = arith.constant 0 : i32
    %dma_wait3A_134 = tpu.memref_slice %arg12[%dma_wait3A_132, %dma_wait3A_133] : memref<128x128xf32, #tpu.memory_space<vmem>> -> memref<128x128xf32, #tpu.memory_space<vmem>>
    %dma_wait3A_135 = arith.constant 0 : i32
    %dma_wait3A_136 = tpu.memref_slice %arg6[%add3A_110, %dma_wait3A_135] : memref<10240x128xf32, #tpu.memory_space<hbm>> -> memref<128x128xf32, #tpu.memory_space<hbm>>
    %dma_wait3A_137 = arith.constant 0 : i32
    %dma_wait3A_138 = tpu.memref_slice %arg6[%add3A_110, %dma_wait3A_137] : memref<10240x128xf32, #tpu.memory_space<hbm>> -> memref<128x128xf32, #tpu.memory_space<hbm>>
    %dma_wait3A_139 = arith.constant 0 : i32
    %dma_wait3A_140 = arith.constant 0 : i32
    %dma_wait3A_141 = tpu.memref_slice %arg12[%dma_wait3A_139, %dma_wait3A_140] : memref<128x128xf32, #tpu.memory_space<vmem>> -> memref<128x128xf32, #tpu.memory_space<vmem>>
    tpu.wait_dma2 semaphore(%arg15 : memref<!tpu.dma_semaphore, #tpu.memory_space<semaphore_mem>>) src(%dma_wait3A_141 : memref<128x128xf32, #tpu.memory_space<vmem>>) dst(%dma_wait3A_138 : memref<128x128xf32, #tpu.memory_space<hbm>>)
    %mul3A_142 = arith.constant 640 : i32
    %mul3A_143 = arith.muli %arg1, %mul3A_142 : i32
    %add3A_144 = arith.constant 256 : i32
    %add3A_145 = arith.addi %mul3A_143, %add3A_144 : i32
    "tpu.region"() ({
      %run_scoped3A = tpu.sem_alloc : memref<!tpu.dma_semaphore, #tpu.memory_space<semaphore_mem>>
      %dma_start3A_224 = arith.constant 0 : i32
      %dma_start3A_225 = arith.constant 0 : i32
      %dma_start3A_226 = tpu.memref_slice %arg12[%dma_start3A_224, %dma_start3A_225] : memref<128x128xf32, #tpu.memory_space<vmem>> -> memref<128x128xf32, #tpu.memory_space<vmem>>
      %dma_start3A_227 = arith.constant 0 : i32
      %dma_start3A_228 = tpu.memref_slice %arg14[%add3A_145, %dma_start3A_227] : memref<10240x128xf32, #tpu.memory_space<vmem_shared>> -> memref<128x128xf32, #tpu.memory_space<vmem_shared>>
      %dma_start3A_229 = arith.constant 0 : i32
      %dma_start3A_230 = arith.constant 0 : i32
      %dma_start3A_231 = tpu.memref_slice %arg12[%dma_start3A_229, %dma_start3A_230] : memref<128x128xf32, #tpu.memory_space<vmem>> -> memref<128x128xf32, #tpu.memory_space<vmem>>
      %dma_start3A_232 = arith.constant 0 : i32
      %dma_start3A_233 = tpu.memref_slice %arg14[%add3A_145, %dma_start3A_232] : memref<10240x128xf32, #tpu.memory_space<vmem_shared>> -> memref<128x128xf32, #tpu.memory_space<vmem_shared>>
      tpu.enqueue_dma source(%dma_start3A_233 : memref<128x128xf32, #tpu.memory_space<vmem_shared>>) target(%dma_start3A_231 : memref<128x128xf32, #tpu.memory_space<vmem>>) target_semaphore(%run_scoped3A : memref<!tpu.dma_semaphore, #tpu.memory_space<semaphore_mem>>)
      %dma_wait3A_234 = arith.constant 0 : i32
      %dma_wait3A_235 = arith.constant 0 : i32
      %dma_wait3A_236 = tpu.memref_slice %arg12[%dma_wait3A_234, %dma_wait3A_235] : memref<128x128xf32, #tpu.memory_space<vmem>> -> memref<128x128xf32, #tpu.memory_space<vmem>>
      %dma_wait3A_237 = arith.constant 0 : i32
      %dma_wait3A_238 = tpu.memref_slice %arg14[%add3A_145, %dma_wait3A_237] : memref<10240x128xf32, #tpu.memory_space<vmem_shared>> -> memref<128x128xf32, #tpu.memory_space<vmem_shared>>
      %dma_wait3A_239 = arith.constant 0 : i32
      %dma_wait3A_240 = arith.constant 0 : i32
      %dma_wait3A_241 = tpu.memref_slice %arg12[%dma_wait3A_239, %dma_wait3A_240] : memref<128x128xf32, #tpu.memory_space<vmem>> -> memref<128x128xf32, #tpu.memory_space<vmem>>
      %dma_wait3A_242 = arith.constant 0 : i32
      %dma_wait3A_243 = tpu.memref_slice %arg14[%add3A_145, %dma_wait3A_242] : memref<10240x128xf32, #tpu.memory_space<vmem_shared>> -> memref<128x128xf32, #tpu.memory_space<vmem_shared>>
      tpu.wait_dma2 semaphore(%run_scoped3A : memref<!tpu.dma_semaphore, #tpu.memory_space<semaphore_mem>>) src(%dma_wait3A_243 : memref<128x128xf32, #tpu.memory_space<vmem_shared>>) dst(%dma_wait3A_241 : memref<128x128xf32, #tpu.memory_space<vmem>>)
      tpu.yield
    }) : () -> ()
    %eq3A_146 = arith.constant 0 : i32
    %eq3A_147 = arith.cmpi eq, %arg0, %eq3A_146 : i32
    %convert_element_type3A_148 = arith.extui %eq3A_147 : i1 to i32
    %cond3A_149 = arith.constant 0 : i32
    %cond3A_150 = arith.cmpi ne, %convert_element_type3A_148, %cond3A_149 : i32
    scf.if %cond3A_150 {
      %dma_start3A_224 = arith.constant 0 : i32
      %dma_start3A_225 = arith.constant 0 : i32
      %dma_start3A_226 = tpu.memref_slice %arg12[%dma_start3A_224, %dma_start3A_225] : memref<128x128xf32, #tpu.memory_space<vmem>> -> memref<128x128xf32, #tpu.memory_space<vmem>>
      %dma_start3A_227 = arith.constant 0 : i32
      %dma_start3A_228 = tpu.memref_slice %arg6[%add3A_145, %dma_start3A_227] : memref<10240x128xf32, #tpu.memory_space<hbm>> -> memref<128x128xf32, #tpu.memory_space<hbm>>
      %dma_start3A_229 = arith.constant 0 : i32
      %dma_start3A_230 = tpu.memref_slice %arg6[%add3A_145, %dma_start3A_229] : memref<10240x128xf32, #tpu.memory_space<hbm>> -> memref<128x128xf32, #tpu.memory_space<hbm>>
      %dma_start3A_231 = arith.constant 0 : i32
      %dma_start3A_232 = arith.constant 0 : i32
      %dma_start3A_233 = tpu.memref_slice %arg12[%dma_start3A_231, %dma_start3A_232] : memref<128x128xf32, #tpu.memory_space<vmem>> -> memref<128x128xf32, #tpu.memory_space<vmem>>
      tpu.enqueue_dma source(%dma_start3A_233 : memref<128x128xf32, #tpu.memory_space<vmem>>) target(%dma_start3A_230 : memref<128x128xf32, #tpu.memory_space<hbm>>) target_semaphore(%arg15 : memref<!tpu.dma_semaphore, #tpu.memory_space<semaphore_mem>>)
    } else {
    }
    %eq3A_151 = arith.constant 1 : i32
    %eq3A_152 = arith.cmpi eq, %arg0, %eq3A_151 : i32
    %convert_element_type3A_153 = arith.extui %eq3A_152 : i1 to i32
    %cond3A_154 = arith.constant 0 : i32
    %cond3A_155 = arith.cmpi ne, %convert_element_type3A_153, %cond3A_154 : i32
    scf.if %cond3A_155 {
      %dma_start3A_224 = arith.constant 0 : i32
      %dma_start3A_225 = arith.constant 0 : i32
      %dma_start3A_226 = tpu.memref_slice %arg12[%dma_start3A_224, %dma_start3A_225] : memref<128x128xf32, #tpu.memory_space<vmem>> -> memref<128x128xf32, #tpu.memory_space<vmem>>
      %dma_start3A_227 = arith.constant 0 : i32
      %dma_start3A_228 = tpu.memref_slice %arg7[%add3A_145, %dma_start3A_227] : memref<10240x128xf32, #tpu.memory_space<hbm>> -> memref<128x128xf32, #tpu.memory_space<hbm>>
      %dma_start3A_229 = arith.constant 0 : i32
      %dma_start3A_230 = tpu.memref_slice %arg7[%add3A_145, %dma_start3A_229] : memref<10240x128xf32, #tpu.memory_space<hbm>> -> memref<128x128xf32, #tpu.memory_space<hbm>>
      %dma_start3A_231 = arith.constant 0 : i32
      %dma_start3A_232 = arith.constant 0 : i32
      %dma_start3A_233 = tpu.memref_slice %arg12[%dma_start3A_231, %dma_start3A_232] : memref<128x128xf32, #tpu.memory_space<vmem>> -> memref<128x128xf32, #tpu.memory_space<vmem>>
      tpu.enqueue_dma source(%dma_start3A_233 : memref<128x128xf32, #tpu.memory_space<vmem>>) target(%dma_start3A_230 : memref<128x128xf32, #tpu.memory_space<hbm>>) target_semaphore(%arg15 : memref<!tpu.dma_semaphore, #tpu.memory_space<semaphore_mem>>)
    } else {
    }
    %dma_wait3A_156 = arith.constant 0 : i32
    %dma_wait3A_157 = arith.constant 0 : i32
    %dma_wait3A_158 = tpu.memref_slice %arg13[%dma_wait3A_156, %dma_wait3A_157] : memref<128x128xf32, #tpu.memory_space<vmem>> -> memref<128x128xf32, #tpu.memory_space<vmem>>
    %dma_wait3A_159 = arith.constant 0 : i32
    %dma_wait3A_160 = tpu.memref_slice %arg6[%add3A_121, %dma_wait3A_159] : memref<10240x128xf32, #tpu.memory_space<hbm>> -> memref<128x128xf32, #tpu.memory_space<hbm>>
    %dma_wait3A_161 = arith.constant 0 : i32
    %dma_wait3A_162 = tpu.memref_slice %arg6[%add3A_121, %dma_wait3A_161] : memref<10240x128xf32, #tpu.memory_space<hbm>> -> memref<128x128xf32, #tpu.memory_space<hbm>>
    %dma_wait3A_163 = arith.constant 0 : i32
    %dma_wait3A_164 = arith.constant 0 : i32
    %dma_wait3A_165 = tpu.memref_slice %arg13[%dma_wait3A_163, %dma_wait3A_164] : memref<128x128xf32, #tpu.memory_space<vmem>> -> memref<128x128xf32, #tpu.memory_space<vmem>>
    tpu.wait_dma2 semaphore(%arg16 : memref<!tpu.dma_semaphore, #tpu.memory_space<semaphore_mem>>) src(%dma_wait3A_165 : memref<128x128xf32, #tpu.memory_space<vmem>>) dst(%dma_wait3A_162 : memref<128x128xf32, #tpu.memory_space<hbm>>)
    %mul3A_166 = arith.constant 640 : i32
    %mul3A_167 = arith.muli %arg1, %mul3A_166 : i32
    %add3A_168 = arith.constant 384 : i32
    %add3A_169 = arith.addi %mul3A_167, %add3A_168 : i32
    "tpu.region"() ({
      %run_scoped3A = tpu.sem_alloc : memref<!tpu.dma_semaphore, #tpu.memory_space<semaphore_mem>>
      %dma_start3A_224 = arith.constant 0 : i32
      %dma_start3A_225 = arith.constant 0 : i32
      %dma_start3A_226 = tpu.memref_slice %arg13[%dma_start3A_224, %dma_start3A_225] : memref<128x128xf32, #tpu.memory_space<vmem>> -> memref<128x128xf32, #tpu.memory_space<vmem>>
      %dma_start3A_227 = arith.constant 0 : i32
      %dma_start3A_228 = tpu.memref_slice %arg14[%add3A_169, %dma_start3A_227] : memref<10240x128xf32, #tpu.memory_space<vmem_shared>> -> memref<128x128xf32, #tpu.memory_space<vmem_shared>>
      %dma_start3A_229 = arith.constant 0 : i32
      %dma_start3A_230 = arith.constant 0 : i32
      %dma_start3A_231 = tpu.memref_slice %arg13[%dma_start3A_229, %dma_start3A_230] : memref<128x128xf32, #tpu.memory_space<vmem>> -> memref<128x128xf32, #tpu.memory_space<vmem>>
      %dma_start3A_232 = arith.constant 0 : i32
      %dma_start3A_233 = tpu.memref_slice %arg14[%add3A_169, %dma_start3A_232] : memref<10240x128xf32, #tpu.memory_space<vmem_shared>> -> memref<128x128xf32, #tpu.memory_space<vmem_shared>>
      tpu.enqueue_dma source(%dma_start3A_233 : memref<128x128xf32, #tpu.memory_space<vmem_shared>>) target(%dma_start3A_231 : memref<128x128xf32, #tpu.memory_space<vmem>>) target_semaphore(%run_scoped3A : memref<!tpu.dma_semaphore, #tpu.memory_space<semaphore_mem>>)
      %dma_wait3A_234 = arith.constant 0 : i32
      %dma_wait3A_235 = arith.constant 0 : i32
      %dma_wait3A_236 = tpu.memref_slice %arg13[%dma_wait3A_234, %dma_wait3A_235] : memref<128x128xf32, #tpu.memory_space<vmem>> -> memref<128x128xf32, #tpu.memory_space<vmem>>
      %dma_wait3A_237 = arith.constant 0 : i32
      %dma_wait3A_238 = tpu.memref_slice %arg14[%add3A_169, %dma_wait3A_237] : memref<10240x128xf32, #tpu.memory_space<vmem_shared>> -> memref<128x128xf32, #tpu.memory_space<vmem_shared>>
      %dma_wait3A_239 = arith.constant 0 : i32
      %dma_wait3A_240 = arith.constant 0 : i32
      %dma_wait3A_241 = tpu.memref_slice %arg13[%dma_wait3A_239, %dma_wait3A_240] : memref<128x128xf32, #tpu.memory_space<vmem>> -> memref<128x128xf32, #tpu.memory_space<vmem>>
      %dma_wait3A_242 = arith.constant 0 : i32
      %dma_wait3A_243 = tpu.memref_slice %arg14[%add3A_169, %dma_wait3A_242] : memref<10240x128xf32, #tpu.memory_space<vmem_shared>> -> memref<128x128xf32, #tpu.memory_space<vmem_shared>>
      tpu.wait_dma2 semaphore(%run_scoped3A : memref<!tpu.dma_semaphore, #tpu.memory_space<semaphore_mem>>) src(%dma_wait3A_243 : memref<128x128xf32, #tpu.memory_space<vmem_shared>>) dst(%dma_wait3A_241 : memref<128x128xf32, #tpu.memory_space<vmem>>)
      tpu.yield
    }) : () -> ()
    %eq3A_170 = arith.constant 0 : i32
    %eq3A_171 = arith.cmpi eq, %arg0, %eq3A_170 : i32
    %convert_element_type3A_172 = arith.extui %eq3A_171 : i1 to i32
    %cond3A_173 = arith.constant 0 : i32
    %cond3A_174 = arith.cmpi ne, %convert_element_type3A_172, %cond3A_173 : i32
    scf.if %cond3A_174 {
      %dma_start3A_224 = arith.constant 0 : i32
      %dma_start3A_225 = arith.constant 0 : i32
      %dma_start3A_226 = tpu.memref_slice %arg13[%dma_start3A_224, %dma_start3A_225] : memref<128x128xf32, #tpu.memory_space<vmem>> -> memref<128x128xf32, #tpu.memory_space<vmem>>
      %dma_start3A_227 = arith.constant 0 : i32
      %dma_start3A_228 = tpu.memref_slice %arg6[%add3A_169, %dma_start3A_227] : memref<10240x128xf32, #tpu.memory_space<hbm>> -> memref<128x128xf32, #tpu.memory_space<hbm>>
      %dma_start3A_229 = arith.constant 0 : i32
      %dma_start3A_230 = tpu.memref_slice %arg6[%add3A_169, %dma_start3A_229] : memref<10240x128xf32, #tpu.memory_space<hbm>> -> memref<128x128xf32, #tpu.memory_space<hbm>>
      %dma_start3A_231 = arith.constant 0 : i32
      %dma_start3A_232 = arith.constant 0 : i32
      %dma_start3A_233 = tpu.memref_slice %arg13[%dma_start3A_231, %dma_start3A_232] : memref<128x128xf32, #tpu.memory_space<vmem>> -> memref<128x128xf32, #tpu.memory_space<vmem>>
      tpu.enqueue_dma source(%dma_start3A_233 : memref<128x128xf32, #tpu.memory_space<vmem>>) target(%dma_start3A_230 : memref<128x128xf32, #tpu.memory_space<hbm>>) target_semaphore(%arg16 : memref<!tpu.dma_semaphore, #tpu.memory_space<semaphore_mem>>)
    } else {
    }
    %eq3A_175 = arith.constant 1 : i32
    %eq3A_176 = arith.cmpi eq, %arg0, %eq3A_175 : i32
    %convert_element_type3A_177 = arith.extui %eq3A_176 : i1 to i32
    %cond3A_178 = arith.constant 0 : i32
    %cond3A_179 = arith.cmpi ne, %convert_element_type3A_177, %cond3A_178 : i32
    scf.if %cond3A_179 {
      %dma_start3A_224 = arith.constant 0 : i32
      %dma_start3A_225 = arith.constant 0 : i32
      %dma_start3A_226 = tpu.memref_slice %arg13[%dma_start3A_224, %dma_start3A_225] : memref<128x128xf32, #tpu.memory_space<vmem>> -> memref<128x128xf32, #tpu.memory_space<vmem>>
      %dma_start3A_227 = arith.constant 0 : i32
      %dma_start3A_228 = tpu.memref_slice %arg7[%add3A_169, %dma_start3A_227] : memref<10240x128xf32, #tpu.memory_space<hbm>> -> memref<128x128xf32, #tpu.memory_space<hbm>>
      %dma_start3A_229 = arith.constant 0 : i32
      %dma_start3A_230 = tpu.memref_slice %arg7[%add3A_169, %dma_start3A_229] : memref<10240x128xf32, #tpu.memory_space<hbm>> -> memref<128x128xf32, #tpu.memory_space<hbm>>
      %dma_start3A_231 = arith.constant 0 : i32
      %dma_start3A_232 = arith.constant 0 : i32
      %dma_start3A_233 = tpu.memref_slice %arg13[%dma_start3A_231, %dma_start3A_232] : memref<128x128xf32, #tpu.memory_space<vmem>> -> memref<128x128xf32, #tpu.memory_space<vmem>>
      tpu.enqueue_dma source(%dma_start3A_233 : memref<128x128xf32, #tpu.memory_space<vmem>>) target(%dma_start3A_230 : memref<128x128xf32, #tpu.memory_space<hbm>>) target_semaphore(%arg16 : memref<!tpu.dma_semaphore, #tpu.memory_space<semaphore_mem>>)
    } else {
    }
    %dma_wait3A_180 = arith.constant 0 : i32
    %dma_wait3A_181 = arith.constant 0 : i32
    %dma_wait3A_182 = tpu.memref_slice %arg12[%dma_wait3A_180, %dma_wait3A_181] : memref<128x128xf32, #tpu.memory_space<vmem>> -> memref<128x128xf32, #tpu.memory_space<vmem>>
    %dma_wait3A_183 = arith.constant 0 : i32
    %dma_wait3A_184 = tpu.memref_slice %arg6[%add3A_145, %dma_wait3A_183] : memref<10240x128xf32, #tpu.memory_space<hbm>> -> memref<128x128xf32, #tpu.memory_space<hbm>>
    %dma_wait3A_185 = arith.constant 0 : i32
    %dma_wait3A_186 = tpu.memref_slice %arg6[%add3A_145, %dma_wait3A_185] : memref<10240x128xf32, #tpu.memory_space<hbm>> -> memref<128x128xf32, #tpu.memory_space<hbm>>
    %dma_wait3A_187 = arith.constant 0 : i32
    %dma_wait3A_188 = arith.constant 0 : i32
    %dma_wait3A_189 = tpu.memref_slice %arg12[%dma_wait3A_187, %dma_wait3A_188] : memref<128x128xf32, #tpu.memory_space<vmem>> -> memref<128x128xf32, #tpu.memory_space<vmem>>
    tpu.wait_dma2 semaphore(%arg15 : memref<!tpu.dma_semaphore, #tpu.memory_space<semaphore_mem>>) src(%dma_wait3A_189 : memref<128x128xf32, #tpu.memory_space<vmem>>) dst(%dma_wait3A_186 : memref<128x128xf32, #tpu.memory_space<hbm>>)
    %mul3A_190 = arith.constant 640 : i32
    %mul3A_191 = arith.muli %arg1, %mul3A_190 : i32
    %add3A_192 = arith.constant 512 : i32
    %add3A_193 = arith.addi %mul3A_191, %add3A_192 : i32
    "tpu.region"() ({
      %run_scoped3A = tpu.sem_alloc : memref<!tpu.dma_semaphore, #tpu.memory_space<semaphore_mem>>
      %dma_start3A_224 = arith.constant 0 : i32
      %dma_start3A_225 = arith.constant 0 : i32
      %dma_start3A_226 = tpu.memref_slice %arg12[%dma_start3A_224, %dma_start3A_225] : memref<128x128xf32, #tpu.memory_space<vmem>> -> memref<128x128xf32, #tpu.memory_space<vmem>>
      %dma_start3A_227 = arith.constant 0 : i32
      %dma_start3A_228 = tpu.memref_slice %arg14[%add3A_193, %dma_start3A_227] : memref<10240x128xf32, #tpu.memory_space<vmem_shared>> -> memref<128x128xf32, #tpu.memory_space<vmem_shared>>
      %dma_start3A_229 = arith.constant 0 : i32
      %dma_start3A_230 = arith.constant 0 : i32
      %dma_start3A_231 = tpu.memref_slice %arg12[%dma_start3A_229, %dma_start3A_230] : memref<128x128xf32, #tpu.memory_space<vmem>> -> memref<128x128xf32, #tpu.memory_space<vmem>>
      %dma_start3A_232 = arith.constant 0 : i32
      %dma_start3A_233 = tpu.memref_slice %arg14[%add3A_193, %dma_start3A_232] : memref<10240x128xf32, #tpu.memory_space<vmem_shared>> -> memref<128x128xf32, #tpu.memory_space<vmem_shared>>
      tpu.enqueue_dma source(%dma_start3A_233 : memref<128x128xf32, #tpu.memory_space<vmem_shared>>) target(%dma_start3A_231 : memref<128x128xf32, #tpu.memory_space<vmem>>) target_semaphore(%run_scoped3A : memref<!tpu.dma_semaphore, #tpu.memory_space<semaphore_mem>>)
      %dma_wait3A_234 = arith.constant 0 : i32
      %dma_wait3A_235 = arith.constant 0 : i32
      %dma_wait3A_236 = tpu.memref_slice %arg12[%dma_wait3A_234, %dma_wait3A_235] : memref<128x128xf32, #tpu.memory_space<vmem>> -> memref<128x128xf32, #tpu.memory_space<vmem>>
      %dma_wait3A_237 = arith.constant 0 : i32
      %dma_wait3A_238 = tpu.memref_slice %arg14[%add3A_193, %dma_wait3A_237] : memref<10240x128xf32, #tpu.memory_space<vmem_shared>> -> memref<128x128xf32, #tpu.memory_space<vmem_shared>>
      %dma_wait3A_239 = arith.constant 0 : i32
      %dma_wait3A_240 = arith.constant 0 : i32
      %dma_wait3A_241 = tpu.memref_slice %arg12[%dma_wait3A_239, %dma_wait3A_240] : memref<128x128xf32, #tpu.memory_space<vmem>> -> memref<128x128xf32, #tpu.memory_space<vmem>>
      %dma_wait3A_242 = arith.constant 0 : i32
      %dma_wait3A_243 = tpu.memref_slice %arg14[%add3A_193, %dma_wait3A_242] : memref<10240x128xf32, #tpu.memory_space<vmem_shared>> -> memref<128x128xf32, #tpu.memory_space<vmem_shared>>
      tpu.wait_dma2 semaphore(%run_scoped3A : memref<!tpu.dma_semaphore, #tpu.memory_space<semaphore_mem>>) src(%dma_wait3A_243 : memref<128x128xf32, #tpu.memory_space<vmem_shared>>) dst(%dma_wait3A_241 : memref<128x128xf32, #tpu.memory_space<vmem>>)
      tpu.yield
    }) : () -> ()
    %eq3A_194 = arith.constant 0 : i32
    %eq3A_195 = arith.cmpi eq, %arg0, %eq3A_194 : i32
    %convert_element_type3A_196 = arith.extui %eq3A_195 : i1 to i32
    %cond3A_197 = arith.constant 0 : i32
    %cond3A_198 = arith.cmpi ne, %convert_element_type3A_196, %cond3A_197 : i32
    scf.if %cond3A_198 {
      %dma_start3A_224 = arith.constant 0 : i32
      %dma_start3A_225 = arith.constant 0 : i32
      %dma_start3A_226 = tpu.memref_slice %arg12[%dma_start3A_224, %dma_start3A_225] : memref<128x128xf32, #tpu.memory_space<vmem>> -> memref<128x128xf32, #tpu.memory_space<vmem>>
      %dma_start3A_227 = arith.constant 0 : i32
      %dma_start3A_228 = tpu.memref_slice %arg6[%add3A_193, %dma_start3A_227] : memref<10240x128xf32, #tpu.memory_space<hbm>> -> memref<128x128xf32, #tpu.memory_space<hbm>>
      %dma_start3A_229 = arith.constant 0 : i32
      %dma_start3A_230 = tpu.memref_slice %arg6[%add3A_193, %dma_start3A_229] : memref<10240x128xf32, #tpu.memory_space<hbm>> -> memref<128x128xf32, #tpu.memory_space<hbm>>
      %dma_start3A_231 = arith.constant 0 : i32
      %dma_start3A_232 = arith.constant 0 : i32
      %dma_start3A_233 = tpu.memref_slice %arg12[%dma_start3A_231, %dma_start3A_232] : memref<128x128xf32, #tpu.memory_space<vmem>> -> memref<128x128xf32, #tpu.memory_space<vmem>>
      tpu.enqueue_dma source(%dma_start3A_233 : memref<128x128xf32, #tpu.memory_space<vmem>>) target(%dma_start3A_230 : memref<128x128xf32, #tpu.memory_space<hbm>>) target_semaphore(%arg15 : memref<!tpu.dma_semaphore, #tpu.memory_space<semaphore_mem>>)
    } else {
    }
    %eq3A_199 = arith.constant 1 : i32
    %eq3A_200 = arith.cmpi eq, %arg0, %eq3A_199 : i32
    %convert_element_type3A_201 = arith.extui %eq3A_200 : i1 to i32
    %cond3A_202 = arith.constant 0 : i32
    %cond3A_203 = arith.cmpi ne, %convert_element_type3A_201, %cond3A_202 : i32
    scf.if %cond3A_203 {
      %dma_start3A_224 = arith.constant 0 : i32
      %dma_start3A_225 = arith.constant 0 : i32
      %dma_start3A_226 = tpu.memref_slice %arg12[%dma_start3A_224, %dma_start3A_225] : memref<128x128xf32, #tpu.memory_space<vmem>> -> memref<128x128xf32, #tpu.memory_space<vmem>>
      %dma_start3A_227 = arith.constant 0 : i32
      %dma_start3A_228 = tpu.memref_slice %arg7[%add3A_193, %dma_start3A_227] : memref<10240x128xf32, #tpu.memory_space<hbm>> -> memref<128x128xf32, #tpu.memory_space<hbm>>
      %dma_start3A_229 = arith.constant 0 : i32
      %dma_start3A_230 = tpu.memref_slice %arg7[%add3A_193, %dma_start3A_229] : memref<10240x128xf32, #tpu.memory_space<hbm>> -> memref<128x128xf32, #tpu.memory_space<hbm>>
      %dma_start3A_231 = arith.constant 0 : i32
      %dma_start3A_232 = arith.constant 0 : i32
      %dma_start3A_233 = tpu.memref_slice %arg12[%dma_start3A_231, %dma_start3A_232] : memref<128x128xf32, #tpu.memory_space<vmem>> -> memref<128x128xf32, #tpu.memory_space<vmem>>
      tpu.enqueue_dma source(%dma_start3A_233 : memref<128x128xf32, #tpu.memory_space<vmem>>) target(%dma_start3A_230 : memref<128x128xf32, #tpu.memory_space<hbm>>) target_semaphore(%arg15 : memref<!tpu.dma_semaphore, #tpu.memory_space<semaphore_mem>>)
    } else {
    }
    %dma_wait3A_204 = arith.constant 0 : i32
    %dma_wait3A_205 = arith.constant 0 : i32
    %dma_wait3A_206 = tpu.memref_slice %arg13[%dma_wait3A_204, %dma_wait3A_205] : memref<128x128xf32, #tpu.memory_space<vmem>> -> memref<128x128xf32, #tpu.memory_space<vmem>>
    %dma_wait3A_207 = arith.constant 0 : i32
    %dma_wait3A_208 = tpu.memref_slice %arg6[%add3A_169, %dma_wait3A_207] : memref<10240x128xf32, #tpu.memory_space<hbm>> -> memref<128x128xf32, #tpu.memory_space<hbm>>
    %dma_wait3A_209 = arith.constant 0 : i32
    %dma_wait3A_210 = tpu.memref_slice %arg6[%add3A_169, %dma_wait3A_209] : memref<10240x128xf32, #tpu.memory_space<hbm>> -> memref<128x128xf32, #tpu.memory_space<hbm>>
    %dma_wait3A_211 = arith.constant 0 : i32
    %dma_wait3A_212 = arith.constant 0 : i32
    %dma_wait3A_213 = tpu.memref_slice %arg13[%dma_wait3A_211, %dma_wait3A_212] : memref<128x128xf32, #tpu.memory_space<vmem>> -> memref<128x128xf32, #tpu.memory_space<vmem>>
    tpu.wait_dma2 semaphore(%arg16 : memref<!tpu.dma_semaphore, #tpu.memory_space<semaphore_mem>>) src(%dma_wait3A_213 : memref<128x128xf32, #tpu.memory_space<vmem>>) dst(%dma_wait3A_210 : memref<128x128xf32, #tpu.memory_space<hbm>>)
    %dma_wait3A_214 = arith.constant 0 : i32
    %dma_wait3A_215 = arith.constant 0 : i32
    %dma_wait3A_216 = tpu.memref_slice %arg12[%dma_wait3A_214, %dma_wait3A_215] : memref<128x128xf32, #tpu.memory_space<vmem>> -> memref<128x128xf32, #tpu.memory_space<vmem>>
    %dma_wait3A_217 = arith.constant 0 : i32
    %dma_wait3A_218 = tpu.memref_slice %arg6[%add3A_193, %dma_wait3A_217] : memref<10240x128xf32, #tpu.memory_space<hbm>> -> memref<128x128xf32, #tpu.memory_space<hbm>>
    %dma_wait3A_219 = arith.constant 0 : i32
    %dma_wait3A_220 = tpu.memref_slice %arg6[%add3A_193, %dma_wait3A_219] : memref<10240x128xf32, #tpu.memory_space<hbm>> -> memref<128x128xf32, #tpu.memory_space<hbm>>
    %dma_wait3A_221 = arith.constant 0 : i32
    %dma_wait3A_222 = arith.constant 0 : i32
    %dma_wait3A_223 = tpu.memref_slice %arg12[%dma_wait3A_221, %dma_wait3A_222] : memref<128x128xf32, #tpu.memory_space<vmem>> -> memref<128x128xf32, #tpu.memory_space<vmem>>
    tpu.wait_dma2 semaphore(%arg15 : memref<!tpu.dma_semaphore, #tpu.memory_space<semaphore_mem>>) src(%dma_wait3A_223 : memref<128x128xf32, #tpu.memory_space<vmem>>) dst(%dma_wait3A_220 : memref<128x128xf32, #tpu.memory_space<hbm>>)
    return
  }
}

module attributes {stable_mosaic.version = 14 : i64} {
  func.func @_dense1_body(%arg0: memref<8000x128xf32, #tpu.memory_space<vmem>>, %arg1: memref<2000x256xf32, #tpu.memory_space<vmem>>, %arg2: memref<256x128xf32, #tpu.memory_space<vmem>>, %arg3: memref<128xf32, #tpu.memory_space<vmem>>, %arg4: memref<128x128xf32, #tpu.memory_space<vmem>>, %arg5: memref<32x10000xf32, #tpu.memory_space<vmem>>, %arg6: memref<10240x128xf32, #tpu.memory_space<vmem>>, %arg7: memref<10240x16xf32, #tpu.memory_space<vmem>>, %arg8: memref<10240x128xf32, #tpu.memory_space<vmem>>) attributes {dimension_semantics = [], scalar_prefetch = 0 : i64, scratch_operands = 0 : i64, tpu.core_type = #tpu.core_type<tc>} {
    %get3A = arith.constant 0 : index
    %get3A_0 = arith.constant 0 : index
    %get3A_1 = vector.load %arg5[%get3A, %get3A_0] : memref<32x10000xf32, #tpu.memory_space<vmem>>, vector<32x10000xf32>
    %reduce_sum3A = arith.constant dense<0.000000e+00> : vector<10000xf32>
    %reduce_sum3A_2 = vector.multi_reduction <add>, %get3A_1, %reduce_sum3A [0] : vector<32x10000xf32> to vector<10000xf32>
    %add3A = arith.constant 1.000000e+00 : f32
    %add3A_3 = vector.broadcast %add3A : f32 to vector<10000xf32>
    %add3A_4 = arith.addf %reduce_sum3A_2, %add3A_3 : vector<10000xf32>
    %rsqrt3A = math.rsqrt %add3A_4 : vector<10000xf32>
    %get3A_5 = arith.constant 0 : index
    %get3A_6 = arith.constant 0 : index
    %get3A_7 = vector.load %arg1[%get3A_5, %get3A_6] : memref<2000x256xf32, #tpu.memory_space<vmem>>, vector<2000x256xf32>
    %get3A_8 = arith.constant 0 : index
    %get3A_9 = arith.constant 0 : index
    %get3A_10 = vector.load %arg2[%get3A_8, %get3A_9] : memref<256x128xf32, #tpu.memory_space<vmem>>, vector<256x128xf32>
    %dot_general3A = arith.constant dense<0.000000e+00> : vector<2000x128xf32>
    %dot_general3A_11 = tpu.matmul %get3A_7, %get3A_10, %dot_general3A {dimension_numbers = #tpu.dot_dimension_numbers<[1], [0], [0], [1], [0, 0, 1, 1], [], []>, transpose_lhs_hint = false} : vector<2000x256xf32>, vector<256x128xf32>, vector<2000x128xf32> -> vector<2000x128xf32>
    %get3A_12 = arith.constant 0 : index
    %get3A_13 = vector.load %arg3[%get3A_12] : memref<128xf32, #tpu.memory_space<vmem>>, vector<128xf32>
    %broadcast_in_dim3A = vector.shape_cast %get3A_13 : vector<128xf32> to vector<1x128xf32>
    %add3A_14 = vector.broadcast %broadcast_in_dim3A : vector<1x128xf32> to vector<2000x128xf32>
    %add3A_15 = arith.addf %dot_general3A_11, %add3A_14 : vector<2000x128xf32>
    %get3A_16 = arith.constant 0 : index
    %get3A_17 = arith.constant 0 : index
    %get3A_18 = vector.load %arg0[%get3A_16, %get3A_17] : memref<8000x128xf32, #tpu.memory_space<vmem>>, vector<8000x128xf32>
    %get3A_19 = arith.constant 0 : index
    %get3A_20 = arith.constant 0 : index
    %get3A_21 = vector.load %arg4[%get3A_19, %get3A_20] : memref<128x128xf32, #tpu.memory_space<vmem>>, vector<128x128xf32>
    %dot_general3A_22 = arith.constant dense<0.000000e+00> : vector<8000x128xf32>
    %dot_general3A_23 = tpu.matmul %get3A_18, %get3A_21, %dot_general3A_22 {dimension_numbers = #tpu.dot_dimension_numbers<[1], [0], [0], [1], [0, 0, 1, 1], [], []>, transpose_lhs_hint = false} : vector<8000x128xf32>, vector<128x128xf32>, vector<8000x128xf32> -> vector<8000x128xf32>
    %get3A_24 = arith.constant 0 : index
    %get3A_25 = arith.constant 0 : index
    %get3A_26 = vector.load %arg4[%get3A_24, %get3A_25] : memref<128x128xf32, #tpu.memory_space<vmem>>, vector<128x128xf32>
    %dot_general3A_27 = arith.constant dense<0.000000e+00> : vector<2000x128xf32>
    %dot_general3A_28 = tpu.matmul %add3A_15, %get3A_26, %dot_general3A_27 {dimension_numbers = #tpu.dot_dimension_numbers<[1], [0], [0], [1], [0, 0, 1, 1], [], []>, transpose_lhs_hint = false} : vector<2000x128xf32>, vector<128x128xf32>, vector<2000x128xf32> -> vector<2000x128xf32>
    %slice3A = vector.extract_strided_slice %rsqrt3A {offsets = [0], sizes = [8000], strides = [1]} : vector<10000xf32> to vector<8000xf32>
    %broadcast_in_dim3A_29 = vector.shape_cast %slice3A : vector<8000xf32> to vector<8000x1xf32>
    %mul3A = vector.broadcast %broadcast_in_dim3A_29 : vector<8000x1xf32> to vector<8000x128xf32>
    %mul3A_30 = arith.mulf %dot_general3A_23, %mul3A : vector<8000x128xf32>
    %swap3A = arith.constant 0 : index
    %swap3A_31 = arith.constant 0 : index
    %swap3A_32 = vector.load %arg6[%swap3A, %swap3A_31] : memref<10240x128xf32, #tpu.memory_space<vmem>>, vector<8000x128xf32>
    tpu.vector_store %arg6[%swap3A, %swap3A_31], %mul3A_30 {strides = array<i32>} : memref<10240x128xf32, #tpu.memory_space<vmem>>, vector<8000x128xf32>,
    %slice3A_33 = vector.extract_strided_slice %rsqrt3A {offsets = [8000], sizes = [2000], strides = [1]} : vector<10000xf32> to vector<2000xf32>
    %broadcast_in_dim3A_34 = vector.shape_cast %slice3A_33 : vector<2000xf32> to vector<2000x1xf32>
    %mul3A_35 = vector.broadcast %broadcast_in_dim3A_34 : vector<2000x1xf32> to vector<2000x128xf32>
    %mul3A_36 = arith.mulf %dot_general3A_28, %mul3A_35 : vector<2000x128xf32>
    %swap3A_37 = arith.constant 8000 : index
    %swap3A_38 = arith.constant 0 : index
    %swap3A_39 = vector.load %arg6[%swap3A_37, %swap3A_38] : memref<10240x128xf32, #tpu.memory_space<vmem>>, vector<2000x128xf32>
    tpu.vector_store %arg6[%swap3A_37, %swap3A_38], %mul3A_36 {strides = array<i32>} : memref<10240x128xf32, #tpu.memory_space<vmem>>, vector<2000x128xf32>,
    %broadcast_in_dim3A_40 = arith.constant 0.000000e+00 : f32
    %broadcast_in_dim3A_41 = vector.broadcast %broadcast_in_dim3A_40 : f32 to vector<240x128xf32>
    %swap3A_42 = arith.constant 10000 : index
    %swap3A_43 = arith.constant 0 : index
    %swap3A_44 = vector.load %arg6[%swap3A_42, %swap3A_43] : memref<10240x128xf32, #tpu.memory_space<vmem>>, vector<240x128xf32>
    tpu.vector_store %arg6[%swap3A_42, %swap3A_43], %broadcast_in_dim3A_41 {strides = array<i32>} : memref<10240x128xf32, #tpu.memory_space<vmem>>, vector<240x128xf32>,
    %broadcast_in_dim3A_45 = vector.shape_cast %rsqrt3A : vector<10000xf32> to vector<10000x1xf32>
    %broadcast_in_dim3A_46 = vector.shape_cast %broadcast_in_dim3A_45 : vector<10000x1xf32> to vector<10000x1xf32>
    %broadcast_in_dim3A_47 = vector.broadcast %broadcast_in_dim3A_46 : vector<10000x1xf32> to vector<10000x16xf32>
    %swap3A_48 = arith.constant 0 : index
    %swap3A_49 = arith.constant 0 : index
    %swap3A_50 = vector.load %arg7[%swap3A_48, %swap3A_49] : memref<10240x16xf32, #tpu.memory_space<vmem>>, vector<10000x16xf32>
    tpu.vector_store %arg7[%swap3A_48, %swap3A_49], %broadcast_in_dim3A_47 {strides = array<i32>} : memref<10240x16xf32, #tpu.memory_space<vmem>>, vector<10000x16xf32>,
    %broadcast_in_dim3A_51 = arith.constant 1.000000e+00 : f32
    %broadcast_in_dim3A_52 = vector.broadcast %broadcast_in_dim3A_51 : f32 to vector<240x16xf32>
    %swap3A_53 = arith.constant 10000 : index
    %swap3A_54 = arith.constant 0 : index
    %swap3A_55 = vector.load %arg7[%swap3A_53, %swap3A_54] : memref<10240x16xf32, #tpu.memory_space<vmem>>, vector<240x16xf32>
    tpu.vector_store %arg7[%swap3A_53, %swap3A_54], %broadcast_in_dim3A_52 {strides = array<i32>} : memref<10240x16xf32, #tpu.memory_space<vmem>>, vector<240x16xf32>,
    %broadcast_in_dim3A_56 = vector.shape_cast %rsqrt3A : vector<10000xf32> to vector<10000x1xf32>
    %broadcast_in_dim3A_57 = vector.shape_cast %broadcast_in_dim3A_56 : vector<10000x1xf32> to vector<10000x1xf32>
    %broadcast_in_dim3A_58 = vector.broadcast %broadcast_in_dim3A_57 : vector<10000x1xf32> to vector<10000x128xf32>
    %swap3A_59 = arith.constant 0 : index
    %swap3A_60 = arith.constant 0 : index
    %swap3A_61 = vector.load %arg8[%swap3A_59, %swap3A_60] : memref<10240x128xf32, #tpu.memory_space<vmem>>, vector<10000x128xf32>
    tpu.vector_store %arg8[%swap3A_59, %swap3A_60], %broadcast_in_dim3A_58 {strides = array<i32>} : memref<10240x128xf32, #tpu.memory_space<vmem>>, vector<10000x128xf32>,
    %broadcast_in_dim3A_62 = arith.constant 1.000000e+00 : f32
    %broadcast_in_dim3A_63 = vector.broadcast %broadcast_in_dim3A_62 : f32 to vector<240x128xf32>
    %swap3A_64 = arith.constant 10000 : index
    %swap3A_65 = arith.constant 0 : index
    %swap3A_66 = vector.load %arg8[%swap3A_64, %swap3A_65] : memref<10240x128xf32, #tpu.memory_space<vmem>>, vector<240x128xf32>
    tpu.vector_store %arg8[%swap3A_64, %swap3A_65], %broadcast_in_dim3A_63 {strides = array<i32>} : memref<10240x128xf32, #tpu.memory_space<vmem>>, vector<240x128xf32>,
    return
  }
}

module attributes {stable_mosaic.version = 14 : i64} {
  func.func @_dense2_body(%arg0: memref<10240x128xf32, #tpu.memory_space<vmem>>, %arg1: memref<10240x128xf32, #tpu.memory_space<vmem>>, %arg2: memref<10240x128xf32, #tpu.memory_space<vmem>>, %arg3: memref<10240x16xf32, #tpu.memory_space<vmem>>, %arg4: memref<128xf32, #tpu.memory_space<vmem>>, %arg5: memref<128x128xf32, #tpu.memory_space<vmem>>, %arg6: memref<10240x128xf32, #tpu.memory_space<vmem>>) attributes {dimension_semantics = [], scalar_prefetch = 0 : i64, scratch_operands = 0 : i64, tpu.core_type = #tpu.core_type<tc>} {
    %get3A = arith.constant 0 : index
    %get3A_0 = arith.constant 0 : index
    %get3A_1 = vector.load %arg3[%get3A, %get3A_0] : memref<10240x16xf32, #tpu.memory_space<vmem>>, vector<10240x1xf32>
    %get3A_2 = arith.constant 0 : index
    %get3A_3 = arith.constant 0 : index
    %get3A_4 = vector.load %arg0[%get3A_2, %get3A_3] : memref<10240x128xf32, #tpu.memory_space<vmem>>, vector<10240x128xf32>
    %get3A_5 = arith.constant 0 : index
    %get3A_6 = arith.constant 0 : index
    %get3A_7 = vector.load %arg1[%get3A_5, %get3A_6] : memref<10240x128xf32, #tpu.memory_space<vmem>>, vector<10240x128xf32>
    %add3A = arith.addf %get3A_4, %get3A_7 : vector<10240x128xf32>
    %get3A_8 = arith.constant 0 : index
    %get3A_9 = arith.constant 0 : index
    %get3A_10 = vector.load %arg2[%get3A_8, %get3A_9] : memref<10240x128xf32, #tpu.memory_space<vmem>>, vector<10240x128xf32>
    %add3A_11 = arith.addf %add3A, %get3A_10 : vector<10240x128xf32>
    %mul3A = vector.broadcast %get3A_1 : vector<10240x1xf32> to vector<10240x128xf32>
    %mul3A_12 = arith.mulf %mul3A, %add3A_11 : vector<10240x128xf32>
    %get3A_13 = arith.constant 0 : index
    %get3A_14 = vector.load %arg4[%get3A_13] : memref<128xf32, #tpu.memory_space<vmem>>, vector<128xf32>
    %broadcast_in_dim3A = vector.shape_cast %get3A_14 : vector<128xf32> to vector<1x128xf32>
    %add3A_15 = vector.broadcast %broadcast_in_dim3A : vector<1x128xf32> to vector<10240x128xf32>
    %add3A_16 = arith.addf %mul3A_12, %add3A_15 : vector<10240x128xf32>
    %mul3A_17 = arith.constant 2.000000e-01 : f32
    %mul3A_18 = vector.broadcast %mul3A_17 : f32 to vector<10240x128xf32>
    %mul3A_19 = arith.mulf %mul3A_18, %add3A_16 : vector<10240x128xf32>
    %max3A = arith.maximumf %add3A_16, %mul3A_19 : vector<10240x128xf32>
    %get3A_20 = arith.constant 0 : index
    %get3A_21 = arith.constant 0 : index
    %get3A_22 = vector.load %arg5[%get3A_20, %get3A_21] : memref<128x128xf32, #tpu.memory_space<vmem>>, vector<128x128xf32>
    %dot_general3A = arith.constant dense<0.000000e+00> : vector<10240x128xf32>
    %dot_general3A_23 = tpu.matmul %max3A, %get3A_22, %dot_general3A {dimension_numbers = #tpu.dot_dimension_numbers<[1], [0], [0], [1], [0, 0, 1, 1], [], []>, transpose_lhs_hint = false} : vector<10240x128xf32>, vector<128x128xf32>, vector<10240x128xf32> -> vector<10240x128xf32>
    %mul3A_24 = vector.broadcast %get3A_1 : vector<10240x1xf32> to vector<10240x128xf32>
    %mul3A_25 = arith.mulf %dot_general3A_23, %mul3A_24 : vector<10240x128xf32>
    %swap3A = arith.constant 0 : index
    %swap3A_26 = arith.constant 0 : index
    %swap3A_27 = vector.load %arg6[%swap3A, %swap3A_26] : memref<10240x128xf32, #tpu.memory_space<vmem>>, vector<10240x128xf32>
    tpu.vector_store %arg6[%swap3A, %swap3A_26], %mul3A_25 {strides = array<i32>} : memref<10240x128xf32, #tpu.memory_space<vmem>>, vector<10240x128xf32>,
    return
  }
}

module attributes {stable_mosaic.version = 14 : i64} {
  func.func @_final_body(%arg0: memref<4096x128xf32, #tpu.memory_space<vmem>>, %arg1: memref<4096x128xf32, #tpu.memory_space<vmem>>, %arg2: memref<4096x128xf32, #tpu.memory_space<vmem>>, %arg3: memref<4096x128xf32, #tpu.memory_space<vmem>>, %arg4: memref<128xf32, #tpu.memory_space<vmem>>, %arg5: memref<128x128xf32, #tpu.memory_space<vmem>>, %arg6: memref<128xf32, #tpu.memory_space<vmem>>, %arg7: memref<4096x128xf32, #tpu.memory_space<vmem>>) attributes {dimension_semantics = [], scalar_prefetch = 0 : i64, scratch_operands = 0 : i64, tpu.core_type = #tpu.core_type<tc>} {
    %get3A = arith.constant 0 : index
    %get3A_0 = arith.constant 0 : index
    %get3A_1 = vector.load %arg3[%get3A, %get3A_0] : memref<4096x128xf32, #tpu.memory_space<vmem>>, vector<4096x128xf32>
    %get3A_2 = arith.constant 0 : index
    %get3A_3 = arith.constant 0 : index
    %get3A_4 = vector.load %arg0[%get3A_2, %get3A_3] : memref<4096x128xf32, #tpu.memory_space<vmem>>, vector<4096x128xf32>
    %get3A_5 = arith.constant 0 : index
    %get3A_6 = arith.constant 0 : index
    %get3A_7 = vector.load %arg1[%get3A_5, %get3A_6] : memref<4096x128xf32, #tpu.memory_space<vmem>>, vector<4096x128xf32>
    %add3A = arith.addf %get3A_4, %get3A_7 : vector<4096x128xf32>
    %mul3A = arith.mulf %get3A_1, %add3A : vector<4096x128xf32>
    %get3A_8 = arith.constant 0 : index
    %get3A_9 = vector.load %arg4[%get3A_8] : memref<128xf32, #tpu.memory_space<vmem>>, vector<128xf32>
    %broadcast_in_dim3A = vector.shape_cast %get3A_9 : vector<128xf32> to vector<1x128xf32>
    %add3A_10 = vector.broadcast %broadcast_in_dim3A : vector<1x128xf32> to vector<4096x128xf32>
    %add3A_11 = arith.addf %mul3A, %add3A_10 : vector<4096x128xf32>
    %mul3A_12 = arith.constant 2.000000e-01 : f32
    %mul3A_13 = vector.broadcast %mul3A_12 : f32 to vector<4096x128xf32>
    %mul3A_14 = arith.mulf %mul3A_13, %add3A_11 : vector<4096x128xf32>
    %max3A = arith.maximumf %add3A_11, %mul3A_14 : vector<4096x128xf32>
    %get3A_15 = arith.constant 0 : index
    %get3A_16 = arith.constant 0 : index
    %get3A_17 = vector.load %arg2[%get3A_15, %get3A_16] : memref<4096x128xf32, #tpu.memory_space<vmem>>, vector<4096x128xf32>
    %add3A_18 = arith.addf %max3A, %get3A_17 : vector<4096x128xf32>
    %get3A_19 = arith.constant 0 : index
    %get3A_20 = arith.constant 0 : index
    %get3A_21 = vector.load %arg5[%get3A_19, %get3A_20] : memref<128x128xf32, #tpu.memory_space<vmem>>, vector<128x128xf32>
    %dot_general3A = arith.constant dense<0.000000e+00> : vector<4096x128xf32>
    %dot_general3A_22 = tpu.matmul %add3A_18, %get3A_21, %dot_general3A {dimension_numbers = #tpu.dot_dimension_numbers<[1], [0], [0], [1], [0, 0, 1, 1], [], []>, transpose_lhs_hint = false} : vector<4096x128xf32>, vector<128x128xf32>, vector<4096x128xf32> -> vector<4096x128xf32>
    %get3A_23 = arith.constant 0 : index
    %get3A_24 = vector.load %arg6[%get3A_23] : memref<128xf32, #tpu.memory_space<vmem>>, vector<128xf32>
    %broadcast_in_dim3A_25 = vector.shape_cast %get3A_24 : vector<128xf32> to vector<1x128xf32>
    %add3A_26 = vector.broadcast %broadcast_in_dim3A_25 : vector<1x128xf32> to vector<4096x128xf32>
    %add3A_27 = arith.addf %dot_general3A_22, %add3A_26 : vector<4096x128xf32>
    %swap3A = arith.constant 0 : index
    %swap3A_28 = arith.constant 0 : index
    %swap3A_29 = vector.load %arg7[%swap3A, %swap3A_28] : memref<4096x128xf32, #tpu.memory_space<vmem>>, vector<4096x128xf32>
    tpu.vector_store %arg7[%swap3A, %swap3A_28], %add3A_27 {strides = array<i32>} : memref<4096x128xf32, #tpu.memory_space<vmem>>, vector<4096x128xf32>,
    return
  }
}

</mosaic_0001>

<sc_bundles>
// kernel: kernel.11.cloned.1.call-start
scs
__scs_entry_jumppad:
0x0: {  	(pc) =	sbr.rel $0x88, $3  }
0x1: {  	(tag) =	ssettag $0x0;
	lr =	simm.s32 $0x1  }
0x2: {  	[smem:$0x3F95] =	sst lr;
	_ =	strace $0xD0000000  }
0x3: {  	_ = 	snop  }
0x4: {  	_ = 	snop  }
0x5: {  	_ = 	snop  }
0x6: {  	_ = 	snop  }
0x7: {  	_ = 	snop  }
__scs_overlays_trampoline_lowered:
0x8: {  	[smem:$0x3FA4] =	sst s0  }
0x9: {  	[smem:$0x3FA5] =	sst s1  }
0xa: {  	[smem:$0x3FA6] =	sst s2  }
0xb: {  	[smem:$0x3FA7] =	sst s3  }
0xc: {  	[smem:$0x3FA8] =	sst s4  }
0xd: {  	[smem:$0x3FA9] =	sst s5  }
0xe: {  	[smem:$0x3FAA] =	sst s6  }
0xf: {  	[smem:$0x3FAB] =	sst s7  }
0x10: {  	[smem:$0x3FAC] =	sst s8  }
0x11: {  	[smem:$0x3FAD] =	sst s9;
	s0 =	simm.s32 @!p0 $0x0  }
0x12: {  	s1 =	sld [smem:$0x3F93];
	s0 =	simm.s32 @p0 $0x1  }
0x13: {  	[smem:$0x3FAE] =	sst s0;
	s0 =	simm.s32 @!p1 $0x0  }
0x14: {  	s2 =	sld [smem:$0x3F92];
	s0 =	simm.s32 @p1 $0x1  }
0x15: {  	[smem:$0x3FAF] =	sst s0;
	s0 =	simm.s32 @!p2 $0x0  }
0x16: {  	s3 =	sld [smem:$0x3FDB];
	s0 =	simm.s32 @p2 $0x1  }
0x17: {  	s4 =	simm.s32 $0x1BF5;
	[smem:$0x3FB1] =	sst s0  }
0x18: {  	s0 =	sld [smem:$0x3F94];
	_ =	swait.ge [sflag:s4], $0x0  }
0x19: {  	s7 =	sld [smem:$0x3F95]  }
0x1a: {  	s8 =	sadd.s32 $0xFFFFE003, lr  }
0x1b: {  	s9 =	sadd.s32 $0xFFFFFEF7, lr;
	s5 =	simm.s32 $0xFFFFFFFF;
	p2 =	slt.u32 s8, $0xFFFFF086  }
0x1c: {  	p1 =	slt.u32 s9, $0xF7A;
	s5 =	simm.s32 @!p2 $0x0  }
0x1d: {  	s5 =	simm.s32 @p1 $0x1;
	p0 =	seq.s32 s7, s2  }
0x1e: {  	s7 =	smul.u32 @!p0 $0xF7A, s2;
	p2 =	seq.s32 @!p0 s5, $0x0  }
0x1f: {  	s9 =	smul.u32 $0xF7A, s1;
	s8 =	simm.s32 @!p0 $0x1BF5;
	p2 =	por !p2, p0  }
0x20: {  	[sflag:s8] =	ssyncset.s32 @!p0 $0xFFFFF086;
	s6 =	sadd.s32 @!p0 s3, s7;
	s7 =	simm.s32 @!p0 $0x108  }
0x21: {  	s3 =	sadd.s32 s3, s9;
	s6 =	sadd.s32 @!p0 $0x88, s6;
	s7 =	simm.s32 @p2 $0x1082  }
0x22: {  	[simem:s7], [sflag:s8] =	dma.local @!p0 [hbm:s6], $0xF7A  }
0x23: {  	s9 =	sor.u32 $0xD0000000, s2;
	s6 =	simm.s32 $0x108;
	_ =	swait.ge @!p0 [sflag:s8], $0x0  }
0x24: {  	s3 =	sadd.s32 $0x88, s3;
	s6 =	simm.s32 @!p1 $0x1082;
	[sflag:s4] =	ssyncset.s32 $0xFFFFF086  }
0x25: {  	[simem:s6], [sflag:s4] =	dma.local [hbm:s3], $0xF7A  }
0x26: {  	[smem:$0x3F95] =	sst s1;
	(tag) =	ssettag s2;
	_ =	strace s9  }
0x27: {  	s1 =	sld [smem:$0x3FA5]  }
0x28: {  	s2 =	sld [smem:$0x3FA6]  }
0x29: {  	s4 =	sld [smem:$0x3FA8]  }
0x2a: {  	p0 =	seq.s32 s5, $0x0;
	s5 =	sld [smem:$0x3FA9]  }
0x2b: {  	s6 =	sld [smem:$0x3FAA]  }
0x2c: {  	s7 =	sld [smem:$0x3FAB]  }
0x2d: {  	s3 =	simm.s32 $0x108;
	s8 =	sld [smem:$0x3FAC]  }
0x2e: {  	s3 =	simm.s32 @!p0 $0x1082;
	s9 =	sld [smem:$0x3FAD]  }
0x2f: {  	lr =	sadd.s32 s0, s3;
	s0 =	sld [smem:$0x3FA4]  }
0x30: {  	s3 =	sld [smem:$0x3FA7]  }
0x31: {  	[smem:$0x3FB0] =	sst s10  }
0x32: {  	s10 =	sld [smem:$0x3FAE];
	_ =	sdelay $0x3  }
0x33: {  	p0 =	seq.s32 s10, $0x1;
	s10 =	sld [smem:$0x3FB0];
	_ =	sdelay $0x3  }
0x34: {  	[smem:$0x3FB0] =	sst s10  }
0x35: {  	s10 =	sld [smem:$0x3FAF];
	_ =	sdelay $0x3  }
0x36: {  	p1 =	seq.s32 s10, $0x1;
	s10 =	sld [smem:$0x3FB0];
	_ =	sdelay $0x3  }
0x37: {  	[smem:$0x3FB0] =	sst s10  }
0x38: {  	s10 =	sld [smem:$0x3FB1]  }
0x39: {  	_ = 	snop;
	(pc) =	sbr.ind lr, $3  }
0x3a: {  	_ = 	snop  }
0x3b: {  	_ = 	snop  }
0x3c: {  	p2 =	seq.s32 s10, $0x1;
	s10 =	sld [smem:$0x3FB0]  }
0x3d: {  	_ =	shalt  }
0x3e: {  	_ =	shalt  }
0x3f: {  	_ =	shalt  }
0x40: {  	_ =	shalt  }
0x41: {  	_ =	shalt  }
0x42: {  	_ =	shalt  }
0x43: {  	_ =	shalt  }
0x44: {  	_ =	shalt  }
0x45: {  	_ =	shalt  }
0x46: {  	_ =	shalt  }
0x47: {  	_ =	shalt  }
0x48: {  	_ =	shalt  }
0x49: {  	_ =	shalt  }
0x4a: {  	_ =	shalt  }
0x4b: {  	_ =	shalt  }
0x4c: {  	_ =	shalt  }
0x4d: {  	_ =	shalt  }
0x4e: {  	_ =	shalt  }
0x4f: {  	_ =	shalt  }
0x50: {  	_ =	shalt  }
0x51: {  	_ =	shalt  }
0x52: {  	_ =	shalt  }
0x53: {  	_ =	shalt  }
0x54: {  	_ =	shalt  }
0x55: {  	_ =	shalt  }
0x56: {  	_ =	shalt  }
0x57: {  	_ =	shalt  }
0x58: {  	_ =	shalt  }
0x59: {  	_ =	shalt  }
0x5a: {  	_ =	shalt  }
0x5b: {  	_ =	shalt  }
0x5c: {  	_ =	shalt  }
0x5d: {  	_ =	shalt  }
0x5e: {  	_ =	shalt  }
0x5f: {  	_ =	shalt  }
0x60: {  	_ =	shalt  }
0x61: {  	_ =	shalt  }
0x62: {  	_ =	shalt  }
0x63: {  	_ =	shalt  }
0x64: {  	_ =	shalt  }
0x65: {  	_ =	shalt  }
0x66: {  	_ =	shalt  }
0x67: {  	_ =	shalt  }
0x68: {  	_ =	shalt  }
0x69: {  	_ =	shalt  }
0x6a: {  	_ =	shalt  }
0x6b: {  	_ =	shalt  }
0x6c: {  	_ =	shalt  }
0x6d: {  	_ =	shalt  }
0x6e: {  	_ =	shalt  }
0x6f: {  	_ =	shalt  }
0x70: {  	_ =	shalt  }
0x71: {  	_ =	shalt  }
0x72: {  	_ =	shalt  }
0x73: {  	_ =	shalt  }
0x74: {  	_ =	shalt  }
0x75: {  	_ =	shalt  }
0x76: {  	_ =	shalt  }
0x77: {  	_ =	shalt  }
0x78: {  	_ =	shalt  }
0x79: {  	_ =	shalt  }
0x7a: {  	_ =	shalt  }
0x7b: {  	_ =	shalt  }
0x7c: {  	_ =	shalt  }
0x7d: {  	_ =	shalt  }
0x7e: {  	_ =	shalt  }
0x7f: {  	_ =	shalt  }
0x80: {  	_ =	shalt  }
0x81: {  	_ =	shalt  }
0x82: {  	_ =	shalt  }
0x83: {  	_ =	shalt  }
0x84: {  	_ =	shalt  }
0x85: {  	_ =	shalt  }
0x86: {  	_ =	shalt  }
0x87: {  	_ =	shalt  }
.Lfunc_end0:
.L_simem_size_0:
called_computation.1_lowered:
.L_overlay_start_0:
0x88: {  	s2 =	sld [smem:$0x3FD9]  }
0x89: {  	s3 =	sld [smem:$0x3FFE];
	_ =	sdelay $0x1  }
0x8a: {  	s1 =	srdreg.scid  }
0x8b: {  	s0 =	sand.u32 $0x1, s1  }
0x8c: {  	s16 =	sshll.u32 s0, $0xA;
	s2 =	sadd.s32 s3, s2  }
0x8d: {  	s2 =	sadd.s32 s2, s16  }
0x8e: {  	[smem:$0x3FBC] =	sst s2  }
0x8f: {  	_ = 	snop  }
0x90: {  	(tm) =	ssettm $0x1  }
0x91: {  	s17 =	sld [smem:$0x3FFB];
	_ =	sdelay $0x3  }
0x92: {  	_ =	strace s17  }
0x93: {  	s2 =	sld [smem:$0x3FFC];
	_ =	sdelay $0x3  }
0x94: {  	_ =	strace s2  }
0x95: {  	s2 =	sld [smem:$0x3FFD];
	_ =	sdelay $0x3  }
0x96: {  	_ =	strace s2  }
0x97: {  	_ =	strace $0x8FFFFFFF  }
0x98: {  	s18 =	sld [smem:$0x3FDB];
	_ =	sdelay $0x1  }
0x99: {  	s19 =	simm.s32 $_scs_section_size  }
0x9a: {  	s4 =	simm.s32 $_size__tile_overlayer_lowered;
	s5 =	simm.s32 $_tile_overlayer_lowered  }
0x9b: {  	s22 =	simm.s32 $0x1BFF;
	s21 =	sshll.u32 s5, $0x1;
	s2 =	sadd.s32 s19, s18  }
0x9c: {  	s6 =	simm.s32 $0x0;
	s20 =	sshll.u32 s4, $0x1;
	s4 =	sadd.s32 s21, s2  }
0x9d: {  	[timem:s6], [sflag:s22] =	dma.local [hbm:s4], s20  }
0x9e: {  	_ =	swait.ge [sflag:s22], s20  }
0x9f: {  	s3 =	ssub.s32 $0x0, s20;
	[sflag:s22] =	ssyncset.done $0x0  }
0xa0: {  	[sflag:s22] =	ssyncadd.s32 s3;
	_ =	sdelay $0x1  }
0xa1: {  	s23 =	simm.s32 $0x1B8B  }
0xa2: {  	_ =	swait.ge [sflag:s23], $0x1  }
0xa3: {  	[sflag:s23] =	ssyncset.done $0x0  }
0xa4: {  	s25 =	simm.s32 $0x1B8E;
	s24 =	sld [smem:$0x3FFE];
	[sflag:s23] =	ssyncadd.s32 $0xFFFFFFFF  }
0xa5: {  	s26 =	simm.s32 $execute0_lowered;
	[smem:$0x3FD2] =	sst s25  }
0xa6: {  	s4 =	sshll.u32 s26, $0x1;
	_ =	strace $0x80000049;
	[dreg:$0x1] =	wrdreg $0xFFFFFFFF  }
0xa7: {  	s28 =	simm.s32 $_size_execute0_lowered;
	s2 =	sadd.s32 s2, s4;
	[dreg:$0x0] =	wrdreg $0x0  }
0xa8: {  	s4 =	sshll.u32 s28, $0x1;
	[dreg:$0x2] =	wrdreg s2  }
0xa9: {  	[dreg:$0x3] =	wrdreg s4  }
0xaa: {  	[dreg:$0x4] =	wrdreg $0xC0  }
0xab: {  	_ =	task [dreg:s6], $0x5FFFF  }
0xac: {  	[dreg:$0x1] =	wrdreg $0xFFFFFFFF  }
0xad: {  	[dreg:$0x0] =	wrdreg $0x60  }
0xae: {  	[dreg:$0x2] =	wrdreg s24  }
0xaf: {  	[dreg:$0x3] =	wrdreg $0xA9000  }
0xb0: {  	[dreg:$0x4] =	wrdreg $0x9  }
0xb1: {  	_ =	task.clear_ibuf [dreg:s6], $0x5FFFF;
	_ =	strace $0x90000049  }
0xb2: {  	s29 =	simm.s32 $0x9;
	_ =	strace $0x8000004B  }
0xb3: {  	_ =	swait.ge [sflag:s29], $0x1  }
0xb4: {  	[sflag:s29] =	ssyncadd.s32 $0xFFFFFFFF  }
0xb5: {  	_ =	strace $0x9000004B  }
0xb6: {  	_ =	sfence  }
0xb7: {  	s30 =	sld [smem:$0x0];
	_ =	sdelay $0x2  }
0xb8: {  	s31 =	sshll.u32 s1, $0xD;
	s1 =	sshrl.u32 s1, $0x2  }
0xb9: {  	s3 =	sand.u32 $0x4000, s31;
	s1 =	sadd.s32 s1, s30  }
0xba: {  	s0 =	sor.u32 s3, s0;
	s1 =	sshll.u32 s1, $0x11  }
0xbb: {  	s0 =	sor.u32 s1, s0  }
0xbc: {  	s0 =	sadd.s32 $0x8F2B, s0  }
0xbd: {  	[sflag:s0] =	ssyncadd.remote.s32 $0x1  }
0xbe: {  	_ =	sfence.sel $0xFFFF  }
0xbf: {  	[dreg:$0x0] =	wrdreg $0xFFFFFFFF;
	(pc) =	sbr.abs _section_cstart, $3  }
0xc0: {  	[dreg:$0x1] =	wrdreg $0xFFFFFFFF  }
0xc1: {  	_ =	task.clear_ibuf [dreg:s6], $0x2FFFF;
	_ =	strace $0x9FFFFFFF  }
0xc2: {  	(tm) =	ssettm $0x7FFFFFFF  }
0xc3: {  	_ =	shalt  }
tec
execute0_lowered:
.L_overlay_start_1:
0x0: {  	(tag) =	ssettag $0x1  }
0x1: {  	s0 =	srdreg.scid;
	s1 =	rddreg [dreg:$0x0]  }
0x2: {  	s18 =	stileid.u32;
	s2 =	rddreg [dreg:$0x1];
	s28 =	simm.s32 $0x80  }
0x3: {  	s29 =	simm.s32 $0x2780;
	s30 =	simm.s32 $0x6900;
	s9 =	smul.u32 $0x280, s18  }
0x4: {  	s31 =	simm.s32 $0x2800;
	s0 =	sand.u32 $0x1, s0;
	s8 =	smul.u32 $0x50000, s18  }
0x5: {  	s3 =	sshll.u32 s18, $0x1;
	s5 =	sadd.s32 $0xDA00, s1;
	s20 =	smul.u32 $0x2800, s18  }
0x6: {  	s18 =	smul.u32 $0x4E20, s18;
	s4 =	sor.u32 s0, s3;
	s3 =	simm.s32 $0x0  }
0x7: {  	s7 =	ssub.s32 $0x2, s0;
	p0 =	seq.s32 s0, $0x0;
	s0 =	smul.u32 $0x2710, s0  }
0x8: {  	s10 =	sadd.s32 $0x8F800, s1;
	s4 =	smul.u32 $0x2710, s4;
	[smem:$0x7FF] =	sst s3  }
0x9: {  	s22 =	sshrl.u32 s7, $0x1;
	s13 =	sadd.s32 $0x80, s9;
	s23 =	sshrl.u32 s8, $0x2  }
0xa: {  	s15 =	sadd.s32 $0x100, s9;
	s16 =	sadd.s32 $0x180, s9;
	s17 =	sadd.s32 $0x200, s9  }
0xb: {  	_ =	strace $0x8000004A;
	[dreg:$0x3] =	wrdreg s10;
	s14 =	ssub.s32 s7, s22  }
0xc: {  	s24 =	sshll.u32 s13, $0x7;
	s7 =	sadd.s32 s23, s2;
	s25 =	sshll.u32 s15, $0x7  }
0xd: {  	s26 =	sshll.u32 s16, $0x7;
	s11 =	sshll.u32 s17, $0x7;
	s21 =	sshll.u32 s13, $0x4  }
0xe: {  	s22 =	sshll.u32 s15, $0x4;
	s15 =	simm.s32 $0x90000;
	s16 =	sshll.u32 s16, $0x4  }
0xf: {  	s17 =	sshll.u32 s17, $0x4;
	s0 =	sadd.s32 s0, s18;
	s13 =	simm.s32 $0x2880  }
0x10: {  	s6 =	sshrl.u32 s4, $0x3;
	s4 =	sadd.s32 $0x3F800, s1;
	s8 =	sadd.s32 s24, s2  }
0x11: {  	s9 =	sadd.s32 s25, s2;
	s10 =	sadd.s32 s26, s2;
	s11 =	sadd.s32 s11, s2  }
0x12: {  	s15 =	simm.s32 @!p0 $0xB8000;
	s14 =	smax.u32 s14, $0x1;
	s25 =	sadd.s32 $0x180, s0  }
0x13: {  	s12 =	sadd.s32 s6, s1;
	s6 =	sadd.s32 s5, s6;
	[dreg:$0x8] =	wrdreg s14  }
0x14: {  	s1 =	sadd.s32 s15, s1;
	s26 =	sshrl.u32 s25, $0x3;
	s25 =	simm.s32 $0x5  }
0x15: {  	s14 =	simm.s32 $0x10;
	s12 =	sadd.s32 $0x3C00, s12;
	[dreg:$0x4] =	wrdreg s6  }
0x16: {  	s15 =	simm.s32 $0x0;
	s19 =	sadd.s32 $0x10, s6;
	[dreg:$0x5] =	wrdreg s12  }
0x17: {  	s6 =	sadd.s32 $0x4E0, s6;
	s23 =	sadd.s32 s1, s21;
	[dreg:$0x6] =	wrdreg s19  }
0x18: {  	s24 =	sadd.s32 s1, s22;
	s21 =	sadd.s32 s1, s17;
	[dreg:$0x7] =	wrdreg s6  }
0x19: {  	s22 =	sadd.s32 $0x100, s0;
	s0 =	simm.s32 $0x2;
	[dreg:$0xa] =	wrdreg s23  }
0x1a: {  	s6 =	sadd.s32 s1, s20;
	[dreg:$0xb] =	wrdreg s24;
	s20 =	sadd.s32 s1, s16  }
0x1b: {  	s23 =	sadd.s32 s26, s5;
	s24 =	simm.s32 $0x2900;
	s26 =	simm.s32 $0x1  }
0x1c: {  	s1 =	simm.s32 $0x3;
	[dreg:$0x9] =	wrdreg s6;
	s6 =	simm.s32 $0x4  }
.LBB2_1:
0x1d: {  	s12 =	rddreg [dreg:$0x3]  }
0x1e: {  	[tilespmem:s24], [sflag:$0x5] =	stream.linear.gather [hbm4b:s12+s3], $0x4000, $0x38;
	[tilespmem:$0x1E900] =	vst v63  }
0x1f: {  	_ =	swait.ge [sflag:s25], $0x4000  }
0x20: {  	[sflag:s25] =	ssyncset.done $0x0  }
0x21: {  	[sflag:s25] =	ssyncadd.s32 $0xFFFFC000  }
0x22: {  	[spmem:s7] =	stream.linear.scatter [tilespmem:s24], [sflag:$0x1], $0x4000, $0x38;
	[tilespmem:$0x1E900] =	vst v63  }
0x23: {  	_ = 	snop  }
0x24: {  	[spmem:s8] =	stream.linear.scatter [tilespmem:s24], [sflag:$0x1], $0x4000, $0x38;
	[tilespmem:$0x1E900] =	vst v63  }
0x25: {  	_ = 	snop  }
0x26: {  	[spmem:s9] =	stream.linear.scatter [tilespmem:s24], [sflag:$0x1], $0x4000, $0x38;
	[tilespmem:$0x1E900] =	vst v63  }
0x27: {  	_ = 	snop  }
0x28: {  	[spmem:s10] =	stream.linear.scatter [tilespmem:s24], [sflag:$0x1], $0x4000, $0x38;
	[tilespmem:$0x1E900] =	vst v63  }
0x29: {  	_ = 	snop  }
0x2a: {  	[spmem:s11] =	stream.linear.scatter [tilespmem:s24], [sflag:$0x1], $0x4000, $0x38;
	[tilespmem:$0x1E900] =	vst v63  }
0x2b: {  	s18 =	rddreg [dreg:$0x5]  }
0x2c: {  	[tilespmem:s3], [sflag:$0x5] =	stream.linear.gather [hbm4b:s18+s3], $0x2710, $0x38;
	[tilespmem:$0x1E900] =	vst v63  }
0x2d: {  	_ =	swait.ge [sflag:s25], $0x2710  }
0x2e: {  	[sflag:s25] =	ssyncset.done $0x0  }
0x2f: {  	[sflag:s25] =	ssyncadd.s32 $0xFFFFD8F0  }
0x30: {  	_ =	swait.ge [sflag:s26], $0x4000  }
0x31: {  	[sflag:s26] =	ssyncset.done $0x0  }
0x32: {  	[sflag:s26] =	ssyncadd.s32 $0xFFFFC000  }
0x33: {  	_ =	swait.ge [sflag:s26], $0x4000  }
0x34: {  	[sflag:s26] =	ssyncset.done $0x0  }
0x35: {  	[sflag:s26] =	ssyncadd.s32 $0xFFFFC000  }
0x36: {  	_ =	swait.ge [sflag:s26], $0x4000  }
0x37: {  	[sflag:s26] =	ssyncset.done $0x0  }
0x38: {  	[sflag:s26] =	ssyncadd.s32 $0xFFFFC000  }
0x39: {  	_ =	swait.ge [sflag:s26], $0x4000  }
0x3a: {  	[sflag:s26] =	ssyncset.done $0x0  }
0x3b: {  	[sflag:s26] =	ssyncadd.s32 $0xFFFFC000  }
0x3c: {  	_ =	swait.ge [sflag:s26], $0x4000  }
0x3d: {  	[sflag:s26] =	ssyncset.done $0x0  }
0x3e: {  	[sflag:s26] =	ssyncadd.s32 $0xFFFFC000  }
0x3f: {  	[tilespmem:s24], [sflag:$0x1] =	stream.indirect.gather [hbm4b:s4+s28], $0x80, s3, s28, $0xb8;
	[tilespmem:$0x1E900] =	vst v63  }
0x40: {  	s19 =	rddreg [dreg:$0x4]  }
0x41: {  	[tilespmem:s29], [sflag:$0x3] =	stream.linear.gather [hbm4b:s19+s3], $0x80, $0x38;
	[tilespmem:$0x1E900] =	vst v63  }
0x42: {  	_ = 	snop  }
0x43: {  	[tilespmem:s30], [sflag:$0x2] =	stream.indirect.gather [hbm4b:s4+s28], $0x80, s28, s28, $0xb8;
	[tilespmem:$0x1E900] =	vst v63  }
0x44: {  	s16 =	rddreg [dreg:$0x6]  }
0x45: {  	[tilespmem:s31], [sflag:$0x4] =	stream.linear.gather [hbm4b:s16+s3], $0x80, $0x38;
	[tilespmem:$0x1E900] =	vst v63  }
0x46: {  	[bflag:$0x0] =	sbarrier.arrive $0xFFFF  }
0x47: {  	_ =	swait.ge [sflag:s26], $0x4000  }
0x48: {  	[sflag:s26] =	ssyncset.done $0x0  }
0x49: {  	[sflag:s26] =	ssyncadd.s32 $0xFFFFC000  }
0x4a: {  	_ =	swait.ge [sflag:s1], $0x80  }
0x4b: {  	[sflag:s1] =	ssyncset.done $0x0  }
0x4c: {  	[sflag:s1] =	ssyncadd.s32 $0xFFFFFF80  }
0x4d: {  	[spmem:s2] =	stream.indirect.scatter.add.f32 [tilespmem:s24], [sflag:$0x5], $0x80, s29, s28, $0xb8;
	[tilespmem:$0x1E900] =	vst v63  }
0x4e: {  	_ =	swait.ge [sflag:s25], $0x4000  }
0x4f: {  	[sflag:s25] =	ssyncset.done $0x0  }
0x50: {  	s17 =	simm.s32 $0x100;
	s16 =	sshrl.u32 s22, $0x3;
	[sflag:s25] =	ssyncadd.s32 $0xFFFFC000  }
0x51: {  	[tilespmem:s24], [sflag:$0x1] =	stream.indirect.gather [hbm4b:s4+s28], $0x80, s17, s28, $0xb8;
	[tilespmem:$0x1E900] =	vst v63  }
0x52: {  	s18 =	sadd.s32 s5, s16  }
0x53: {  	[tilespmem:s29], [sflag:$0x3] =	stream.linear.gather [hbm4b:s18+s3], $0x80, $0x38;
	[tilespmem:$0x1E900] =	vst v63  }
0x54: {  	_ =	swait.ge [sflag:s0], $0x4000  }
0x55: {  	[sflag:s0] =	ssyncset.done $0x0  }
0x56: {  	[sflag:s0] =	ssyncadd.s32 $0xFFFFC000  }
0x57: {  	_ =	swait.ge [sflag:s6], $0x80  }
0x58: {  	[sflag:s6] =	ssyncset.done $0x0  }
0x59: {  	[sflag:s6] =	ssyncadd.s32 $0xFFFFFF80  }
0x5a: {  	[spmem:s2] =	stream.indirect.scatter.add.f32 [tilespmem:s30], [sflag:$0x5], $0x80, s31, s28, $0xb8;
	[tilespmem:$0x1E900] =	vst v63  }
0x5b: {  	s12 =	sadd.s32 $0x100, s22;
	_ =	swait.ge [sflag:s25], $0x4000  }
0x5c: {  	s19 =	simm.s32 $0x180;
	s16 =	simm.s32 $0x20;
	[sflag:s25] =	ssyncset.done $0x0  }
0x5d: {  	s17 =	simm.s32 $0x200;
	s18 =	sadd.s32 $0x0, s23;
	[sflag:s25] =	ssyncadd.s32 $0xFFFFC000  }
0x5e: {  	[tilespmem:s30], [sflag:$0x2] =	stream.indirect.gather [hbm4b:s4+s28], $0x80, s19, s28, $0xb8;
	[tilespmem:$0x1E900] =	vst v63  }
.LBB2_2:
0x5f: {  	[tilespmem:s31], [sflag:$0x4] =	stream.linear.gather [hbm4b:s18+s3], $0x80, $0x38;
	[tilespmem:$0x1E900] =	vst v63  }
0x60: {  	s18 =	smov.u32 s16  }
0x61: {  	p0 =	sne.s32 s16, $0x4A0;
	s16 =	sadd.s32 $0x20, s16;
	_ =	swait.ge [sflag:s26], $0x4000  }
0x62: {  	[sflag:s26] =	ssyncset.done $0x0  }
0x63: {  	[sflag:s26] =	ssyncadd.s32 $0xFFFFC000  }
0x64: {  	_ =	swait.ge [sflag:s1], $0x80  }
0x65: {  	[sflag:s1] =	ssyncset.done $0x0  }
0x66: {  	[sflag:s1] =	ssyncadd.s32 $0xFFFFFF80  }
0x67: {  	[spmem:s2] =	stream.indirect.scatter.add.f32 [tilespmem:s24], [sflag:$0x5], $0x80, s29, s28, $0xb8;
	[tilespmem:$0x1E900] =	vst v63  }
0x68: {  	_ =	swait.ge [sflag:s25], $0x4000  }
0x69: {  	[sflag:s25] =	ssyncset.done $0x0  }
0x6a: {  	s19 =	sshrl.u32 s12, $0x3;
	[sflag:s25] =	ssyncadd.s32 $0xFFFFC000  }
0x6b: {  	[tilespmem:s24], [sflag:$0x1] =	stream.indirect.gather [hbm4b:s4+s28], $0x80, s17, s28, $0xb8;
	[tilespmem:$0x1E900] =	vst v63  }
0x6c: {  	s19 =	sadd.s32 s5, s19  }
0x6d: {  	[tilespmem:s29], [sflag:$0x3] =	stream.linear.gather [hbm4b:s19+s3], $0x80, $0x38;
	[tilespmem:$0x1E900] =	vst v63  }
0x6e: {  	_ =	swait.ge [sflag:s0], $0x4000  }
0x6f: {  	[sflag:s0] =	ssyncset.done $0x0  }
0x70: {  	[sflag:s0] =	ssyncadd.s32 $0xFFFFC000  }
0x71: {  	_ =	swait.ge [sflag:s6], $0x80  }
0x72: {  	[sflag:s6] =	ssyncset.done $0x0  }
0x73: {  	[sflag:s6] =	ssyncadd.s32 $0xFFFFFF80  }
0x74: {  	[spmem:s2] =	stream.indirect.scatter.add.f32 [tilespmem:s30], [sflag:$0x5], $0x80, s31, s28, $0xb8;
	[tilespmem:$0x1E900] =	vst v63  }
.Ltmp0:
0x75: {  	_ =	swait.ge [sflag:s25], $0x4000;
	(pc) =	sbr.rel @p0 .LBB2_2-.Ltmp0, $4  }
0x76: {  	[sflag:s25] =	ssyncset.done $0x0  }
0x77: {  	s19 =	sadd.s32 $0x80, s17;
	[sflag:s25] =	ssyncadd.s32 $0xFFFFC000  }
0x78: {  	[tilespmem:s30], [sflag:$0x2] =	stream.indirect.gather [hbm4b:s4+s28], $0x80, s19, s28, $0xb8;
	[tilespmem:$0x1E900] =	vst v63  }
0x79: {  	s12 =	sadd.s32 $0x100, s12;
	s18 =	sadd.s32 s18, s23;
	s17 =	sadd.s32 $0x100, s17  }
0x7a: {  	[tilespmem:s31], [sflag:$0x4] =	stream.linear.gather [hbm4b:s18+s3], $0x80, $0x38;
	[tilespmem:$0x1E900] =	vst v63  }
0x7b: {  	_ =	swait.ge [sflag:s26], $0x4000  }
0x7c: {  	[sflag:s26] =	ssyncset.done $0x0  }
0x7d: {  	[sflag:s26] =	ssyncadd.s32 $0xFFFFC000  }
0x7e: {  	_ =	swait.ge [sflag:s1], $0x80  }
0x7f: {  	[sflag:s1] =	ssyncset.done $0x0  }
0x80: {  	[sflag:s1] =	ssyncadd.s32 $0xFFFFFF80  }
0x81: {  	[spmem:s2] =	stream.indirect.scatter.add.f32 [tilespmem:s24], [sflag:$0x5], $0x80, s29, s28, $0xb8;
	[tilespmem:$0x1E900] =	vst v63  }
0x82: {  	_ =	swait.ge [sflag:s25], $0x4000  }
0x83: {  	[sflag:s25] =	ssyncset.done $0x0  }
0x84: {  	[sflag:s25] =	ssyncadd.s32 $0xFFFFC000  }
0x85: {  	_ =	swait.ge [sflag:s0], $0x4000  }
0x86: {  	[sflag:s0] =	ssyncset.done $0x0  }
0x87: {  	[sflag:s0] =	ssyncadd.s32 $0xFFFFC000  }
0x88: {  	_ =	swait.ge [sflag:s6], $0x80  }
0x89: {  	[sflag:s6] =	ssyncset.done $0x0  }
0x8a: {  	[sflag:s6] =	ssyncadd.s32 $0xFFFFFF80  }
0x8b: {  	[spmem:s2] =	stream.indirect.scatter.add.f32 [tilespmem:s30], [sflag:$0x5], $0x80, s31, s28, $0xb8;
	[tilespmem:$0x1E900] =	vst v63  }
0x8c: {  	_ =	swait.ge [sflag:s25], $0x4000  }
0x8d: {  	[sflag:s25] =	ssyncset.done $0x0  }
0x8e: {  	s12 =	rddreg [dreg:$0x7];
	[sflag:s25] =	ssyncadd.s32 $0xFFFFC000  }
0x8f: {  	[tilespmem:s13], [sflag:$0x5] =	stream.linear.gather [hbm4b:s12+s3], $0x10, $0x38;
	[tilespmem:$0x1E900] =	vst v63  }
0x90: {  	_ =	swait.ge [sflag:s25], $0x10  }
0x91: {  	[sflag:s25] =	ssyncset.done $0x0  }
0x92: {  	s19 =	simm.s32 $0x2700;
	[sflag:s25] =	ssyncadd.s32 $0xFFFFFFF0  }
0x93: {  	[tilespmem:s24], [sflag:$0x1] =	stream.indirect.gather [hbm4b:s4+s14], $0x80, s19, s14, $0xb8;
	[tilespmem:$0x1E900] =	vst v63  }
0x94: {  	_ =	swait.ge [sflag:s26], $0x800  }
0x95: {  	[sflag:s26] =	ssyncset.done $0x0  }
0x96: {  	[sflag:s26] =	ssyncadd.s32 $0xFFFFF800  }
0x97: {  	[spmem:s2] =	stream.indirect.scatter.add.f32 [tilespmem:s24], [sflag:$0x5], $0x80, s13, s14, $0xb8;
	[tilespmem:$0x1E900] =	vst v63  }
0x98: {  	_ =	swait.ge [sflag:s25], $0x800  }
0x99: {  	[sflag:s25] =	ssyncset.done $0x0  }
0x9a: {  	[sflag:s25] =	ssyncadd.s32 $0xFFFFF800  }
0x9b: {  	[bflag:$0x0] =	sbarrier.arrive $0xFFFF  }
0x9c: {  	[tilespmem:s24], [sflag:$0x5] =	stream.linear.gather [spmem:s7], $0x4000, $0x38;
	[tilespmem:$0x1E900] =	vst v63  }
0x9d: {  	_ =	swait.ge [sflag:s25], $0x4000  }
0x9e: {  	[sflag:s25] =	ssyncset.done $0x0  }
0x9f: {  	s16 =	rddreg [dreg:$0x9];
	[sflag:s25] =	ssyncadd.s32 $0xFFFFC000  }
0xa0: {  	[hbm4b:s16+s3] =	stream.linear.scatter [tilespmem:s24], [sflag:$0x1], $0x4000, $0x38;
	[tilespmem:$0x1E900] =	vst v63  }
0xa1: {  	_ = 	snop  }
0xa2: {  	[tilespmem:s30], [sflag:$0x5] =	stream.linear.gather [spmem:s8], $0x4000, $0x38;
	[tilespmem:$0x1E900] =	vst v63  }
0xa3: {  	_ =	swait.ge [sflag:s25], $0x4000  }
0xa4: {  	[sflag:s25] =	ssyncset.done $0x0  }
0xa5: {  	s17 =	rddreg [dreg:$0xa];
	[sflag:s25] =	ssyncadd.s32 $0xFFFFC000  }
0xa6: {  	[hbm4b:s17+s3] =	stream.linear.scatter [tilespmem:s30], [sflag:$0x2], $0x4000, $0x38;
	[tilespmem:$0x1E900] =	vst v63  }
0xa7: {  	_ =	swait.ge [sflag:s26], $0x4000  }
0xa8: {  	[sflag:s26] =	ssyncset.done $0x0  }
0xa9: {  	[sflag:s26] =	ssyncadd.s32 $0xFFFFC000  }
0xaa: {  	[tilespmem:s24], [sflag:$0x5] =	stream.linear.gather [spmem:s9], $0x4000, $0x38;
	[tilespmem:$0x1E900] =	vst v63  }
0xab: {  	_ =	swait.ge [sflag:s25], $0x4000  }
0xac: {  	[sflag:s25] =	ssyncset.done $0x0  }
0xad: {  	s18 =	rddreg [dreg:$0xb];
	[sflag:s25] =	ssyncadd.s32 $0xFFFFC000  }
0xae: {  	[hbm4b:s18+s3] =	stream.linear.scatter [tilespmem:s24], [sflag:$0x1], $0x4000, $0x38;
	[tilespmem:$0x1E900] =	vst v63  }
0xaf: {  	_ =	swait.ge [sflag:s0], $0x4000  }
0xb0: {  	[sflag:s0] =	ssyncset.done $0x0  }
0xb1: {  	[sflag:s0] =	ssyncadd.s32 $0xFFFFC000  }
0xb2: {  	[tilespmem:s30], [sflag:$0x5] =	stream.linear.gather [spmem:s10], $0x4000, $0x38;
	[tilespmem:$0x1E900] =	vst v63  }
0xb3: {  	_ =	swait.ge [sflag:s25], $0x4000  }
0xb4: {  	[sflag:s25] =	ssyncset.done $0x0  }
0xb5: {  	[sflag:s25] =	ssyncadd.s32 $0xFFFFC000  }
0xb6: {  	[hbm4b:s20+s3] =	stream.linear.scatter [tilespmem:s30], [sflag:$0x2], $0x4000, $0x38;
	[tilespmem:$0x1E900] =	vst v63  }
0xb7: {  	_ =	swait.ge [sflag:s26], $0x4000  }
0xb8: {  	[sflag:s26] =	ssyncset.done $0x0  }
0xb9: {  	[sflag:s26] =	ssyncadd.s32 $0xFFFFC000  }
0xba: {  	[tilespmem:s24], [sflag:$0x5] =	stream.linear.gather [spmem:s11], $0x4000, $0x38;
	[tilespmem:$0x1E900] =	vst v63  }
0xbb: {  	_ =	swait.ge [sflag:s25], $0x4000  }
0xbc: {  	[sflag:s25] =	ssyncset.done $0x0  }
0xbd: {  	[sflag:s25] =	ssyncadd.s32 $0xFFFFC000  }
0xbe: {  	[hbm4b:s21+s3] =	stream.linear.scatter [tilespmem:s24], [sflag:$0x1], $0x4000, $0x38;
	[tilespmem:$0x1E900] =	vst v63  }
0xbf: {  	_ =	swait.ge [sflag:s0], $0x4000  }
0xc0: {  	[sflag:s0] =	ssyncset.done $0x0  }
0xc1: {  	[sflag:s0] =	ssyncadd.s32 $0xFFFFC000  }
0xc2: {  	_ =	swait.ge [sflag:s26], $0x4000  }
0xc3: {  	s15 =	sadd.s32 $0x1, s15;
	s19 =	rddreg [dreg:$0x8]  }
0xc4: {  	p0 =	sne.s32 s15, s19  }
.Ltmp1:
0xc5: {  	_ = 	snop;
	(pc) =	sbr.rel @p0 .LBB2_1-.Ltmp1, $3  }
0xc6: {  	_ =	sdelay $0x1  }
0xc7: {  	[sflag:s26] =	ssyncset.done $0x0  }
0xc8: {  	[sflag:s26] =	ssyncadd.s32 $0xFFFFC000  }
0xc9: {  	_ =	sfence.sel $0x180000  }
0xca: {  	[bflag:$0x0] =	sbarrier.arrive $0xFFFF  }
0xcb: {  	_ =	strace $0x9000004A  }
0xcc: {  	s0 =	stileid.u32;
	[bflag:$0x2] =	sbarrier.arrive $0xFFFF  }
0xcd: {  	p0 =	sne.s32 s0, $0x0;
	s0 =	rddreg [dreg:$0x2]  }
0xce: {  	s0 =	sadd.s32 @!p0 $0x100000, s0  }
0xcf: {  	[sflag:s0] =	ssyncadd.tile.s32 @!p0 $0x1;
	_ =	shalt  }
.Lfunc_end2:
_tile_overlayer_lowered:
.L_overlay_start_2:
0xd0: {  	(tag) =	ssettag $0x2  }
0xd1: {  	s0 =	rddreg [dreg:$0x0];
	s2 =	stileid.u32  }
0xd2: {  	s1 =	rddreg [dreg:$0x1];
	p0 =	sne.s32 s2, $0x0  }
0xd3: {  	s3 =	rddreg [dreg:$0x2];
	[bflag:$0x3] =	sbarrier.arrive $0xFFFF;
	s2 =	simm.s32 @!p0 $0x1C05  }
0xd4: {  	[timem:s3], [sflag:s2] =	dma.local @!p0 [hbm:s0], s1  }
0xd5: {  	s0 =	simm.s32 @!p0 $0x5  }
0xd6: {  	_ =	swait.ge @!p0 [sflag:s0], s1  }
0xd7: {  	s1 =	ssub.s32 @!p0 $0x0, s1;
	[sflag:s0] =	ssyncset.done @!p0 $0x0  }
0xd8: {  	[sflag:s0] =	ssyncadd.s32 @!p0 s1  }
0xd9: {  	[bflag:$0x3] =	sbarrier.arrive $0xFFFF  }
0xda: {  	_ =	shalt  }

// kernel: kernel.14.cloned.1.call-start
scs
__scs_entry_jumppad:
0x0: {  	(pc) =	sbr.rel $0x88, $3  }
0x1: {  	(tag) =	ssettag $0x0;
	lr =	simm.s32 $0x1  }
0x2: {  	[smem:$0x3F95] =	sst lr;
	_ =	strace $0xD0000000  }
0x3: {  	_ = 	snop  }
0x4: {  	_ = 	snop  }
0x5: {  	_ = 	snop  }
0x6: {  	_ = 	snop  }
0x7: {  	_ = 	snop  }
__scs_overlays_trampoline_lowered:
0x8: {  	[smem:$0x3FA4] =	sst s0  }
0x9: {  	[smem:$0x3FA5] =	sst s1  }
0xa: {  	[smem:$0x3FA6] =	sst s2  }
0xb: {  	[smem:$0x3FA7] =	sst s3  }
0xc: {  	[smem:$0x3FA8] =	sst s4  }
0xd: {  	[smem:$0x3FA9] =	sst s5  }
0xe: {  	[smem:$0x3FAA] =	sst s6  }
0xf: {  	[smem:$0x3FAB] =	sst s7  }
0x10: {  	[smem:$0x3FAC] =	sst s8  }
0x11: {  	[smem:$0x3FAD] =	sst s9;
	s0 =	simm.s32 @!p0 $0x0  }
0x12: {  	s1 =	sld [smem:$0x3F93];
	s0 =	simm.s32 @p0 $0x1  }
0x13: {  	[smem:$0x3FAE] =	sst s0;
	s0 =	simm.s32 @!p1 $0x0  }
0x14: {  	s2 =	sld [smem:$0x3F92];
	s0 =	simm.s32 @p1 $0x1  }
0x15: {  	[smem:$0x3FAF] =	sst s0;
	s0 =	simm.s32 @!p2 $0x0  }
0x16: {  	s3 =	sld [smem:$0x3FDB];
	s0 =	simm.s32 @p2 $0x1  }
0x17: {  	s4 =	simm.s32 $0x1BF5;
	[smem:$0x3FB1] =	sst s0  }
0x18: {  	s0 =	sld [smem:$0x3F94];
	_ =	swait.ge [sflag:s4], $0x0  }
0x19: {  	s7 =	sld [smem:$0x3F95]  }
0x1a: {  	s8 =	sadd.s32 $0xFFFFE003, lr  }
0x1b: {  	s9 =	sadd.s32 $0xFFFFFEF7, lr;
	s5 =	simm.s32 $0xFFFFFFFF;
	p2 =	slt.u32 s8, $0xFFFFF086  }
0x1c: {  	p1 =	slt.u32 s9, $0xF7A;
	s5 =	simm.s32 @!p2 $0x0  }
0x1d: {  	s5 =	simm.s32 @p1 $0x1;
	p0 =	seq.s32 s7, s2  }
0x1e: {  	s7 =	smul.u32 @!p0 $0xF7A, s2;
	p2 =	seq.s32 @!p0 s5, $0x0  }
0x1f: {  	s9 =	smul.u32 $0xF7A, s1;
	s8 =	simm.s32 @!p0 $0x1BF5;
	p2 =	por !p2, p0  }
0x20: {  	[sflag:s8] =	ssyncset.s32 @!p0 $0xFFFFF086;
	s6 =	sadd.s32 @!p0 s3, s7;
	s7 =	simm.s32 @!p0 $0x108  }
0x21: {  	s3 =	sadd.s32 s3, s9;
	s6 =	sadd.s32 @!p0 $0x88, s6;
	s7 =	simm.s32 @p2 $0x1082  }
0x22: {  	[simem:s7], [sflag:s8] =	dma.local @!p0 [hbm:s6], $0xF7A  }
0x23: {  	s9 =	sor.u32 $0xD0000000, s2;
	s6 =	simm.s32 $0x108;
	_ =	swait.ge @!p0 [sflag:s8], $0x0  }
0x24: {  	s3 =	sadd.s32 $0x88, s3;
	s6 =	simm.s32 @!p1 $0x1082;
	[sflag:s4] =	ssyncset.s32 $0xFFFFF086  }
0x25: {  	[simem:s6], [sflag:s4] =	dma.local [hbm:s3], $0xF7A  }
0x26: {  	[smem:$0x3F95] =	sst s1;
	(tag) =	ssettag s2;
	_ =	strace s9  }
0x27: {  	s1 =	sld [smem:$0x3FA5]  }
0x28: {  	s2 =	sld [smem:$0x3FA6]  }
0x29: {  	s4 =	sld [smem:$0x3FA8]  }
0x2a: {  	p0 =	seq.s32 s5, $0x0;
	s5 =	sld [smem:$0x3FA9]  }
0x2b: {  	s6 =	sld [smem:$0x3FAA]  }
0x2c: {  	s7 =	sld [smem:$0x3FAB]  }
0x2d: {  	s3 =	simm.s32 $0x108;
	s8 =	sld [smem:$0x3FAC]  }
0x2e: {  	s3 =	simm.s32 @!p0 $0x1082;
	s9 =	sld [smem:$0x3FAD]  }
0x2f: {  	lr =	sadd.s32 s0, s3;
	s0 =	sld [smem:$0x3FA4]  }
0x30: {  	s3 =	sld [smem:$0x3FA7]  }
0x31: {  	[smem:$0x3FB0] =	sst s10  }
0x32: {  	s10 =	sld [smem:$0x3FAE];
	_ =	sdelay $0x3  }
0x33: {  	p0 =	seq.s32 s10, $0x1;
	s10 =	sld [smem:$0x3FB0];
	_ =	sdelay $0x3  }
0x34: {  	[smem:$0x3FB0] =	sst s10  }
0x35: {  	s10 =	sld [smem:$0x3FAF];
	_ =	sdelay $0x3  }
0x36: {  	p1 =	seq.s32 s10, $0x1;
	s10 =	sld [smem:$0x3FB0];
	_ =	sdelay $0x3  }
0x37: {  	[smem:$0x3FB0] =	sst s10  }
0x38: {  	s10 =	sld [smem:$0x3FB1]  }
0x39: {  	_ = 	snop;
	(pc) =	sbr.ind lr, $3  }
0x3a: {  	_ = 	snop  }
0x3b: {  	_ = 	snop  }
0x3c: {  	p2 =	seq.s32 s10, $0x1;
	s10 =	sld [smem:$0x3FB0]  }
0x3d: {  	_ =	shalt  }
0x3e: {  	_ =	shalt  }
0x3f: {  	_ =	shalt  }
0x40: {  	_ =	shalt  }
0x41: {  	_ =	shalt  }
0x42: {  	_ =	shalt  }
0x43: {  	_ =	shalt  }
0x44: {  	_ =	shalt  }
0x45: {  	_ =	shalt  }
0x46: {  	_ =	shalt  }
0x47: {  	_ =	shalt  }
0x48: {  	_ =	shalt  }
0x49: {  	_ =	shalt  }
0x4a: {  	_ =	shalt  }
0x4b: {  	_ =	shalt  }
0x4c: {  	_ =	shalt  }
0x4d: {  	_ =	shalt  }
0x4e: {  	_ =	shalt  }
0x4f: {  	_ =	shalt  }
0x50: {  	_ =	shalt  }
0x51: {  	_ =	shalt  }
0x52: {  	_ =	shalt  }
0x53: {  	_ =	shalt  }
0x54: {  	_ =	shalt  }
0x55: {  	_ =	shalt  }
0x56: {  	_ =	shalt  }
0x57: {  	_ =	shalt  }
0x58: {  	_ =	shalt  }
0x59: {  	_ =	shalt  }
0x5a: {  	_ =	shalt  }
0x5b: {  	_ =	shalt  }
0x5c: {  	_ =	shalt  }
0x5d: {  	_ =	shalt  }
0x5e: {  	_ =	shalt  }
0x5f: {  	_ =	shalt  }
0x60: {  	_ =	shalt  }
0x61: {  	_ =	shalt  }
0x62: {  	_ =	shalt  }
0x63: {  	_ =	shalt  }
0x64: {  	_ =	shalt  }
0x65: {  	_ =	shalt  }
0x66: {  	_ =	shalt  }
0x67: {  	_ =	shalt  }
0x68: {  	_ =	shalt  }
0x69: {  	_ =	shalt  }
0x6a: {  	_ =	shalt  }
0x6b: {  	_ =	shalt  }
0x6c: {  	_ =	shalt  }
0x6d: {  	_ =	shalt  }
0x6e: {  	_ =	shalt  }
0x6f: {  	_ =	shalt  }
0x70: {  	_ =	shalt  }
0x71: {  	_ =	shalt  }
0x72: {  	_ =	shalt  }
0x73: {  	_ =	shalt  }
0x74: {  	_ =	shalt  }
0x75: {  	_ =	shalt  }
0x76: {  	_ =	shalt  }
0x77: {  	_ =	shalt  }
0x78: {  	_ =	shalt  }
0x79: {  	_ =	shalt  }
0x7a: {  	_ =	shalt  }
0x7b: {  	_ =	shalt  }
0x7c: {  	_ =	shalt  }
0x7d: {  	_ =	shalt  }
0x7e: {  	_ =	shalt  }
0x7f: {  	_ =	shalt  }
0x80: {  	_ =	shalt  }
0x81: {  	_ =	shalt  }
0x82: {  	_ =	shalt  }
0x83: {  	_ =	shalt  }
0x84: {  	_ =	shalt  }
0x85: {  	_ =	shalt  }
0x86: {  	_ =	shalt  }
0x87: {  	_ =	shalt  }
.Lfunc_end0:
.L_simem_size_0:
called_computation.2_lowered:
.L_overlay_start_0:
0x88: {  	s2 =	sld [smem:$0x3FD9]  }
0x89: {  	s3 =	sld [smem:$0x3FFE];
	_ =	sdelay $0x1  }
0x8a: {  	s1 =	srdreg.scid  }
0x8b: {  	s0 =	sand.u32 $0x1, s1  }
0x8c: {  	s17 =	sshll.u32 s0, $0xA;
	s2 =	sadd.s32 s3, s2  }
0x8d: {  	s2 =	sadd.s32 s2, s17  }
0x8e: {  	[smem:$0x3FBC] =	sst s2  }
0x8f: {  	_ = 	snop  }
0x90: {  	s2 =	sld [smem:$0x3FC9]  }
0x91: {  	s18 =	sld [smem:$0x3FC6]  }
0x92: {  	s4 =	sld [smem:$0x3FD0];
	(tm) =	ssettm $0x1  }
0x93: {  	s5 =	sld [smem:$0x3FFB];
	_ =	sdelay $0x3  }
0x94: {  	_ =	strace s5  }
0x95: {  	s5 =	sld [smem:$0x3FFC];
	_ =	sdelay $0x3  }
0x96: {  	_ =	strace s5  }
0x97: {  	s5 =	sld [smem:$0x3FFD];
	_ =	sdelay $0x3  }
0x98: {  	_ =	strace s5  }
0x99: {  	_ =	strace $0x8FFFFFFF  }
0x9a: {  	s19 =	sld [smem:$0x3FDB];
	_ =	sdelay $0x1  }
0x9b: {  	s6 =	simm.s32 $_scs_section_size  }
0x9c: {  	s7 =	simm.s32 $_size__tile_overlayer_lowered;
	s8 =	simm.s32 $_tile_overlayer_lowered  }
0x9d: {  	s22 =	simm.s32 $0x1BFF;
	s21 =	sshll.u32 s8, $0x1;
	s5 =	sadd.s32 s6, s19  }
0x9e: {  	s9 =	simm.s32 $0x0;
	s20 =	sshll.u32 s7, $0x1;
	s7 =	sadd.s32 s21, s5  }
0x9f: {  	[timem:s9], [sflag:s22] =	dma.local [hbm:s7], s20  }
0xa0: {  	_ =	swait.ge [sflag:s22], s20  }
0xa1: {  	s6 =	ssub.s32 $0x0, s20;
	[sflag:s22] =	ssyncset.done $0x0  }
0xa2: {  	[sflag:s22] =	ssyncadd.s32 s6;
	_ =	sdelay $0x1  }
0xa3: {  	s23 =	simm.s32 $0x1B8B  }
0xa4: {  	_ =	swait.ge [sflag:s23], $0x1  }
0xa5: {  	[sflag:s23] =	ssyncset.done $0x0  }
0xa6: {  	s25 =	simm.s32 $0x1B8E;
	s24 =	sld [smem:$0x3FFE];
	[sflag:s23] =	ssyncadd.s32 $0xFFFFFFFF  }
0xa7: {  	s26 =	simm.s32 $execute0_lowered;
	[smem:$0x3FD2] =	sst s25  }
0xa8: {  	s7 =	sshll.u32 s26, $0x1;
	_ =	strace $0x8000004C;
	[dreg:$0x1] =	wrdreg $0xFFFFFFFF  }
0xa9: {  	s28 =	simm.s32 $_size_execute0_lowered;
	s5 =	sadd.s32 s5, s7;
	[dreg:$0x0] =	wrdreg $0x0  }
0xaa: {  	s7 =	sshll.u32 s28, $0x1;
	[dreg:$0x2] =	wrdreg s5  }
0xab: {  	[dreg:$0x3] =	wrdreg s7  }
0xac: {  	[dreg:$0x4] =	wrdreg $0xC0  }
0xad: {  	_ =	task [dreg:s9], $0x5FFFF  }
0xae: {  	[dreg:$0x1] =	wrdreg $0xFFFFFFFF  }
0xaf: {  	[dreg:$0x0] =	wrdreg $0x60  }
0xb0: {  	[dreg:$0x2] =	wrdreg s24  }
0xb1: {  	[dreg:$0x3] =	wrdreg s18  }
0xb2: {  	[dreg:$0x4] =	wrdreg s2  }
0xb3: {  	[dreg:$0x5] =	wrdreg s4  }
0xb4: {  	[dreg:$0x6] =	wrdreg $0xA9000  }
0xb5: {  	[dreg:$0x7] =	wrdreg $0x9  }
0xb6: {  	_ =	task.clear_ibuf [dreg:s9], $0x8FFFF;
	_ =	strace $0x9000004C  }
0xb7: {  	s29 =	simm.s32 $0x9;
	_ =	strace $0x8000004E  }
0xb8: {  	_ =	swait.ge [sflag:s29], $0x1  }
0xb9: {  	[sflag:s29] =	ssyncadd.s32 $0xFFFFFFFF  }
0xba: {  	_ =	strace $0x9000004E  }
0xbb: {  	_ =	sfence  }
0xbc: {  	s30 =	sld [smem:$0x0];
	_ =	sdelay $0x2  }
0xbd: {  	s31 =	sshll.u32 s1, $0xD;
	s1 =	sshrl.u32 s1, $0x2  }
0xbe: {  	s3 =	sand.u32 $0x4000, s31;
	s1 =	sadd.s32 s1, s30  }
0xbf: {  	s0 =	sor.u32 s3, s0;
	s1 =	sshll.u32 s1, $0x11  }
0xc0: {  	s0 =	sor.u32 s1, s0  }
0xc1: {  	s0 =	sadd.s32 $0x8F2B, s0  }
0xc2: {  	[sflag:s0] =	ssyncadd.remote.s32 $0x1  }
0xc3: {  	_ =	sfence.sel $0xFFFF  }
0xc4: {  	[dreg:$0x0] =	wrdreg $0xFFFFFFFF;
	(pc) =	sbr.abs _section_cstart, $3  }
0xc5: {  	[dreg:$0x1] =	wrdreg $0xFFFFFFFF  }
0xc6: {  	_ =	task.clear_ibuf [dreg:s9], $0x2FFFF;
	_ =	strace $0x9FFFFFFF  }
0xc7: {  	(tm) =	ssettm $0x7FFFFFFF  }
tec
execute0_lowered:
.L_overlay_start_1:
0x0: {  	(tag) =	ssettag $0x1  }
0x1: {  	s0 =	rddreg [dreg:$0x0]  }
0x2: {  	s1 =	srdreg.scid;
	s2 =	rddreg [dreg:$0x2]  }
0x3: {  	s15 =	stileid.u32;
	s4 =	rddreg [dreg:$0x4]  }
0x4: {  	s5 =	simm.s32 $0x0;
	s28 =	simm.s32 $0x40;
	s1 =	sand.u32 $0x1, s1  }
0x5: {  	s3 =	sshll.u32 s15, $0x1;
	[smem:$0x7FF] =	sst s5;
	s7 =	sadd.s32 $0xDA00, s0  }
0x6: {  	s9 =	sadd.s32 $0x8F800, s0;
	s11 =	sadd.s32 $0x67800, s0;
	s12 =	smul.u32 $0x50000, s15  }
0x7: {  	s13 =	sadd.s32 $0x77800, s0;
	s21 =	sshll.u32 s15, $0x5;
	s22 =	smul.u32 $0x4E20, s15  }
0x8: {  	s29 =	sshll.u32 s15, $0xC;
	s15 =	simm.s32 $0x6900;
	s3 =	sor.u32 s1, s3  }
0x9: {  	_ =	strace $0x8000004D;
	[dreg:$0x6] =	wrdreg s9;
	s9 =	sadd.s32 $0x17800, s0  }
0xa: {  	[dreg:$0x7] =	wrdreg s11;
	s20 =	ssub.s32 $0x2, s1;
	s2 =	sadd.s32 s2, s21  }
0xb: {  	s25 =	smul.u32 $0x2710, s1;
	s26 =	sshll.u32 s1, $0x7;
	p0 =	sne.s32 s1, $0x0  }
0xc: {  	s1 =	simm.s32 $0x1E900;
	s6 =	smul.u32 $0x2710, s3;
	s14 =	sshrl.u32 s20, $0x1  }
0xd: {  	s12 =	sshrl.u32 s12, $0x2;
	[dreg:$0x8] =	wrdreg s2;
	s3 =	sshll.u32 s3, $0xB  }
0xe: {  	s21 =	sor.u32 $0x1E900, s26;
	s11 =	ssub.s32 s20, s14;
	s12 =	sadd.s32 s12, s4  }
0xf: {  	s30 =	sor.u32 $0x400, s3;
	s2 =	sadd.s32 s25, s22;
	s31 =	sadd.s32 s13, s3  }
0x10: {  	s22 =	sor.u32 $0x1E940, s26;
	s23 =	sadd.s32 $0x4000, s12;
	[dreg:$0xd] =	wrdreg s31  }
0x11: {  	s14 =	simm.s32 $0x2780;
	s24 =	sadd.s32 $0x8000, s12;
	[dreg:$0x9] =	wrdreg s23  }
0x12: {  	s8 =	sshrl.u32 s6, $0x3;
	s13 =	sadd.s32 s13, s30;
	[dreg:$0xa] =	wrdreg s24  }
0x13: {  	s6 =	sadd.s32 $0x3F800, s0;
	s18 =	smax.u32 s11, $0x1;
	[dreg:$0xe] =	wrdreg s13  }
0x14: {  	s17 =	sadd.s32 $0x180, s2;
	s19 =	sadd.s32 $0xC000, s12;
	[dreg:$0x11] =	wrdreg s18  }
0x15: {  	s20 =	sadd.s32 $0x10000, s12;
	s31 =	sor.u32 $0x800, s29;
	[dreg:$0x12] =	wrdreg s19  }
0x16: {  	s11 =	simm.s32 $0x1;
	s10 =	sadd.s32 s8, s0;
	[dreg:$0x13] =	wrdreg s20  }
0x17: {  	s0 =	sadd.s32 $0x90000, s0;
	s16 =	sadd.s32 s7, s8;
	[dreg:$0x17] =	wrdreg s31  }
0x18: {  	s24 =	sadd.s32 $0x100, s2;
	s10 =	sadd.s32 $0x3C00, s10;
	[dreg:$0xc] =	wrdreg s16  }
0x19: {  	s8 =	simm.s32 $0x5;
	s3 =	sadd.s32 s0, s3;
	[dreg:$0xb] =	wrdreg s10  }
0x1a: {  	s13 =	simm.s32 $0x80;
	s0 =	sadd.s32 s0, s30;
	[dreg:$0xf] =	wrdreg s3  }
0x1b: {  	s18 =	simm.s32 $0x3;
	s23 =	sadd.s32 $0x10, s16;
	[dreg:$0x10] =	wrdreg s0  }
0x1c: {  	s19 =	simm.s32 $0x2;
	s26 =	sadd.s32 $0x4E0, s16;
	[dreg:$0x14] =	wrdreg s23  }
0x1d: {  	s20 =	simm.s32 $0x4;
	s30 =	sor.u32 $0x400, s29;
	[dreg:$0x15] =	wrdreg s26  }
0x1e: {  	s16 =	simm.s32 $0x0;
	s0 =	sshrl.u32 s17, $0x3;
	[dreg:$0x16] =	wrdreg s30  }
0x1f: {  	s3 =	sor.u32 $0xC00, s29;
	s10 =	simm.s32 $0x2900;
	s17 =	simm.s32 $0x2800  }
0x20: {  	s23 =	simm.s32 $0x2880;
	s26 =	simm.s32 $0x10;
	s25 =	sadd.s32 s0, s7  }
.LBB2_1:
0x21: {  	s0 =	rddreg [dreg:$0x8]  }
0x22: {  	[tilespmem:s1], [sflag:$0x5] =	stream.linear.gather [hbm4b:s0+s5], $0x100, $0x38;
	[tilespmem:$0x1EA00] =	vst v63  }
0x23: {  	_ =	swait.ge [sflag:s8], $0x100  }
0x24: {  	[sflag:s8] =	ssyncset.done $0x0  }
0x25: {  	s1 =	rddreg [dreg:$0x6];
	[sflag:s8] =	ssyncadd.s32 $0xFFFFFF00  }
0x26: {  	[tilespmem:s10], [sflag:$0x5] =	stream.linear.gather [hbm4b:s1+s5], $0x4000, $0x38;
	[tilespmem:$0x1EA00] =	vst v63  }
0x27: {  	_ =	swait.ge [sflag:s8], $0x4000  }
0x28: {  	[sflag:s8] =	ssyncset.done $0x0  }
0x29: {  	[sflag:s8] =	ssyncadd.s32 $0xFFFFC000  }
0x2a: {  	[spmem:s12] =	stream.linear.scatter [tilespmem:s10], [sflag:$0x1], $0x4000, $0x38;
	[tilespmem:$0x1EA00] =	vst v63  }
0x2b: {  	s2 =	rddreg [dreg:$0x9]  }
0x2c: {  	[spmem:s2] =	stream.linear.scatter [tilespmem:s10], [sflag:$0x1], $0x4000, $0x38;
	[tilespmem:$0x1EA00] =	vst v63  }
0x2d: {  	s1 =	rddreg [dreg:$0xa]  }
0x2e: {  	[spmem:s1] =	stream.linear.scatter [tilespmem:s10], [sflag:$0x1], $0x4000, $0x38;
	[tilespmem:$0x1EA00] =	vst v63  }
0x2f: {  	s2 =	rddreg [dreg:$0x12]  }
0x30: {  	[spmem:s2] =	stream.linear.scatter [tilespmem:s10], [sflag:$0x1], $0x4000, $0x38;
	[tilespmem:$0x1EA00] =	vst v63  }
0x31: {  	s1 =	rddreg [dreg:$0x13]  }
0x32: {  	[spmem:s1] =	stream.linear.scatter [tilespmem:s10], [sflag:$0x1], $0x4000, $0x38;
	[tilespmem:$0x1EA00] =	vst v63  }
0x33: {  	s2 =	rddreg [dreg:$0xb]  }
0x34: {  	[tilespmem:s5], [sflag:$0x5] =	stream.linear.gather [hbm4b:s2+s5], $0x2710, $0x38;
	[tilespmem:$0x1EA00] =	vst v63  }
0x35: {  	_ =	swait.ge [sflag:s8], $0x2710  }
0x36: {  	[sflag:s8] =	ssyncset.done $0x0  }
0x37: {  	[sflag:s8] =	ssyncadd.s32 $0xFFFFD8F0  }
0x38: {  	_ =	swait.ge [sflag:s11], $0x4000  }
0x39: {  	[sflag:s11] =	ssyncset.done $0x0  }
0x3a: {  	[sflag:s11] =	ssyncadd.s32 $0xFFFFC000  }
0x3b: {  	_ =	swait.ge [sflag:s11], $0x4000  }
0x3c: {  	[sflag:s11] =	ssyncset.done $0x0  }
0x3d: {  	[sflag:s11] =	ssyncadd.s32 $0xFFFFC000  }
0x3e: {  	_ =	swait.ge [sflag:s11], $0x4000  }
0x3f: {  	[sflag:s11] =	ssyncset.done $0x0  }
0x40: {  	[sflag:s11] =	ssyncadd.s32 $0xFFFFC000  }
0x41: {  	_ =	swait.ge [sflag:s11], $0x4000  }
0x42: {  	[sflag:s11] =	ssyncset.done $0x0  }
0x43: {  	[sflag:s11] =	ssyncadd.s32 $0xFFFFC000  }
0x44: {  	_ =	swait.ge [sflag:s11], $0x4000  }
0x45: {  	[sflag:s11] =	ssyncset.done $0x0  }
0x46: {  	[sflag:s11] =	ssyncadd.s32 $0xFFFFC000  }
0x47: {  	[tilespmem:s10], [sflag:$0x1] =	stream.indirect.gather [hbm4b:s6+s13], $0x80, s5, s13, $0xb8;
	[tilespmem:$0x1EA00] =	vst v63  }
0x48: {  	s1 =	rddreg [dreg:$0xc]  }
0x49: {  	[tilespmem:s14], [sflag:$0x3] =	stream.linear.gather [hbm4b:s1+s5], $0x80, $0x38;
	[tilespmem:$0x1EA00] =	vst v63  }
0x4a: {  	_ = 	snop  }
0x4b: {  	[tilespmem:s15], [sflag:$0x2] =	stream.indirect.gather [hbm4b:s6+s13], $0x80, s13, s13, $0xb8;
	[tilespmem:$0x1EA00] =	vst v63  }
0x4c: {  	s2 =	rddreg [dreg:$0x14]  }
0x4d: {  	[tilespmem:s17], [sflag:$0x4] =	stream.linear.gather [hbm4b:s2+s5], $0x80, $0x38;
	[tilespmem:$0x1EA00] =	vst v63  }
0x4e: {  	[bflag:$0x0] =	sbarrier.arrive $0xFFFF  }
0x4f: {  	_ =	swait.ge [sflag:s11], $0x4000  }
0x50: {  	[sflag:s11] =	ssyncset.done $0x0  }
0x51: {  	[sflag:s11] =	ssyncadd.s32 $0xFFFFC000  }
0x52: {  	_ =	swait.ge [sflag:s18], $0x80  }
0x53: {  	[sflag:s18] =	ssyncset.done $0x0  }
0x54: {  	[sflag:s18] =	ssyncadd.s32 $0xFFFFFF80  }
0x55: {  	[spmem:s4] =	stream.indirect.scatter.add.f32 [tilespmem:s10], [sflag:$0x5], $0x80, s14, s13, $0xb8;
	[tilespmem:$0x1EA00] =	vst v63  }
0x56: {  	_ =	swait.ge [sflag:s8], $0x4000  }
0x57: {  	[sflag:s8] =	ssyncset.done $0x0  }
0x58: {  	s0 =	simm.s32 $0x100;
	s2 =	sshrl.u32 s24, $0x3;
	[sflag:s8] =	ssyncadd.s32 $0xFFFFC000  }
0x59: {  	[tilespmem:s10], [sflag:$0x1] =	stream.indirect.gather [hbm4b:s6+s13], $0x80, s0, s13, $0xb8;
	[tilespmem:$0x1EA00] =	vst v63  }
0x5a: {  	s0 =	sadd.s32 s7, s2  }
0x5b: {  	[tilespmem:s14], [sflag:$0x3] =	stream.linear.gather [hbm4b:s0+s5], $0x80, $0x38;
	[tilespmem:$0x1EA00] =	vst v63  }
0x5c: {  	_ =	swait.ge [sflag:s19], $0x4000  }
0x5d: {  	[sflag:s19] =	ssyncset.done $0x0  }
0x5e: {  	[sflag:s19] =	ssyncadd.s32 $0xFFFFC000  }
0x5f: {  	_ =	swait.ge [sflag:s20], $0x80  }
0x60: {  	[sflag:s20] =	ssyncset.done $0x0  }
0x61: {  	[sflag:s20] =	ssyncadd.s32 $0xFFFFFF80  }
0x62: {  	[spmem:s4] =	stream.indirect.scatter.add.f32 [tilespmem:s15], [sflag:$0x5], $0x80, s17, s13, $0xb8;
	[tilespmem:$0x1EA00] =	vst v63  }
0x63: {  	_ =	swait.ge [sflag:s8], $0x4000  }
0x64: {  	[sflag:s8] =	ssyncset.done $0x0  }
0x65: {  	s30 =	simm.s32 $0x20;
	s2 =	simm.s32 $0x180;
	[sflag:s8] =	ssyncadd.s32 $0xFFFFC000  }
0x66: {  	[tilespmem:s15], [sflag:$0x2] =	stream.indirect.gather [hbm4b:s6+s13], $0x80, s2, s13, $0xb8;
	[tilespmem:$0x1EA00] =	vst v63  }
0x67: {  	s31 =	simm.s32 $0x200;
	s1 =	sadd.s32 $0x100, s24;
	s2 =	sadd.s32 $0x0, s25  }
.LBB2_2:
0x68: {  	[tilespmem:s17], [sflag:$0x4] =	stream.linear.gather [hbm4b:s2+s5], $0x80, $0x38;
	[tilespmem:$0x1EA00] =	vst v63  }
0x69: {  	s2 =	smov.u32 s30  }
0x6a: {  	p1 =	sne.s32 s30, $0x4A0;
	s30 =	sadd.s32 $0x20, s30;
	_ =	swait.ge [sflag:s11], $0x4000  }
0x6b: {  	[sflag:s11] =	ssyncset.done $0x0  }
0x6c: {  	[sflag:s11] =	ssyncadd.s32 $0xFFFFC000  }
0x6d: {  	_ =	swait.ge [sflag:s18], $0x80  }
0x6e: {  	[sflag:s18] =	ssyncset.done $0x0  }
0x6f: {  	[sflag:s18] =	ssyncadd.s32 $0xFFFFFF80  }
0x70: {  	[spmem:s4] =	stream.indirect.scatter.add.f32 [tilespmem:s10], [sflag:$0x5], $0x80, s14, s13, $0xb8;
	[tilespmem:$0x1EA00] =	vst v63  }
0x71: {  	_ =	swait.ge [sflag:s8], $0x4000  }
0x72: {  	[sflag:s8] =	ssyncset.done $0x0  }
0x73: {  	s0 =	sshrl.u32 s1, $0x3;
	[sflag:s8] =	ssyncadd.s32 $0xFFFFC000  }
0x74: {  	[tilespmem:s10], [sflag:$0x1] =	stream.indirect.gather [hbm4b:s6+s13], $0x80, s31, s13, $0xb8;
	[tilespmem:$0x1EA00] =	vst v63  }
0x75: {  	s0 =	sadd.s32 s7, s0  }
0x76: {  	[tilespmem:s14], [sflag:$0x3] =	stream.linear.gather [hbm4b:s0+s5], $0x80, $0x38;
	[tilespmem:$0x1EA00] =	vst v63  }
0x77: {  	_ =	swait.ge [sflag:s19], $0x4000  }
0x78: {  	[sflag:s19] =	ssyncset.done $0x0  }
0x79: {  	[sflag:s19] =	ssyncadd.s32 $0xFFFFC000  }
0x7a: {  	_ =	swait.ge [sflag:s20], $0x80  }
0x7b: {  	[sflag:s20] =	ssyncset.done $0x0  }
0x7c: {  	[sflag:s20] =	ssyncadd.s32 $0xFFFFFF80  }
0x7d: {  	[spmem:s4] =	stream.indirect.scatter.add.f32 [tilespmem:s15], [sflag:$0x5], $0x80, s17, s13, $0xb8;
	[tilespmem:$0x1EA00] =	vst v63  }
.Ltmp0:
0x7e: {  	_ =	swait.ge [sflag:s8], $0x4000;
	(pc) =	sbr.rel @p1 .LBB2_2-.Ltmp0, $4  }
0x7f: {  	[sflag:s8] =	ssyncset.done $0x0  }
0x80: {  	s0 =	sadd.s32 $0x80, s31;
	[sflag:s8] =	ssyncadd.s32 $0xFFFFC000  }
0x81: {  	[tilespmem:s15], [sflag:$0x2] =	stream.indirect.gather [hbm4b:s6+s13], $0x80, s0, s13, $0xb8;
	[tilespmem:$0x1EA00] =	vst v63  }
0x82: {  	s1 =	sadd.s32 $0x100, s1;
	s2 =	sadd.s32 s2, s25;
	s31 =	sadd.s32 $0x100, s31  }
0x83: {  	[tilespmem:s17], [sflag:$0x4] =	stream.linear.gather [hbm4b:s2+s5], $0x80, $0x38;
	[tilespmem:$0x1EA00] =	vst v63  }
0x84: {  	_ =	swait.ge [sflag:s11], $0x4000  }
0x85: {  	[sflag:s11] =	ssyncset.done $0x0  }
0x86: {  	[sflag:s11] =	ssyncadd.s32 $0xFFFFC000  }
0x87: {  	_ =	swait.ge [sflag:s18], $0x80  }
0x88: {  	[sflag:s18] =	ssyncset.done $0x0  }
0x89: {  	[sflag:s18] =	ssyncadd.s32 $0xFFFFFF80  }
0x8a: {  	[spmem:s4] =	stream.indirect.scatter.add.f32 [tilespmem:s10], [sflag:$0x5], $0x80, s14, s13, $0xb8;
	[tilespmem:$0x1EA00] =	vst v63  }
0x8b: {  	_ =	swait.ge [sflag:s8], $0x4000  }
0x8c: {  	[sflag:s8] =	ssyncset.done $0x0  }
0x8d: {  	[sflag:s8] =	ssyncadd.s32 $0xFFFFC000  }
0x8e: {  	_ =	swait.ge [sflag:s19], $0x4000  }
0x8f: {  	[sflag:s19] =	ssyncset.done $0x0  }
0x90: {  	[sflag:s19] =	ssyncadd.s32 $0xFFFFC000  }
0x91: {  	_ =	swait.ge [sflag:s20], $0x80  }
0x92: {  	[sflag:s20] =	ssyncset.done $0x0  }
0x93: {  	[sflag:s20] =	ssyncadd.s32 $0xFFFFFF80  }
0x94: {  	[spmem:s4] =	stream.indirect.scatter.add.f32 [tilespmem:s15], [sflag:$0x5], $0x80, s17, s13, $0xb8;
	[tilespmem:$0x1EA00] =	vst v63  }
0x95: {  	_ =	swait.ge [sflag:s8], $0x4000  }
0x96: {  	[sflag:s8] =	ssyncset.done $0x0  }
0x97: {  	s0 =	rddreg [dreg:$0x15];
	[sflag:s8] =	ssyncadd.s32 $0xFFFFC000  }
0x98: {  	[tilespmem:s23], [sflag:$0x5] =	stream.linear.gather [hbm4b:s0+s5], $0x10, $0x38;
	[tilespmem:$0x1EA00] =	vst v63  }
0x99: {  	_ =	swait.ge [sflag:s8], $0x10  }
0x9a: {  	[sflag:s8] =	ssyncset.done $0x0  }
0x9b: {  	s30 =	simm.s32 $0x2700;
	[sflag:s8] =	ssyncadd.s32 $0xFFFFFFF0  }
0x9c: {  	[tilespmem:s10], [sflag:$0x1] =	stream.indirect.gather [hbm4b:s6+s26], $0x80, s30, s26, $0xb8;
	[tilespmem:$0x1EA00] =	vst v63  }
0x9d: {  	_ =	swait.ge [sflag:s11], $0x800  }
0x9e: {  	[sflag:s11] =	ssyncset.done $0x0  }
0x9f: {  	[sflag:s11] =	ssyncadd.s32 $0xFFFFF800  }
0xa0: {  	[spmem:s4] =	stream.indirect.scatter.add.f32 [tilespmem:s10], [sflag:$0x5], $0x80, s23, s26, $0xb8;
	[tilespmem:$0x1EA00] =	vst v63  }
0xa1: {  	_ =	swait.ge [sflag:s8], $0x800  }
0xa2: {  	[sflag:s8] =	ssyncset.done $0x0  }
0xa3: {  	[sflag:s8] =	ssyncadd.s32 $0xFFFFF800  }
0xa4: {  	s31 =	simm.s32 $0x1E900;
	[bflag:$0x0] =	sbarrier.arrive $0xFFFF  }
0xa5: {  	[tilespmem:s10], [sflag:$0x1] =	stream.indirect.gather [spmem:s4], $0x80, s31, s28, $0xb8;
	[tilespmem:$0x1EA00] =	vst v63  }
0xa6: {  	_ =	swait.ge [sflag:s11], $0x2000  }
0xa7: {  	s1 =	simm.s32 @!p0 $0x1E900;
	[sflag:s11] =	ssyncset.done $0x0  }
0xa8: {  	s2 =	simm.s32 @!p0 $0x2900;
	s0 =	simm.s32 @!p0 $0x40;
	[sflag:s11] =	ssyncadd.s32 $0xFFFFE000  }
0xa9: {  	[tilespmem:s2], [sflag:$0x1] =	stream.indirect.gather.add.f32 @!p0 [hbm:s6], $0x80, s1, s0, $0xb8;
	[tilespmem:$0x1EA00] =	vst v63  }
0xaa: {  	s1 =	simm.s32 @!p0 $0x1  }
0xab: {  	_ =	swait.ge @!p0 [sflag:s1], $0x2000  }
0xac: {  	s30 =	rddreg [dreg:$0x3]  }
0xad: {  	s31 =	rddreg [dreg:$0x7]  }
0xae: {  	[sflag:s1] =	ssyncset.done @!p0 $0x0;
	s30 =	smov.u32 @p0 s31  }
0xaf: {  	[sflag:s1] =	ssyncadd.s32 @!p0 $0xFFFFE000;
	s31 =	sadd.s32 s30, s29  }
0xb0: {  	[hbm4b:s31+s5] =	stream.linear.scatter [tilespmem:s10], [sflag:$0x5], $0x2000, $0x38;
	[tilespmem:$0x1EA00] =	vst v63  }
0xb1: {  	_ =	swait.ge [sflag:s8], $0x2000  }
0xb2: {  	[sflag:s8] =	ssyncset.done $0x0  }
0xb3: {  	s31 =	simm.s32 $0x1E940;
	[sflag:s8] =	ssyncadd.s32 $0xFFFFE000  }
0xb4: {  	[tilespmem:s10], [sflag:$0x1] =	stream.indirect.gather [spmem:s4], $0x80, s31, s28, $0xb8;
	[tilespmem:$0x1EA00] =	vst v63  }
0xb5: {  	_ =	swait.ge [sflag:s11], $0x2000  }
0xb6: {  	[sflag:s11] =	ssyncset.done $0x0  }
0xb7: {  	s31 =	simm.s32 @!p0 $0x1E940;
	[sflag:s11] =	ssyncadd.s32 $0xFFFFE000  }
0xb8: {  	[tilespmem:s2], [sflag:$0x1] =	stream.indirect.gather.add.f32 @!p0 [hbm:s6], $0x80, s31, s0, $0xb8;
	[tilespmem:$0x1EA00] =	vst v63  }
0xb9: {  	_ =	swait.ge @!p0 [sflag:s1], $0x2000  }
0xba: {  	[sflag:s1] =	ssyncset.done @!p0 $0x0;
	s31 =	rddreg [dreg:$0x16]  }
0xbb: {  	[sflag:s1] =	ssyncadd.s32 @!p0 $0xFFFFE000;
	s31 =	sadd.s32 s31, s30  }
0xbc: {  	[hbm4b:s31+s5] =	stream.linear.scatter [tilespmem:s10], [sflag:$0x5], $0x2000, $0x38;
	[tilespmem:$0x1EA00] =	vst v63  }
0xbd: {  	_ =	swait.ge [sflag:s8], $0x2000  }
0xbe: {  	[sflag:s8] =	ssyncset.done $0x0  }
0xbf: {  	s31 =	simm.s32 $0x1E980;
	[sflag:s8] =	ssyncadd.s32 $0xFFFFE000  }
0xc0: {  	[tilespmem:s10], [sflag:$0x1] =	stream.indirect.gather [spmem:s4], $0x80, s31, s28, $0xb8;
	[tilespmem:$0x1EA00] =	vst v63  }
0xc1: {  	_ =	swait.ge [sflag:s11], $0x2000  }
0xc2: {  	[sflag:s11] =	ssyncset.done $0x0  }
0xc3: {  	s31 =	simm.s32 @!p0 $0x1E980;
	[sflag:s11] =	ssyncadd.s32 $0xFFFFE000  }
0xc4: {  	[tilespmem:s2], [sflag:$0x1] =	stream.indirect.gather.add.f32 @!p0 [hbm:s6], $0x80, s31, s0, $0xb8;
	[tilespmem:$0x1EA00] =	vst v63  }
0xc5: {  	_ =	swait.ge @!p0 [sflag:s1], $0x2000  }
0xc6: {  	[sflag:s1] =	ssyncset.done @!p0 $0x0;
	s31 =	rddreg [dreg:$0x17]  }
0xc7: {  	[sflag:s1] =	ssyncadd.s32 @!p0 $0xFFFFE000;
	s31 =	sadd.s32 s31, s30  }
0xc8: {  	[hbm4b:s31+s5] =	stream.linear.scatter [tilespmem:s10], [sflag:$0x5], $0x2000, $0x38;
	[tilespmem:$0x1EA00] =	vst v63  }
0xc9: {  	_ =	swait.ge [sflag:s8], $0x2000  }
0xca: {  	[sflag:s8] =	ssyncset.done $0x0  }
0xcb: {  	s31 =	simm.s32 $0x1E9C0;
	[sflag:s8] =	ssyncadd.s32 $0xFFFFE000  }
0xcc: {  	[tilespmem:s10], [sflag:$0x1] =	stream.indirect.gather [spmem:s4], $0x80, s31, s28, $0xb8;
	[tilespmem:$0x1EA00] =	vst v63  }
0xcd: {  	_ =	swait.ge [sflag:s11], $0x2000  }
0xce: {  	[sflag:s11] =	ssyncset.done $0x0  }
0xcf: {  	s31 =	simm.s32 @!p0 $0x1E9C0;
	[sflag:s11] =	ssyncadd.s32 $0xFFFFE000  }
0xd0: {  	[tilespmem:s2], [sflag:$0x1] =	stream.indirect.gather.add.f32 @!p0 [hbm:s6], $0x80, s31, s0, $0xb8;
	[tilespmem:$0x1EA00] =	vst v63  }
0xd1: {  	_ =	swait.ge @!p0 [sflag:s1], $0x2000  }
0xd2: {  	[sflag:s1] =	ssyncset.done @!p0 $0x0  }
0xd3: {  	[sflag:s1] =	ssyncadd.s32 @!p0 $0xFFFFE000;
	s1 =	sadd.s32 s3, s30  }
0xd4: {  	[hbm4b:s1+s5] =	stream.linear.scatter [tilespmem:s10], [sflag:$0x5], $0x2000, $0x38;
	[tilespmem:$0x1EA00] =	vst v63  }
0xd5: {  	_ =	swait.ge [sflag:s8], $0x2000  }
0xd6: {  	[sflag:s8] =	ssyncset.done $0x0  }
0xd7: {  	[sflag:s8] =	ssyncadd.s32 $0xFFFFE000  }
0xd8: {  	s2 =	rddreg [dreg:$0x1]  }
0xd9: {  	[tilespmem:s15], [sflag:$0x2] =	stream.indirect.gather [hbm4b:s2+s28], $0x80, s21, s28, $0xb8;
	[tilespmem:$0x1EA00] =	vst v63  }
0xda: {  	_ =	swait.ge [sflag:s19], $0x2000  }
0xdb: {  	[sflag:s19] =	ssyncset.done $0x0  }
0xdc: {  	s30 =	rddreg [dreg:$0xd];
	[sflag:s19] =	ssyncadd.s32 $0xFFFFE000  }
0xdd: {  	[hbm4b:s30+s5] =	stream.linear.scatter [tilespmem:s15], [sflag:$0x5], $0x2000, $0x38;
	[tilespmem:$0x1EA00] =	vst v63  }
0xde: {  	_ =	swait.ge [sflag:s8], $0x2000  }
0xdf: {  	[sflag:s8] =	ssyncset.done $0x0  }
0xe0: {  	[sflag:s8] =	ssyncadd.s32 $0xFFFFE000  }
0xe1: {  	[tilespmem:s15], [sflag:$0x2] =	stream.indirect.gather [hbm4b:s2+s28], $0x80, s22, s28, $0xb8;
	[tilespmem:$0x1EA00] =	vst v63  }
0xe2: {  	_ =	swait.ge [sflag:s19], $0x2000  }
0xe3: {  	[sflag:s19] =	ssyncset.done $0x0  }
0xe4: {  	s31 =	rddreg [dreg:$0xe];
	[sflag:s19] =	ssyncadd.s32 $0xFFFFE000  }
0xe5: {  	[hbm4b:s31+s5] =	stream.linear.scatter [tilespmem:s15], [sflag:$0x5], $0x2000, $0x38;
	[tilespmem:$0x1EA00] =	vst v63  }
0xe6: {  	_ =	swait.ge [sflag:s8], $0x2000  }
0xe7: {  	[sflag:s8] =	ssyncset.done $0x0  }
0xe8: {  	[sflag:s8] =	ssyncadd.s32 $0xFFFFE000  }
0xe9: {  	[tilespmem:s15], [sflag:$0x2] =	stream.indirect.gather [hbm4b:s9+s28], $0x80, s21, s28, $0xb8;
	[tilespmem:$0x1EA00] =	vst v63  }
0xea: {  	_ =	swait.ge [sflag:s19], $0x2000  }
0xeb: {  	[sflag:s19] =	ssyncset.done $0x0  }
0xec: {  	s2 =	rddreg [dreg:$0xf];
	[sflag:s19] =	ssyncadd.s32 $0xFFFFE000  }
0xed: {  	[hbm4b:s2+s5] =	stream.linear.scatter [tilespmem:s15], [sflag:$0x5], $0x2000, $0x38;
	[tilespmem:$0x1EA00] =	vst v63  }
0xee: {  	_ =	swait.ge [sflag:s8], $0x2000  }
0xef: {  	[sflag:s8] =	ssyncset.done $0x0  }
0xf0: {  	[sflag:s8] =	ssyncadd.s32 $0xFFFFE000  }
0xf1: {  	[tilespmem:s15], [sflag:$0x2] =	stream.indirect.gather [hbm4b:s9+s28], $0x80, s22, s28, $0xb8;
	[tilespmem:$0x1EA00] =	vst v63  }
0xf2: {  	_ =	swait.ge [sflag:s19], $0x2000  }
0xf3: {  	[sflag:s19] =	ssyncset.done $0x0  }
0xf4: {  	s30 =	rddreg [dreg:$0x10];
	[sflag:s19] =	ssyncadd.s32 $0xFFFFE000  }
0xf5: {  	[hbm4b:s30+s5] =	stream.linear.scatter [tilespmem:s15], [sflag:$0x5], $0x2000, $0x38;
	[tilespmem:$0x1EA00] =	vst v63  }
0xf6: {  	_ =	swait.ge [sflag:s8], $0x2000  }
0xf7: {  	s16 =	sadd.s32 $0x1, s16;
	s31 =	rddreg [dreg:$0x11]  }
0xf8: {  	p1 =	sne.s32 s16, s31  }
.Ltmp1:
0xf9: {  	_ = 	snop;
	(pc) =	sbr.rel @p1 .LBB2_1-.Ltmp1, $3  }
0xfa: {  	_ =	sdelay $0x1  }
0xfb: {  	[sflag:s8] =	ssyncset.done $0x0  }
0xfc: {  	s1 =	simm.s32 $0x1E900;
	[sflag:s8] =	ssyncadd.s32 $0xFFFFE000  }
0xfd: {  	_ =	sfence.sel $0x180000  }
0xfe: {  	[bflag:$0x0] =	sbarrier.arrive $0xFFFF  }
0xff: {  	_ =	strace $0x9000004D  }
0x100: {  	s0 =	stileid.u32;
	[bflag:$0x2] =	sbarrier.arrive $0xFFFF  }
0x101: {  	p0 =	sne.s32 s0, $0x0;
	s0 =	rddreg [dreg:$0x5]  }
0x102: {  	s0 =	sadd.s32 @!p0 $0x100000, s0  }
0x103: {  	[sflag:s0] =	ssyncadd.tile.s32 @!p0 $0x1;
	_ =	shalt  }
.Lfunc_end2:
_tile_overlayer_lowered:
.L_overlay_start_2:
0x104: {  	(tag) =	ssettag $0x2  }
0x105: {  	s0 =	rddreg [dreg:$0x0];
	s2 =	stileid.u32  }
0x106: {  	s1 =	rddreg [dreg:$0x1];
	p0 =	sne.s32 s2, $0x0  }
0x107: {  	s3 =	rddreg [dreg:$0x2];
	[bflag:$0x3] =	sbarrier.arrive $0xFFFF;
	s2 =	simm.s32 @!p0 $0x1C05  }
0x108: {  	[timem:s3], [sflag:s2] =	dma.local @!p0 [hbm:s0], s1  }
0x109: {  	s0 =	simm.s32 @!p0 $0x5  }
0x10a: {  	_ =	swait.ge @!p0 [sflag:s0], s1  }
0x10b: {  	s1 =	ssub.s32 @!p0 $0x0, s1;
	[sflag:s0] =	ssyncset.done @!p0 $0x0  }
0x10c: {  	[sflag:s0] =	ssyncadd.s32 @!p0 s1  }
0x10d: {  	[bflag:$0x3] =	sbarrier.arrive $0xFFFF  }
0x10e: {  	_ =	shalt  }

// kernel: kernel.8.cloned.1.call-start
scs
__scs_entry_jumppad:
0x0: {  	(pc) =	sbr.rel $0x88, $3  }
0x1: {  	(tag) =	ssettag $0x0;
	lr =	simm.s32 $0x1  }
0x2: {  	[smem:$0x3F95] =	sst lr;
	_ =	strace $0xD0000000  }
0x3: {  	_ = 	snop  }
0x4: {  	_ = 	snop  }
0x5: {  	_ = 	snop  }
0x6: {  	_ = 	snop  }
0x7: {  	_ = 	snop  }
__scs_overlays_trampoline_lowered:
0x8: {  	[smem:$0x3FA4] =	sst s0  }
0x9: {  	[smem:$0x3FA5] =	sst s1  }
0xa: {  	[smem:$0x3FA6] =	sst s2  }
0xb: {  	[smem:$0x3FA7] =	sst s3  }
0xc: {  	[smem:$0x3FA8] =	sst s4  }
0xd: {  	[smem:$0x3FA9] =	sst s5  }
0xe: {  	[smem:$0x3FAA] =	sst s6  }
0xf: {  	[smem:$0x3FAB] =	sst s7  }
0x10: {  	[smem:$0x3FAC] =	sst s8  }
0x11: {  	[smem:$0x3FAD] =	sst s9;
	s0 =	simm.s32 @!p0 $0x0  }
0x12: {  	s1 =	sld [smem:$0x3F93];
	s0 =	simm.s32 @p0 $0x1  }
0x13: {  	[smem:$0x3FAE] =	sst s0;
	s0 =	simm.s32 @!p1 $0x0  }
0x14: {  	s2 =	sld [smem:$0x3F92];
	s0 =	simm.s32 @p1 $0x1  }
0x15: {  	[smem:$0x3FAF] =	sst s0;
	s0 =	simm.s32 @!p2 $0x0  }
0x16: {  	s3 =	sld [smem:$0x3FDB];
	s0 =	simm.s32 @p2 $0x1  }
0x17: {  	s4 =	simm.s32 $0x1BF5;
	[smem:$0x3FB1] =	sst s0  }
0x18: {  	s0 =	sld [smem:$0x3F94];
	_ =	swait.ge [sflag:s4], $0x0  }
0x19: {  	s7 =	sld [smem:$0x3F95]  }
0x1a: {  	s8 =	sadd.s32 $0xFFFFE003, lr  }
0x1b: {  	s9 =	sadd.s32 $0xFFFFFEF7, lr;
	s5 =	simm.s32 $0xFFFFFFFF;
	p2 =	slt.u32 s8, $0xFFFFF086  }
0x1c: {  	p1 =	slt.u32 s9, $0xF7A;
	s5 =	simm.s32 @!p2 $0x0  }
0x1d: {  	s5 =	simm.s32 @p1 $0x1;
	p0 =	seq.s32 s7, s2  }
0x1e: {  	s7 =	smul.u32 @!p0 $0xF7A, s2;
	p2 =	seq.s32 @!p0 s5, $0x0  }
0x1f: {  	s9 =	smul.u32 $0xF7A, s1;
	s8 =	simm.s32 @!p0 $0x1BF5;
	p2 =	por !p2, p0  }
0x20: {  	[sflag:s8] =	ssyncset.s32 @!p0 $0xFFFFF086;
	s6 =	sadd.s32 @!p0 s3, s7;
	s7 =	simm.s32 @!p0 $0x108  }
0x21: {  	s3 =	sadd.s32 s3, s9;
	s6 =	sadd.s32 @!p0 $0x88, s6;
	s7 =	simm.s32 @p2 $0x1082  }
0x22: {  	[simem:s7], [sflag:s8] =	dma.local @!p0 [hbm:s6], $0xF7A  }
0x23: {  	s9 =	sor.u32 $0xD0000000, s2;
	s6 =	simm.s32 $0x108;
	_ =	swait.ge @!p0 [sflag:s8], $0x0  }
0x24: {  	s3 =	sadd.s32 $0x88, s3;
	s6 =	simm.s32 @!p1 $0x1082;
	[sflag:s4] =	ssyncset.s32 $0xFFFFF086  }
0x25: {  	[simem:s6], [sflag:s4] =	dma.local [hbm:s3], $0xF7A  }
0x26: {  	[smem:$0x3F95] =	sst s1;
	(tag) =	ssettag s2;
	_ =	strace s9  }
0x27: {  	s1 =	sld [smem:$0x3FA5]  }
0x28: {  	s2 =	sld [smem:$0x3FA6]  }
0x29: {  	s4 =	sld [smem:$0x3FA8]  }
0x2a: {  	p0 =	seq.s32 s5, $0x0;
	s5 =	sld [smem:$0x3FA9]  }
0x2b: {  	s6 =	sld [smem:$0x3FAA]  }
0x2c: {  	s7 =	sld [smem:$0x3FAB]  }
0x2d: {  	s3 =	simm.s32 $0x108;
	s8 =	sld [smem:$0x3FAC]  }
0x2e: {  	s3 =	simm.s32 @!p0 $0x1082;
	s9 =	sld [smem:$0x3FAD]  }
0x2f: {  	lr =	sadd.s32 s0, s3;
	s0 =	sld [smem:$0x3FA4]  }
0x30: {  	s3 =	sld [smem:$0x3FA7]  }
0x31: {  	[smem:$0x3FB0] =	sst s10  }
0x32: {  	s10 =	sld [smem:$0x3FAE];
	_ =	sdelay $0x3  }
0x33: {  	p0 =	seq.s32 s10, $0x1;
	s10 =	sld [smem:$0x3FB0];
	_ =	sdelay $0x3  }
0x34: {  	[smem:$0x3FB0] =	sst s10  }
0x35: {  	s10 =	sld [smem:$0x3FAF];
	_ =	sdelay $0x3  }
0x36: {  	p1 =	seq.s32 s10, $0x1;
	s10 =	sld [smem:$0x3FB0];
	_ =	sdelay $0x3  }
0x37: {  	[smem:$0x3FB0] =	sst s10  }
0x38: {  	s10 =	sld [smem:$0x3FB1]  }
0x39: {  	_ = 	snop;
	(pc) =	sbr.ind lr, $3  }
0x3a: {  	_ = 	snop  }
0x3b: {  	_ = 	snop  }
0x3c: {  	p2 =	seq.s32 s10, $0x1;
	s10 =	sld [smem:$0x3FB0]  }
0x3d: {  	_ =	shalt  }
0x3e: {  	_ =	shalt  }
0x3f: {  	_ =	shalt  }
0x40: {  	_ =	shalt  }
0x41: {  	_ =	shalt  }
0x42: {  	_ =	shalt  }
0x43: {  	_ =	shalt  }
0x44: {  	_ =	shalt  }
0x45: {  	_ =	shalt  }
0x46: {  	_ =	shalt  }
0x47: {  	_ =	shalt  }
0x48: {  	_ =	shalt  }
0x49: {  	_ =	shalt  }
0x4a: {  	_ =	shalt  }
0x4b: {  	_ =	shalt  }
0x4c: {  	_ =	shalt  }
0x4d: {  	_ =	shalt  }
0x4e: {  	_ =	shalt  }
0x4f: {  	_ =	shalt  }
0x50: {  	_ =	shalt  }
0x51: {  	_ =	shalt  }
0x52: {  	_ =	shalt  }
0x53: {  	_ =	shalt  }
0x54: {  	_ =	shalt  }
0x55: {  	_ =	shalt  }
0x56: {  	_ =	shalt  }
0x57: {  	_ =	shalt  }
0x58: {  	_ =	shalt  }
0x59: {  	_ =	shalt  }
0x5a: {  	_ =	shalt  }
0x5b: {  	_ =	shalt  }
0x5c: {  	_ =	shalt  }
0x5d: {  	_ =	shalt  }
0x5e: {  	_ =	shalt  }
0x5f: {  	_ =	shalt  }
0x60: {  	_ =	shalt  }
0x61: {  	_ =	shalt  }
0x62: {  	_ =	shalt  }
0x63: {  	_ =	shalt  }
0x64: {  	_ =	shalt  }
0x65: {  	_ =	shalt  }
0x66: {  	_ =	shalt  }
0x67: {  	_ =	shalt  }
0x68: {  	_ =	shalt  }
0x69: {  	_ =	shalt  }
0x6a: {  	_ =	shalt  }
0x6b: {  	_ =	shalt  }
0x6c: {  	_ =	shalt  }
0x6d: {  	_ =	shalt  }
0x6e: {  	_ =	shalt  }
0x6f: {  	_ =	shalt  }
0x70: {  	_ =	shalt  }
0x71: {  	_ =	shalt  }
0x72: {  	_ =	shalt  }
0x73: {  	_ =	shalt  }
0x74: {  	_ =	shalt  }
0x75: {  	_ =	shalt  }
0x76: {  	_ =	shalt  }
0x77: {  	_ =	shalt  }
0x78: {  	_ =	shalt  }
0x79: {  	_ =	shalt  }
0x7a: {  	_ =	shalt  }
0x7b: {  	_ =	shalt  }
0x7c: {  	_ =	shalt  }
0x7d: {  	_ =	shalt  }
0x7e: {  	_ =	shalt  }
0x7f: {  	_ =	shalt  }
0x80: {  	_ =	shalt  }
0x81: {  	_ =	shalt  }
0x82: {  	_ =	shalt  }
0x83: {  	_ =	shalt  }
0x84: {  	_ =	shalt  }
0x85: {  	_ =	shalt  }
0x86: {  	_ =	shalt  }
0x87: {  	_ =	shalt  }
.Lfunc_end0:
.L_simem_size_0:
called_computation_lowered:
.L_overlay_start_0:
0x88: {  	s2 =	sld [smem:$0x3FD9]  }
0x89: {  	s3 =	sld [smem:$0x3FFE];
	_ =	sdelay $0x1  }
0x8a: {  	s1 =	srdreg.scid  }
0x8b: {  	s0 =	sand.u32 $0x1, s1  }
0x8c: {  	s17 =	sshll.u32 s0, $0xA;
	s2 =	sadd.s32 s3, s2  }
0x8d: {  	s2 =	sadd.s32 s2, s17  }
0x8e: {  	[smem:$0x3FBC] =	sst s2  }
0x8f: {  	_ = 	snop  }
0x90: {  	s2 =	sld [smem:$0x3FD0];
	(tm) =	ssettm $0x1  }
0x91: {  	s18 =	sld [smem:$0x3FFB];
	_ =	sdelay $0x3  }
0x92: {  	_ =	strace s18  }
0x93: {  	s3 =	sld [smem:$0x3FFC];
	_ =	sdelay $0x3  }
0x94: {  	_ =	strace s3  }
0x95: {  	s3 =	sld [smem:$0x3FFD];
	_ =	sdelay $0x3  }
0x96: {  	_ =	strace s3  }
0x97: {  	_ =	strace $0x8FFFFFFF  }
0x98: {  	s19 =	sld [smem:$0x3FDB];
	_ =	sdelay $0x1  }
0x99: {  	s4 =	simm.s32 $_scs_section_size  }
0x9a: {  	s5 =	simm.s32 $_size__tile_overlayer_lowered;
	s6 =	simm.s32 $_tile_overlayer_lowered  }
0x9b: {  	s22 =	simm.s32 $0x1BFF;
	s21 =	sshll.u32 s6, $0x1;
	s3 =	sadd.s32 s4, s19  }
0x9c: {  	s7 =	simm.s32 $0x0;
	s20 =	sshll.u32 s5, $0x1;
	s5 =	sadd.s32 s21, s3  }
0x9d: {  	[timem:s7], [sflag:s22] =	dma.local [hbm:s5], s20  }
0x9e: {  	_ =	swait.ge [sflag:s22], s20  }
0x9f: {  	s4 =	ssub.s32 $0x0, s20;
	[sflag:s22] =	ssyncset.done $0x0  }
0xa0: {  	[sflag:s22] =	ssyncadd.s32 s4;
	_ =	sdelay $0x1  }
0xa1: {  	s23 =	simm.s32 $0x1B8B  }
0xa2: {  	_ =	swait.ge [sflag:s23], $0x1  }
0xa3: {  	[sflag:s23] =	ssyncset.done $0x0  }
0xa4: {  	s25 =	simm.s32 $0x1B8E;
	s24 =	sld [smem:$0x3FFE];
	[sflag:s23] =	ssyncadd.s32 $0xFFFFFFFF  }
0xa5: {  	s26 =	simm.s32 $execute0_lowered;
	[smem:$0x3FD2] =	sst s25  }
0xa6: {  	s5 =	sshll.u32 s26, $0x1;
	_ =	strace $0x80000046;
	[dreg:$0x1] =	wrdreg $0xFFFFFFFF  }
0xa7: {  	s28 =	simm.s32 $_size_execute0_lowered;
	s3 =	sadd.s32 s3, s5;
	[dreg:$0x0] =	wrdreg $0x0  }
0xa8: {  	s5 =	sshll.u32 s28, $0x1;
	[dreg:$0x2] =	wrdreg s3  }
0xa9: {  	[dreg:$0x3] =	wrdreg s5  }
0xaa: {  	[dreg:$0x4] =	wrdreg $0xC0  }
0xab: {  	_ =	task [dreg:s7], $0x5FFFF  }
0xac: {  	[dreg:$0x1] =	wrdreg $0xFFFFFFFF  }
0xad: {  	[dreg:$0x0] =	wrdreg $0x60  }
0xae: {  	[dreg:$0x2] =	wrdreg s24  }
0xaf: {  	[dreg:$0x3] =	wrdreg s2  }
0xb0: {  	[dreg:$0x4] =	wrdreg $0x9  }
0xb1: {  	_ =	task.clear_ibuf [dreg:s7], $0x5FFFF;
	_ =	strace $0x90000046  }
0xb2: {  	s29 =	simm.s32 $0x9;
	_ =	strace $0x80000048  }
0xb3: {  	_ =	swait.ge [sflag:s29], $0x1  }
0xb4: {  	[sflag:s29] =	ssyncadd.s32 $0xFFFFFFFF  }
0xb5: {  	_ =	strace $0x90000048  }
0xb6: {  	_ =	sfence  }
0xb7: {  	s30 =	sld [smem:$0x0];
	_ =	sdelay $0x2  }
0xb8: {  	s31 =	sshll.u32 s1, $0xD;
	s1 =	sshrl.u32 s1, $0x2  }
0xb9: {  	s3 =	sand.u32 $0x4000, s31;
	s1 =	sadd.s32 s1, s30  }
0xba: {  	s0 =	sor.u32 s3, s0;
	s1 =	sshll.u32 s1, $0x11  }
0xbb: {  	s0 =	sor.u32 s1, s0  }
0xbc: {  	s0 =	sadd.s32 $0x8F2B, s0  }
0xbd: {  	[sflag:s0] =	ssyncadd.remote.s32 $0x1  }
0xbe: {  	_ =	sfence.sel $0xFFFF  }
0xbf: {  	[dreg:$0x0] =	wrdreg $0xFFFFFFFF;
	(pc) =	sbr.abs _section_cstart, $3  }
0xc0: {  	[dreg:$0x1] =	wrdreg $0xFFFFFFFF  }
0xc1: {  	_ =	task.clear_ibuf [dreg:s7], $0x2FFFF;
	_ =	strace $0x9FFFFFFF  }
0xc2: {  	(tm) =	ssettm $0x7FFFFFFF  }
0xc3: {  	_ =	shalt  }
tec
execute0_lowered:
.L_overlay_start_1:
0x0: {  	(tag) =	ssettag $0x1  }
0x1: {  	s3 =	rddreg [dreg:$0x0];
	s1 =	srdreg.scid  }
0x2: {  	s0 =	stileid.u32;
	s4 =	rddreg [dreg:$0x1]  }
0x3: {  	s8 =	simm.s32 $0x0;
	s5 =	sand.u32 $0x1, s1;
	s2 =	sshll.u32 s0, $0x1  }
0x4: {  	s6 =	sor.u32 s5, s2;
	s2 =	simm.s32 $0x0;
	s5 =	ssub.s32 $0x2, s5  }
0x5: {  	s6 =	smul.u32 $0x4E2, s6;
	[smem:$0x7FF] =	sst s2;
	s7 =	sshrl.u32 s5, $0x1  }
0x6: {  	s1 =	rddreg [dreg:$0x2];
	_ =	strace $0x80000047;
	s5 =	ssub.s32 s5, s7  }
0x7: {  	s7 =	simm.s32 $0x2780;
	s3 =	sadd.s32 s6, s3;
	s4 =	sadd.s32 s4, s6  }
0x8: {  	v0 =	vimm.f32 $0.0e+00;
	v1 =	vimm.f32 $1.000000000e+00;
	s5 =	smax.u32 s5, $0x1;
	s6 =	simm.s32 $0x1;
	s3 =	sadd.s32 $0xDA00, s3  }
.LBB2_1:
0x9: {  	s9 =	simm.s32 $0x40;
	s10 =	simm.s32 $0x0  }
.LBB2_2:
0xa: {  	p0 =	sne.s32 s9, $0x9C00;
	[tilespmem:s10+$0x2780] =	vst v0;
	s10 =	smov.u32 s9;
	s9 =	sadd.s32 $0x40, s9  }
.Ltmp0:
0xb: {  	(pc) =	sbr.rel @p0 .LBB2_2-.Ltmp0, $2  }
0xc: {  	_ =	sdelay $0x2  }
0xd: {  	s10 =	sshra.s32 s10, $0x2  }
0xe: {  	[tilespmem:s10+$0x2780] =	vst v0;
	s9 =	simm.s32 $0x0  }
0xf: {  	[tilespmem:s9], [sflag:$0x1] =	stream.linear.gather [hbm4b:s3+s9], $0x2710, $0x38;
	[tilespmem:$0x4F00] =	vst v63  }
0x10: {  	_ =	swait.ge [sflag:s6], $0x2710  }
0x11: {  	[sflag:s6] =	ssyncset.done $0x0  }
0x12: {  	s10 =	simm.s32 $0x0;
	s9 =	simm.s32 $0x40;
	[sflag:s6] =	ssyncadd.s32 $0xFFFFD8F0  }
.LBB2_4:
0x13: {  	p0 =	sne.s32 s9, $0x9C00;
	v2 =	vld [tilespmem:s10+$0x0];
	_ =	sdelay $0x3  }
.Ltmp1:
0x14: {  	(pc) =	sbr.rel @p0 .LBB2_4-.Ltmp1, $2  }
0x15: {  	_ =	sdelay $0x2  }
0x16: {  	s10 =	sshra.s32 s9, $0x2;
	s9 =	sadd.s32 $0x40, s9;
	[tilespmem:v2+s7+$0x0] =	vst.idx.add.f32.msk $0xffff, v1  }
0x17: {  	v2 =	vld [tilespmem:s10+$0x0];
	_ =	sdelay $0x5  }
0x18: {  	s8 =	sadd.s32 $0x1, s8  }
0x19: {  	p0 =	sne.s32 s8, s5  }
.Ltmp2:
0x1a: {  	[tilespmem:v2+s7+$0x0] =	vst.idx.add.f32.msk $0xffff, v1;
	(pc) =	sbr.rel @p0 .LBB2_1-.Ltmp2, $4  }
0x1b: {  	[hbm4b:s4+s2] =	stream.linear.scatter [tilespmem:s7], [sflag:$0x1], $0x2710, $0x38;
	[tilespmem:$0x4F00] =	vst v63  }
0x1c: {  	_ =	swait.ge [sflag:s6], $0x2710  }
0x1d: {  	[sflag:s6] =	ssyncset.done $0x0  }
0x1e: {  	[sflag:s6] =	ssyncadd.s32 $0xFFFFD8F0  }
0x1f: {  	_ =	sfence.sel $0x180000  }
0x20: {  	[bflag:$0x0] =	sbarrier.arrive $0xFFFF  }
0x21: {  	p0 =	sne.s32 s0, $0x0;
	_ =	strace $0x90000047  }
0x22: {  	s0 =	sadd.s32 @!p0 $0x100000, s1;
	[bflag:$0x2] =	sbarrier.arrive $0xFFFF  }
0x23: {  	[sflag:s0] =	ssyncadd.tile.s32 @!p0 $0x1;
	_ =	shalt  }
.Lfunc_end2:
_tile_overlayer_lowered:
.L_overlay_start_2:
0x24: {  	(tag) =	ssettag $0x2  }
0x25: {  	s0 =	rddreg [dreg:$0x0];
	s2 =	stileid.u32  }
0x26: {  	s1 =	rddreg [dreg:$0x1];
	p0 =	sne.s32 s2, $0x0  }
0x27: {  	s3 =	rddreg [dreg:$0x2];
	[bflag:$0x3] =	sbarrier.arrive $0xFFFF;
	s2 =	simm.s32 @!p0 $0x1C01  }
0x28: {  	[timem:s3], [sflag:s2] =	dma.local @!p0 [hbm:s0], s1  }
0x29: {  	s0 =	simm.s32 @!p0 $0x1  }
0x2a: {  	_ =	swait.ge @!p0 [sflag:s0], s1  }
0x2b: {  	s1 =	ssub.s32 @!p0 $0x0, s1;
	[sflag:s0] =	ssyncset.done @!p0 $0x0  }
0x2c: {  	[sflag:s0] =	ssyncadd.s32 @!p0 s1  }
0x2d: {  	[bflag:$0x3] =	sbarrier.arrive $0xFFFF  }
0x2e: {  	_ =	shalt  }

</sc_bundles>
